<compile_context>
chip_gen: v7x
topology: tpu7x:2x2x1
jax: 0.10.2.dev20260603
libtpu: 0.0.44.dev20260713+nightly
codegen_flags: <defaults>
</compile_context>

<pallas_src>
import functools

import jax
import jax.numpy as jnp
from jax import lax
from jax.experimental import pallas as pl
from jax.experimental.pallas import tpu as pltpu
from jax.experimental.pallas import tpu_sc as plsc

B = 16384
C = 5
V = 1000000
D = 64

NC = 2
NS = 16
NW = NC * NS
BPW = B // NW
CBT = 16
NCHUNK = BPW // CBT
XPC = CBT * C

TCW = 2048
NBLK = (V + TCW - 1) // TCW
STC_ROWS = NBLK * TCW // 2


def _tc_transpose_body(x_ref, o_ref):
    x = x_ref[...]
    eye = jnp.eye(D, dtype=jnp.float32)
    t = lax.dot_general(x, eye, (((0,), (0,)), ((), ())),
                        preferred_element_type=jnp.float32)
    o_ref[...] = jnp.concatenate([t[0:TCW // 2], t[TCW // 2:]], axis=1)[None]


_tc_transpose = pl.pallas_call(
    _tc_transpose_body,
    grid=(NBLK,),
    in_specs=[pl.BlockSpec((D, TCW), lambda i: (0, i))],
    out_specs=pl.BlockSpec((1, TCW // 2, 2 * D), lambda i: (i, 0, 0)),
    out_shape=jax.ShapeDtypeStruct((NBLK, TCW // 2, 2 * D), jnp.float32),
)


def _sc_body(tq_hbm, tr_hbm, xq_hbm, st_hbm, ct_hbm, out_hbm,
             tq_v, tr_v, xq_v, out_v, tt0, xt0, tt1, xt1, sem_t, sem_x):
    w = lax.axis_index("s") * NC + lax.axis_index("c")
    lane = lax.iota(jnp.int32, 16)
    pltpu.sync_copy(tq_hbm.at[pl.ds(w * BPW, BPW)], tq_v)
    pltpu.sync_copy(tr_hbm.at[pl.ds(w * BPW, BPW)], tr_v)
    pltpu.sync_copy(xq_hbm.at[pl.ds(w * BPW * C, BPW * C)], xq_v)

    tbufs = (tt0, tt1)
    xbufs = (xt0, xt1)

    def fire(q, tbuf, xbuf):
        pltpu.async_copy(st_hbm.at[tq_v.at[pl.ds(q * CBT, CBT)]], tbuf, sem_t)
        pltpu.async_copy(ct_hbm.at[xq_v.at[pl.ds(q * XPC, XPC)]], xbuf, sem_x)

    def drain(tbuf, xbuf):
        pltpu.make_async_copy(st_hbm.at[pl.ds(0, CBT)], tbuf, sem_t).wait()
        pltpu.make_async_copy(ct_hbm.at[pl.ds(0, XPC)], xbuf, sem_x).wait()

    fire(jnp.int32(0), tbufs[0], xbufs[0])

    def outer(ob, carry):
        for par in range(2):
            q = ob * 2 + par
            fire(jnp.minimum(q + 1, NCHUNK - 1),
                 tbufs[(par + 1) % 2], xbufs[(par + 1) % 2])
            drain(tbufs[par], xbufs[par])
            tbuf = tbufs[par]
            xbuf = xbufs[par]
            for g in range(C):
                pp = g * 16 + lane
                trow = pp // C
                tb = plsc.load_gather(tr_v, [q * CBT + trow])
                acc0 = jnp.zeros((16,), jnp.float32)
                acc1 = jnp.zeros((16,), jnp.float32)

                def dstep(k, accs):
                    a0, a1 = accs
                    d0 = k * 2
                    dv0 = jnp.full((16,), d0, jnp.int32)
                    dv1 = jnp.full((16,), d0 + 1, jnp.int32)
                    t0 = plsc.load_gather(tbuf, [trow, tb + dv0])
                    x0 = plsc.load_gather(xbuf, [pp, dv0])
                    t1 = plsc.load_gather(tbuf, [trow, tb + dv1])
                    x1 = plsc.load_gather(xbuf, [pp, dv1])
                    return a0 + t0 * x0, a1 + t1 * x1

                acc0, acc1 = lax.fori_loop(0, D // 2, dstep, (acc0, acc1),
                                           unroll=4)
                out_v[pl.ds(q * XPC + g * 16, 16)] = acc0 + acc1
        return carry

    lax.fori_loop(0, NCHUNK // 2, outer, 0)
    drain(tbufs[0], xbufs[0])
    pltpu.sync_copy(out_v, out_hbm.at[pl.ds(w * BPW * C, BPW * C)])


_mesh = plsc.VectorSubcoreMesh(core_axis_name="c", subcore_axis_name="s")

_skipgram_sc = functools.partial(
    pl.kernel,
    out_type=jax.ShapeDtypeStruct((B * C,), jnp.float32),
    mesh=_mesh,
    scratch_types=[
        pltpu.VMEM((BPW,), jnp.int32),
        pltpu.VMEM((BPW,), jnp.int32),
        pltpu.VMEM((BPW * C,), jnp.int32),
        pltpu.VMEM((BPW * C,), jnp.float32),
        pltpu.VMEM((CBT, 2 * D), jnp.float32),
        pltpu.VMEM((XPC, D), jnp.float32),
        pltpu.VMEM((CBT, 2 * D), jnp.float32),
        pltpu.VMEM((XPC, D), jnp.float32),
        pltpu.SemaphoreType.DMA,
        pltpu.SemaphoreType.DMA,
    ],
    compiler_params=pltpu.CompilerParams(
        needs_layout_passes=False, use_tc_tiling_on_sc=False),
)(_sc_body)


def kernel(target, context, skipgram_table, context_table):
    tgt = target.astype(jnp.int32)
    ctx = context.astype(jnp.int32).reshape(B * C)
    st_c = _tc_transpose(skipgram_table.T).reshape(STC_ROWS, 2 * D)
    tq = ((tgt >> 11) << 10) | (tgt & 1023)
    tr = ((tgt >> 10) & 1) << 6
    out = _skipgram_sc(tq, tr, ctx, st_c, context_table)
    return out.reshape(B, C)

# --- scband reference (transcript-rebuilt; emitter-appended) ---
"""Pipeline reference for scband-skipgram-74844100100848 (READ-ONLY COPY).

The authoritative reference and input builder live on the scoring server;
editing this copy changes nothing except your own understanding.
"""

import jax, jax.numpy as jnp
import numpy as np

B = 16384
C = 5
V = 1000000
D = 64

def setup_inputs(seed: int = 0) -> dict:
    key = jax.random.key(seed)
    k1, k2, k3, k4 = jax.random.split(key, 4)
    target = jax.random.randint(k1, (B,), 0, V)
    context = jax.random.randint(k2, (B, C), 0, V)
    # Keras Embedding default 'uniform' initializer: U(-0.05, 0.05)
    skipgram_table = jax.random.uniform(k3, (V, D), minval=-0.05, maxval=0.05, dtype=jnp.float32)
    context_table = jax.random.uniform(k4, (V, D), minval=-0.05, maxval=0.05, dtype=jnp.float32)
    return {"target": target, "context": context, "skipgram_table": skipgram_table, "context_table": context_table}

def reference(target, context, skipgram_table, context_table):
    # target: int[B], context: int[B, C]
    target_vectors = jnp.take(skipgram_table, target, axis=0)      # [B, D]
    context_vectors = jnp.take(context_table, context, axis=0)     # [B, C, D]
    target_vectors = jnp.expand_dims(target_vectors, axis=2)        # [B, D, 1]
    products = jnp.squeeze(jnp.matmul(context_vectors, target_vectors), axis=-1)  # [B, C]
    return products

if __name__ == "__main__":
    import jax
    _d = setup_inputs()
    print(jax.jit(kernel)(*tuple(_d.values())))

</pallas_src>

<mosaic_0001>
#map = affine_map<(d0, d1) -> (0)>
#map1 = affine_map<(d0, d1) -> (0, 0)>
module attributes {stable_mosaic.version = 14 : i64} {
  func.func @_sc_body(%arg0: i32, %arg1: i32, %arg2: memref<16384xi32, #tpu.memory_space<hbm>>, %arg3: memref<16384xi32, #tpu.memory_space<hbm>>, %arg4: memref<81920xi32, #tpu.memory_space<hbm>>, %arg5: memref<500736x128xf32, #tpu.memory_space<hbm>>, %arg6: memref<1000000x64xf32, #tpu.memory_space<hbm>>, %arg7: memref<81920xf32, #tpu.memory_space<hbm>>, %arg8: memref<512xi32, #tpu.memory_space<vmem>>, %arg9: memref<512xi32, #tpu.memory_space<vmem>>, %arg10: memref<2560xi32, #tpu.memory_space<vmem>>, %arg11: memref<2560xf32, #tpu.memory_space<vmem>>, %arg12: memref<16x128xf32, #tpu.memory_space<vmem>>, %arg13: memref<80x64xf32, #tpu.memory_space<vmem>>, %arg14: memref<16x128xf32, #tpu.memory_space<vmem>>, %arg15: memref<80x64xf32, #tpu.memory_space<vmem>>, %arg16: memref<!tpu.dma_semaphore, #tpu.memory_space<semaphore_mem>>, %arg17: memref<!tpu.dma_semaphore, #tpu.memory_space<semaphore_mem>>) attributes {dimension_semantics = [#tpu.dimension_semantics<core_parallel>, #tpu.dimension_semantics<subcore_parallel>], iteration_bounds = array<i64: 2, 16>, scalar_prefetch = 0 : i64, scratch_operands = 10 : i64, tpu.core_type = #tpu.core_type<sc_vector_subcore>, window_params = [{transform_indices = #map}, {transform_indices = #map}, {transform_indices = #map}, {transform_indices = #map1}, {transform_indices = #map1}, {transform_indices = #map}]} {
    %mul3A = arith.constant 2 : i32
    %mul3A_0 = arith.muli %arg1, %mul3A : i32
    %add3A = arith.addi %mul3A_0, %arg0 : i32
    %iota3A = tpu.iota {dimensions = array<i32: 0>} : vector<16xi32>
    %mul3A_1 = arith.constant 512 : i32
    %mul3A_2 = arith.muli %add3A, %mul3A_1 : i32
    "tpu.region"() ({
      %run_scoped3A = tpu.sem_alloc : memref<!tpu.dma_semaphore, #tpu.memory_space<semaphore_mem>>
      %dma_start3A_42 = tpu.memref_slice %arg2[%mul3A_2] : memref<16384xi32, #tpu.memory_space<hbm>> -> memref<512xi32, #tpu.memory_space<hbm>>
      %dma_start3A_43 = tpu.memref_slice %arg2[%mul3A_2] : memref<16384xi32, #tpu.memory_space<hbm>> -> memref<512xi32, #tpu.memory_space<hbm>>
      tpu.enqueue_dma source(%dma_start3A_43 : memref<512xi32, #tpu.memory_space<hbm>>) target(%arg8 : memref<512xi32, #tpu.memory_space<vmem>>) target_semaphore(%run_scoped3A : memref<!tpu.dma_semaphore, #tpu.memory_space<semaphore_mem>>)
      %dma_wait3A_44 = tpu.memref_slice %arg2[%mul3A_2] : memref<16384xi32, #tpu.memory_space<hbm>> -> memref<512xi32, #tpu.memory_space<hbm>>
      %dma_wait3A_45 = tpu.memref_slice %arg2[%mul3A_2] : memref<16384xi32, #tpu.memory_space<hbm>> -> memref<512xi32, #tpu.memory_space<hbm>>
      tpu.wait_dma2 semaphore(%run_scoped3A : memref<!tpu.dma_semaphore, #tpu.memory_space<semaphore_mem>>) src(%dma_wait3A_45 : memref<512xi32, #tpu.memory_space<hbm>>) dst(%arg8 : memref<512xi32, #tpu.memory_space<vmem>>)
      tpu.yield
    }) : () -> ()
    %mul3A_3 = arith.constant 512 : i32
    %mul3A_4 = arith.muli %add3A, %mul3A_3 : i32
    "tpu.region"() ({
      %run_scoped3A = tpu.sem_alloc : memref<!tpu.dma_semaphore, #tpu.memory_space<semaphore_mem>>
      %dma_start3A_42 = tpu.memref_slice %arg3[%mul3A_4] : memref<16384xi32, #tpu.memory_space<hbm>> -> memref<512xi32, #tpu.memory_space<hbm>>
      %dma_start3A_43 = tpu.memref_slice %arg3[%mul3A_4] : memref<16384xi32, #tpu.memory_space<hbm>> -> memref<512xi32, #tpu.memory_space<hbm>>
      tpu.enqueue_dma source(%dma_start3A_43 : memref<512xi32, #tpu.memory_space<hbm>>) target(%arg9 : memref<512xi32, #tpu.memory_space<vmem>>) target_semaphore(%run_scoped3A : memref<!tpu.dma_semaphore, #tpu.memory_space<semaphore_mem>>)
      %dma_wait3A_44 = tpu.memref_slice %arg3[%mul3A_4] : memref<16384xi32, #tpu.memory_space<hbm>> -> memref<512xi32, #tpu.memory_space<hbm>>
      %dma_wait3A_45 = tpu.memref_slice %arg3[%mul3A_4] : memref<16384xi32, #tpu.memory_space<hbm>> -> memref<512xi32, #tpu.memory_space<hbm>>
      tpu.wait_dma2 semaphore(%run_scoped3A : memref<!tpu.dma_semaphore, #tpu.memory_space<semaphore_mem>>) src(%dma_wait3A_45 : memref<512xi32, #tpu.memory_space<hbm>>) dst(%arg9 : memref<512xi32, #tpu.memory_space<vmem>>)
      tpu.yield
    }) : () -> ()
    %mul3A_5 = arith.constant 512 : i32
    %mul3A_6 = arith.muli %add3A, %mul3A_5 : i32
    %mul3A_7 = arith.constant 5 : i32
    %mul3A_8 = arith.muli %mul3A_6, %mul3A_7 : i32
    "tpu.region"() ({
      %run_scoped3A = tpu.sem_alloc : memref<!tpu.dma_semaphore, #tpu.memory_space<semaphore_mem>>
      %dma_start3A_42 = tpu.memref_slice %arg4[%mul3A_8] : memref<81920xi32, #tpu.memory_space<hbm>> -> memref<2560xi32, #tpu.memory_space<hbm>>
      %dma_start3A_43 = tpu.memref_slice %arg4[%mul3A_8] : memref<81920xi32, #tpu.memory_space<hbm>> -> memref<2560xi32, #tpu.memory_space<hbm>>
      tpu.enqueue_dma source(%dma_start3A_43 : memref<2560xi32, #tpu.memory_space<hbm>>) target(%arg10 : memref<2560xi32, #tpu.memory_space<vmem>>) target_semaphore(%run_scoped3A : memref<!tpu.dma_semaphore, #tpu.memory_space<semaphore_mem>>)
      %dma_wait3A_44 = tpu.memref_slice %arg4[%mul3A_8] : memref<81920xi32, #tpu.memory_space<hbm>> -> memref<2560xi32, #tpu.memory_space<hbm>>
      %dma_wait3A_45 = tpu.memref_slice %arg4[%mul3A_8] : memref<81920xi32, #tpu.memory_space<hbm>> -> memref<2560xi32, #tpu.memory_space<hbm>>
      tpu.wait_dma2 semaphore(%run_scoped3A : memref<!tpu.dma_semaphore, #tpu.memory_space<semaphore_mem>>) src(%dma_wait3A_45 : memref<2560xi32, #tpu.memory_space<hbm>>) dst(%arg10 : memref<2560xi32, #tpu.memory_space<vmem>>)
      tpu.yield
    }) : () -> ()
    %mul3A_9 = arith.constant 0 : i32
    %mul3A_10 = arith.constant 16 : i32
    %mul3A_11 = arith.muli %mul3A_9, %mul3A_10 : i32
    %dma_start3A = tpu.memref_slice %arg8[%mul3A_11] : memref<512xi32, #tpu.memory_space<vmem>> -> memref<16xi32, #tpu.memory_space<vmem>>
    %dma_start3A_12 = arith.constant 0 : i32
    %dma_start3A_13 = arith.constant 0 : i32
    %dma_start3A_14 = tpu.memref_slice %arg5[%dma_start3A_12, %dma_start3A_13] : memref<500736x128xf32, #tpu.memory_space<hbm>> -> memref<500736x128xf32, #tpu.memory_space<hbm>>
    tpu.enqueue_indirect_dma source(%dma_start3A_14 : memref<500736x128xf32, #tpu.memory_space<hbm>>) target(%arg12 : memref<16x128xf32, #tpu.memory_space<vmem>>) offsets(%dma_start3A : memref<16xi32, #tpu.memory_space<vmem>>) semaphore(%arg16 : memref<!tpu.dma_semaphore, #tpu.memory_space<semaphore_mem>>)
    %mul3A_15 = arith.constant 0 : i32
    %mul3A_16 = arith.constant 80 : i32
    %mul3A_17 = arith.muli %mul3A_15, %mul3A_16 : i32
    %dma_start3A_18 = tpu.memref_slice %arg10[%mul3A_17] : memref<2560xi32, #tpu.memory_space<vmem>> -> memref<80xi32, #tpu.memory_space<vmem>>
    %dma_start3A_19 = arith.constant 0 : i32
    %dma_start3A_20 = arith.constant 0 : i32
    %dma_start3A_21 = tpu.memref_slice %arg6[%dma_start3A_19, %dma_start3A_20] : memref<1000000x64xf32, #tpu.memory_space<hbm>> -> memref<1000000x64xf32, #tpu.memory_space<hbm>>
    tpu.enqueue_indirect_dma source(%dma_start3A_21 : memref<1000000x64xf32, #tpu.memory_space<hbm>>) target(%arg13 : memref<80x64xf32, #tpu.memory_space<vmem>>) offsets(%dma_start3A_18 : memref<80xi32, #tpu.memory_space<vmem>>) semaphore(%arg17 : memref<!tpu.dma_semaphore, #tpu.memory_space<semaphore_mem>>)
    %scan3A = arith.constant 0 : i32
    %scan3A_22 = arith.constant 0 : i32
    %scan3A_23 = arith.constant 16 : i32
    %scan3A_24 = arith.addi %scan3A_22, %scan3A_23 : i32
    %scan3A_25 = arith.constant 1 : i32
    scf.for %scan3A_42 = %scan3A_22 to %scan3A_24 step %scan3A_25  : i32 {
      %mul3A_43 = arith.constant 2 : i32
      %mul3A_44 = arith.muli %scan3A_42, %mul3A_43 : i32
      %add3A_45 = arith.constant 0 : i32
      %add3A_46 = arith.addi %mul3A_44, %add3A_45 : i32
      %add3A_47 = arith.constant 1 : i32
      %add3A_48 = arith.addi %add3A_46, %add3A_47 : i32
      %min3A = arith.constant 31 : i32
      %min3A_49 = arith.minsi %add3A_48, %min3A : i32
      %mul3A_50 = arith.constant 16 : i32
      %mul3A_51 = arith.muli %min3A_49, %mul3A_50 : i32
      %dma_start3A_52 = tpu.memref_slice %arg8[%mul3A_51] : memref<512xi32, #tpu.memory_space<vmem>> -> memref<16xi32, #tpu.memory_space<vmem>>
      %dma_start3A_53 = arith.constant 0 : i32
      %dma_start3A_54 = arith.constant 0 : i32
      %dma_start3A_55 = tpu.memref_slice %arg5[%dma_start3A_53, %dma_start3A_54] : memref<500736x128xf32, #tpu.memory_space<hbm>> -> memref<500736x128xf32, #tpu.memory_space<hbm>>
      tpu.enqueue_indirect_dma source(%dma_start3A_55 : memref<500736x128xf32, #tpu.memory_space<hbm>>) target(%arg14 : memref<16x128xf32, #tpu.memory_space<vmem>>) offsets(%dma_start3A_52 : memref<16xi32, #tpu.memory_space<vmem>>) semaphore(%arg16 : memref<!tpu.dma_semaphore, #tpu.memory_space<semaphore_mem>>)
      %mul3A_56 = arith.constant 80 : i32
      %mul3A_57 = arith.muli %min3A_49, %mul3A_56 : i32
      %dma_start3A_58 = tpu.memref_slice %arg10[%mul3A_57] : memref<2560xi32, #tpu.memory_space<vmem>> -> memref<80xi32, #tpu.memory_space<vmem>>
      %dma_start3A_59 = arith.constant 0 : i32
      %dma_start3A_60 = arith.constant 0 : i32
      %dma_start3A_61 = tpu.memref_slice %arg6[%dma_start3A_59, %dma_start3A_60] : memref<1000000x64xf32, #tpu.memory_space<hbm>> -> memref<1000000x64xf32, #tpu.memory_space<hbm>>
      tpu.enqueue_indirect_dma source(%dma_start3A_61 : memref<1000000x64xf32, #tpu.memory_space<hbm>>) target(%arg15 : memref<80x64xf32, #tpu.memory_space<vmem>>) offsets(%dma_start3A_58 : memref<80xi32, #tpu.memory_space<vmem>>) semaphore(%arg17 : memref<!tpu.dma_semaphore, #tpu.memory_space<semaphore_mem>>)
      %dma_wait3A_62 = arith.constant 0 : i32
      %dma_wait3A_63 = arith.constant 0 : i32
      %dma_wait3A_64 = tpu.memref_slice %arg5[%dma_wait3A_62, %dma_wait3A_63] : memref<500736x128xf32, #tpu.memory_space<hbm>> -> memref<16x128xf32, #tpu.memory_space<hbm>>
      %dma_wait3A_65 = arith.constant 0 : i32
      %dma_wait3A_66 = arith.constant 0 : i32
      %dma_wait3A_67 = tpu.memref_slice %arg5[%dma_wait3A_65, %dma_wait3A_66] : memref<500736x128xf32, #tpu.memory_space<hbm>> -> memref<16x128xf32, #tpu.memory_space<hbm>>
      tpu.wait_dma2 semaphore(%arg16 : memref<!tpu.dma_semaphore, #tpu.memory_space<semaphore_mem>>) src(%dma_wait3A_67 : memref<16x128xf32, #tpu.memory_space<hbm>>) dst(%arg12 : memref<16x128xf32, #tpu.memory_space<vmem>>)
      %dma_wait3A_68 = arith.constant 0 : i32
      %dma_wait3A_69 = arith.constant 0 : i32
      %dma_wait3A_70 = tpu.memref_slice %arg6[%dma_wait3A_68, %dma_wait3A_69] : memref<1000000x64xf32, #tpu.memory_space<hbm>> -> memref<80x64xf32, #tpu.memory_space<hbm>>
      %dma_wait3A_71 = arith.constant 0 : i32
      %dma_wait3A_72 = arith.constant 0 : i32
      %dma_wait3A_73 = tpu.memref_slice %arg6[%dma_wait3A_71, %dma_wait3A_72] : memref<1000000x64xf32, #tpu.memory_space<hbm>> -> memref<80x64xf32, #tpu.memory_space<hbm>>
      tpu.wait_dma2 semaphore(%arg17 : memref<!tpu.dma_semaphore, #tpu.memory_space<semaphore_mem>>) src(%dma_wait3A_73 : memref<80x64xf32, #tpu.memory_space<hbm>>) dst(%arg13 : memref<80x64xf32, #tpu.memory_space<vmem>>)
      %add3A_74 = arith.constant 0 : i32
      %add3A_75 = vector.broadcast %add3A_74 : i32 to vector<16xi32>
      %add3A_76 = arith.addi %add3A_75, %iota3A : vector<16xi32>
      %jit3A = arith.constant 5 : i32
      %div3A = vector.broadcast %jit3A : i32 to vector<16xi32>
      %div3A_77 = arith.divsi %add3A_76, %div3A : vector<16xi32>
      %sign3A = arith.constant 0 : i32
      %sign3A_78 = vector.broadcast %sign3A : i32 to vector<16xi32>
      %sign3A_79 = arith.cmpi sgt, %add3A_76, %sign3A_78 : vector<16xi32>
      %sign3A_80 = arith.extui %sign3A_79 : vector<16xi1> to vector<16xi32>
      %sign3A_81 = arith.constant 0 : i32
      %sign3A_82 = vector.broadcast %sign3A_81 : i32 to vector<16xi32>
      %sign3A_83 = arith.cmpi slt, %add3A_76, %sign3A_82 : vector<16xi32>
      %sign3A_84 = arith.extui %sign3A_83 : vector<16xi1> to vector<16xi32>
      %sign3A_85 = arith.subi %sign3A_80, %sign3A_84 : vector<16xi32>
      %sign3A_86 = arith.constant 0 : i32
      %sign3A_87 = arith.cmpi sgt, %jit3A, %sign3A_86 : i32
      %sign3A_88 = arith.extui %sign3A_87 : i1 to i32
      %sign3A_89 = arith.constant 0 : i32
      %sign3A_90 = arith.cmpi slt, %jit3A, %sign3A_89 : i32
      %sign3A_91 = arith.extui %sign3A_90 : i1 to i32
      %sign3A_92 = arith.subi %sign3A_88, %sign3A_91 : i32
      %ne3A = vector.broadcast %sign3A_92 : i32 to vector<16xi32>
      %ne3A_93 = arith.cmpi ne, %sign3A_85, %ne3A : vector<16xi32>
      %rem3A = vector.broadcast %jit3A : i32 to vector<16xi32>
      %rem3A_94 = arith.remsi %add3A_76, %rem3A : vector<16xi32>
      %ne3A_95 = arith.constant 0 : i32
      %ne3A_96 = vector.broadcast %ne3A_95 : i32 to vector<16xi32>
      %ne3A_97 = arith.cmpi ne, %rem3A_94, %ne3A_96 : vector<16xi32>
      %and3A = arith.andi %ne3A_93, %ne3A_97 : vector<16xi1>
      %sub3A = arith.constant 1 : i32
      %sub3A_98 = vector.broadcast %sub3A : i32 to vector<16xi32>
      %sub3A_99 = arith.subi %div3A_77, %sub3A_98 : vector<16xi32>
      %select_n3A = arith.select %and3A, %sub3A_99, %div3A_77 : vector<16xi1>, vector<16xi32>
      %mul3A_100 = arith.constant 16 : i32
      %mul3A_101 = arith.muli %add3A_46, %mul3A_100 : i32
      %add3A_102 = vector.broadcast %mul3A_101 : i32 to vector<16xi32>
      %add3A_103 = arith.addi %add3A_102, %select_n3A : vector<16xi32>
      %gather3A = tpu.vector_load_idx %arg9[%add3A_103] : memref<512xi32, #tpu.memory_space<vmem>>[vector<16xi32>], vector<16xi32>,
      %broadcast_in_dim3A = arith.constant 0.000000e+00 : f32
      %broadcast_in_dim3A_104 = vector.broadcast %broadcast_in_dim3A : f32 to vector<16xf32>
      %broadcast_in_dim3A_105 = arith.constant 0.000000e+00 : f32
      %broadcast_in_dim3A_106 = vector.broadcast %broadcast_in_dim3A_105 : f32 to vector<16xf32>
      %scan3A_107 = arith.constant 0 : i32
      %scan3A_108 = arith.constant 32 : i32
      %scan3A_109 = arith.addi %scan3A_107, %scan3A_108 : i32
      %scan3A_110 = arith.constant 4 : i32
      %scan3A_111:2 = scf.for %scan3A_655 = %scan3A_107 to %scan3A_109 step %scan3A_110 iter_args(%scan3A_656 = %broadcast_in_dim3A_104, %scan3A_657 = %broadcast_in_dim3A_106) -> (vector<16xf32>, vector<16xf32>)  : i32 {
        %mul3A_658 = arith.constant 2 : i32
        %mul3A_659 = arith.muli %scan3A_655, %mul3A_658 : i32
        %broadcast_in_dim3A_660 = vector.broadcast %mul3A_659 : i32 to vector<16xi32>
        %add3A_661 = arith.constant 1 : i32
        %add3A_662 = arith.addi %mul3A_659, %add3A_661 : i32
        %broadcast_in_dim3A_663 = vector.broadcast %add3A_662 : i32 to vector<16xi32>
        %add3A_664 = arith.addi %gather3A, %broadcast_in_dim3A_660 : vector<16xi32>
        %gather3A_665 = tpu.vector_load_idx %arg12[%select_n3A, %add3A_664] : memref<16x128xf32, #tpu.memory_space<vmem>>[vector<16xi32>, vector<16xi32>], vector<16xf32>,
        %gather3A_666 = tpu.vector_load_idx %arg13[%add3A_76, %broadcast_in_dim3A_660] : memref<80x64xf32, #tpu.memory_space<vmem>>[vector<16xi32>, vector<16xi32>], vector<16xf32>,
        %add3A_667 = arith.addi %gather3A, %broadcast_in_dim3A_663 : vector<16xi32>
        %gather3A_668 = tpu.vector_load_idx %arg12[%select_n3A, %add3A_667] : memref<16x128xf32, #tpu.memory_space<vmem>>[vector<16xi32>, vector<16xi32>], vector<16xf32>,
        %gather3A_669 = tpu.vector_load_idx %arg13[%add3A_76, %broadcast_in_dim3A_663] : memref<80x64xf32, #tpu.memory_space<vmem>>[vector<16xi32>, vector<16xi32>], vector<16xf32>,
        %mul3A_670 = arith.mulf %gather3A_665, %gather3A_666 : vector<16xf32>
        %add3A_671 = arith.addf %scan3A_656, %mul3A_670 : vector<16xf32>
        %mul3A_672 = arith.mulf %gather3A_668, %gather3A_669 : vector<16xf32>
        %add3A_673 = arith.addf %scan3A_657, %mul3A_672 : vector<16xf32>
        %scan3A_674 = arith.constant 1 : i32
        %scan3A_675 = arith.addi %scan3A_655, %scan3A_674 : i32
        %mul3A_676 = arith.constant 2 : i32
        %mul3A_677 = arith.muli %scan3A_675, %mul3A_676 : i32
        %broadcast_in_dim3A_678 = vector.broadcast %mul3A_677 : i32 to vector<16xi32>
        %add3A_679 = arith.constant 1 : i32
        %add3A_680 = arith.addi %mul3A_677, %add3A_679 : i32
        %broadcast_in_dim3A_681 = vector.broadcast %add3A_680 : i32 to vector<16xi32>
        %add3A_682 = arith.addi %gather3A, %broadcast_in_dim3A_678 : vector<16xi32>
        %gather3A_683 = tpu.vector_load_idx %arg12[%select_n3A, %add3A_682] : memref<16x128xf32, #tpu.memory_space<vmem>>[vector<16xi32>, vector<16xi32>], vector<16xf32>,
        %gather3A_684 = tpu.vector_load_idx %arg13[%add3A_76, %broadcast_in_dim3A_678] : memref<80x64xf32, #tpu.memory_space<vmem>>[vector<16xi32>, vector<16xi32>], vector<16xf32>,
        %add3A_685 = arith.addi %gather3A, %broadcast_in_dim3A_681 : vector<16xi32>
        %gather3A_686 = tpu.vector_load_idx %arg12[%select_n3A, %add3A_685] : memref<16x128xf32, #tpu.memory_space<vmem>>[vector<16xi32>, vector<16xi32>], vector<16xf32>,
        %gather3A_687 = tpu.vector_load_idx %arg13[%add3A_76, %broadcast_in_dim3A_681] : memref<80x64xf32, #tpu.memory_space<vmem>>[vector<16xi32>, vector<16xi32>], vector<16xf32>,
        %mul3A_688 = arith.mulf %gather3A_683, %gather3A_684 : vector<16xf32>
        %add3A_689 = arith.addf %add3A_671, %mul3A_688 : vector<16xf32>
        %mul3A_690 = arith.mulf %gather3A_686, %gather3A_687 : vector<16xf32>
        %add3A_691 = arith.addf %add3A_673, %mul3A_690 : vector<16xf32>
        %scan3A_692 = arith.constant 2 : i32
        %scan3A_693 = arith.addi %scan3A_655, %scan3A_692 : i32
        %mul3A_694 = arith.constant 2 : i32
        %mul3A_695 = arith.muli %scan3A_693, %mul3A_694 : i32
        %broadcast_in_dim3A_696 = vector.broadcast %mul3A_695 : i32 to vector<16xi32>
        %add3A_697 = arith.constant 1 : i32
        %add3A_698 = arith.addi %mul3A_695, %add3A_697 : i32
        %broadcast_in_dim3A_699 = vector.broadcast %add3A_698 : i32 to vector<16xi32>
        %add3A_700 = arith.addi %gather3A, %broadcast_in_dim3A_696 : vector<16xi32>
        %gather3A_701 = tpu.vector_load_idx %arg12[%select_n3A, %add3A_700] : memref<16x128xf32, #tpu.memory_space<vmem>>[vector<16xi32>, vector<16xi32>], vector<16xf32>,
        %gather3A_702 = tpu.vector_load_idx %arg13[%add3A_76, %broadcast_in_dim3A_696] : memref<80x64xf32, #tpu.memory_space<vmem>>[vector<16xi32>, vector<16xi32>], vector<16xf32>,
        %add3A_703 = arith.addi %gather3A, %broadcast_in_dim3A_699 : vector<16xi32>
        %gather3A_704 = tpu.vector_load_idx %arg12[%select_n3A, %add3A_703] : memref<16x128xf32, #tpu.memory_space<vmem>>[vector<16xi32>, vector<16xi32>], vector<16xf32>,
        %gather3A_705 = tpu.vector_load_idx %arg13[%add3A_76, %broadcast_in_dim3A_699] : memref<80x64xf32, #tpu.memory_space<vmem>>[vector<16xi32>, vector<16xi32>], vector<16xf32>,
        %mul3A_706 = arith.mulf %gather3A_701, %gather3A_702 : vector<16xf32>
        %add3A_707 = arith.addf %add3A_689, %mul3A_706 : vector<16xf32>
        %mul3A_708 = arith.mulf %gather3A_704, %gather3A_705 : vector<16xf32>
        %add3A_709 = arith.addf %add3A_691, %mul3A_708 : vector<16xf32>
        %scan3A_710 = arith.constant 3 : i32
        %scan3A_711 = arith.addi %scan3A_655, %scan3A_710 : i32
        %mul3A_712 = arith.constant 2 : i32
        %mul3A_713 = arith.muli %scan3A_711, %mul3A_712 : i32
        %broadcast_in_dim3A_714 = vector.broadcast %mul3A_713 : i32 to vector<16xi32>
        %add3A_715 = arith.constant 1 : i32
        %add3A_716 = arith.addi %mul3A_713, %add3A_715 : i32
        %broadcast_in_dim3A_717 = vector.broadcast %add3A_716 : i32 to vector<16xi32>
        %add3A_718 = arith.addi %gather3A, %broadcast_in_dim3A_714 : vector<16xi32>
        %gather3A_719 = tpu.vector_load_idx %arg12[%select_n3A, %add3A_718] : memref<16x128xf32, #tpu.memory_space<vmem>>[vector<16xi32>, vector<16xi32>], vector<16xf32>,
        %gather3A_720 = tpu.vector_load_idx %arg13[%add3A_76, %broadcast_in_dim3A_714] : memref<80x64xf32, #tpu.memory_space<vmem>>[vector<16xi32>, vector<16xi32>], vector<16xf32>,
        %add3A_721 = arith.addi %gather3A, %broadcast_in_dim3A_717 : vector<16xi32>
        %gather3A_722 = tpu.vector_load_idx %arg12[%select_n3A, %add3A_721] : memref<16x128xf32, #tpu.memory_space<vmem>>[vector<16xi32>, vector<16xi32>], vector<16xf32>,
        %gather3A_723 = tpu.vector_load_idx %arg13[%add3A_76, %broadcast_in_dim3A_717] : memref<80x64xf32, #tpu.memory_space<vmem>>[vector<16xi32>, vector<16xi32>], vector<16xf32>,
        %mul3A_724 = arith.mulf %gather3A_719, %gather3A_720 : vector<16xf32>
        %add3A_725 = arith.addf %add3A_707, %mul3A_724 : vector<16xf32>
        %mul3A_726 = arith.mulf %gather3A_722, %gather3A_723 : vector<16xf32>
        %add3A_727 = arith.addf %add3A_709, %mul3A_726 : vector<16xf32>
        scf.yield %add3A_725, %add3A_727 : vector<16xf32>, vector<16xf32>
      }
      %scan3A_112 = arith.constant 32 : i32
      %add3A_113 = arith.addf %scan3A_111#0, %scan3A_111#1 : vector<16xf32>
      %mul3A_114 = arith.constant 80 : i32
      %mul3A_115 = arith.muli %add3A_46, %mul3A_114 : i32
      %add3A_116 = arith.constant 0 : i32
      %add3A_117 = arith.addi %mul3A_115, %add3A_116 : i32
      %swap3A = arith.index_cast %add3A_117 : i32 to index
      %swap3A_118 = tpu.vector_load %arg11[%swap3A] {strides = array<i32>} : memref<2560xf32, #tpu.memory_space<vmem>>, vector<16xf32>,
      tpu.vector_store %arg11[%swap3A], %add3A_113 {strides = array<i32>} : memref<2560xf32, #tpu.memory_space<vmem>>, vector<16xf32>,
      %add3A_119 = arith.constant 16 : i32
      %add3A_120 = vector.broadcast %add3A_119 : i32 to vector<16xi32>
      %add3A_121 = arith.addi %add3A_120, %iota3A : vector<16xi32>
      %jit3A_122 = arith.constant 5 : i32
      %div3A_123 = vector.broadcast %jit3A_122 : i32 to vector<16xi32>
      %div3A_124 = arith.divsi %add3A_121, %div3A_123 : vector<16xi32>
      %sign3A_125 = arith.constant 0 : i32
      %sign3A_126 = vector.broadcast %sign3A_125 : i32 to vector<16xi32>
      %sign3A_127 = arith.cmpi sgt, %add3A_121, %sign3A_126 : vector<16xi32>
      %sign3A_128 = arith.extui %sign3A_127 : vector<16xi1> to vector<16xi32>
      %sign3A_129 = arith.constant 0 : i32
      %sign3A_130 = vector.broadcast %sign3A_129 : i32 to vector<16xi32>
      %sign3A_131 = arith.cmpi slt, %add3A_121, %sign3A_130 : vector<16xi32>
      %sign3A_132 = arith.extui %sign3A_131 : vector<16xi1> to vector<16xi32>
      %sign3A_133 = arith.subi %sign3A_128, %sign3A_132 : vector<16xi32>
      %sign3A_134 = arith.constant 0 : i32
      %sign3A_135 = arith.cmpi sgt, %jit3A_122, %sign3A_134 : i32
      %sign3A_136 = arith.extui %sign3A_135 : i1 to i32
      %sign3A_137 = arith.constant 0 : i32
      %sign3A_138 = arith.cmpi slt, %jit3A_122, %sign3A_137 : i32
      %sign3A_139 = arith.extui %sign3A_138 : i1 to i32
      %sign3A_140 = arith.subi %sign3A_136, %sign3A_139 : i32
      %ne3A_141 = vector.broadcast %sign3A_140 : i32 to vector<16xi32>
      %ne3A_142 = arith.cmpi ne, %sign3A_133, %ne3A_141 : vector<16xi32>
      %rem3A_143 = vector.broadcast %jit3A_122 : i32 to vector<16xi32>
      %rem3A_144 = arith.remsi %add3A_121, %rem3A_143 : vector<16xi32>
      %ne3A_145 = arith.constant 0 : i32
      %ne3A_146 = vector.broadcast %ne3A_145 : i32 to vector<16xi32>
      %ne3A_147 = arith.cmpi ne, %rem3A_144, %ne3A_146 : vector<16xi32>
      %and3A_148 = arith.andi %ne3A_142, %ne3A_147 : vector<16xi1>
      %sub3A_149 = arith.constant 1 : i32
      %sub3A_150 = vector.broadcast %sub3A_149 : i32 to vector<16xi32>
      %sub3A_151 = arith.subi %div3A_124, %sub3A_150 : vector<16xi32>
      %select_n3A_152 = arith.select %and3A_148, %sub3A_151, %div3A_124 : vector<16xi1>, vector<16xi32>
      %mul3A_153 = arith.constant 16 : i32
      %mul3A_154 = arith.muli %add3A_46, %mul3A_153 : i32
      %add3A_155 = vector.broadcast %mul3A_154 : i32 to vector<16xi32>
      %add3A_156 = arith.addi %add3A_155, %select_n3A_152 : vector<16xi32>
      %gather3A_157 = tpu.vector_load_idx %arg9[%add3A_156] : memref<512xi32, #tpu.memory_space<vmem>>[vector<16xi32>], vector<16xi32>,
      %broadcast_in_dim3A_158 = arith.constant 0.000000e+00 : f32
      %broadcast_in_dim3A_159 = vector.broadcast %broadcast_in_dim3A_158 : f32 to vector<16xf32>
      %broadcast_in_dim3A_160 = arith.constant 0.000000e+00 : f32
      %broadcast_in_dim3A_161 = vector.broadcast %broadcast_in_dim3A_160 : f32 to vector<16xf32>
      %scan3A_162 = arith.constant 0 : i32
      %scan3A_163 = arith.constant 32 : i32
      %scan3A_164 = arith.addi %scan3A_162, %scan3A_163 : i32
      %scan3A_165 = arith.constant 4 : i32
      %scan3A_166:2 = scf.for %scan3A_655 = %scan3A_162 to %scan3A_164 step %scan3A_165 iter_args(%scan3A_656 = %broadcast_in_dim3A_159, %scan3A_657 = %broadcast_in_dim3A_161) -> (vector<16xf32>, vector<16xf32>)  : i32 {
        %mul3A_658 = arith.constant 2 : i32
        %mul3A_659 = arith.muli %scan3A_655, %mul3A_658 : i32
        %broadcast_in_dim3A_660 = vector.broadcast %mul3A_659 : i32 to vector<16xi32>
        %add3A_661 = arith.constant 1 : i32
        %add3A_662 = arith.addi %mul3A_659, %add3A_661 : i32
        %broadcast_in_dim3A_663 = vector.broadcast %add3A_662 : i32 to vector<16xi32>
        %add3A_664 = arith.addi %gather3A_157, %broadcast_in_dim3A_660 : vector<16xi32>
        %gather3A_665 = tpu.vector_load_idx %arg12[%select_n3A_152, %add3A_664] : memref<16x128xf32, #tpu.memory_space<vmem>>[vector<16xi32>, vector<16xi32>], vector<16xf32>,
        %gather3A_666 = tpu.vector_load_idx %arg13[%add3A_121, %broadcast_in_dim3A_660] : memref<80x64xf32, #tpu.memory_space<vmem>>[vector<16xi32>, vector<16xi32>], vector<16xf32>,
        %add3A_667 = arith.addi %gather3A_157, %broadcast_in_dim3A_663 : vector<16xi32>
        %gather3A_668 = tpu.vector_load_idx %arg12[%select_n3A_152, %add3A_667] : memref<16x128xf32, #tpu.memory_space<vmem>>[vector<16xi32>, vector<16xi32>], vector<16xf32>,
        %gather3A_669 = tpu.vector_load_idx %arg13[%add3A_121, %broadcast_in_dim3A_663] : memref<80x64xf32, #tpu.memory_space<vmem>>[vector<16xi32>, vector<16xi32>], vector<16xf32>,
        %mul3A_670 = arith.mulf %gather3A_665, %gather3A_666 : vector<16xf32>
        %add3A_671 = arith.addf %scan3A_656, %mul3A_670 : vector<16xf32>
        %mul3A_672 = arith.mulf %gather3A_668, %gather3A_669 : vector<16xf32>
        %add3A_673 = arith.addf %scan3A_657, %mul3A_672 : vector<16xf32>
        %scan3A_674 = arith.constant 1 : i32
        %scan3A_675 = arith.addi %scan3A_655, %scan3A_674 : i32
        %mul3A_676 = arith.constant 2 : i32
        %mul3A_677 = arith.muli %scan3A_675, %mul3A_676 : i32
        %broadcast_in_dim3A_678 = vector.broadcast %mul3A_677 : i32 to vector<16xi32>
        %add3A_679 = arith.constant 1 : i32
        %add3A_680 = arith.addi %mul3A_677, %add3A_679 : i32
        %broadcast_in_dim3A_681 = vector.broadcast %add3A_680 : i32 to vector<16xi32>
        %add3A_682 = arith.addi %gather3A_157, %broadcast_in_dim3A_678 : vector<16xi32>
        %gather3A_683 = tpu.vector_load_idx %arg12[%select_n3A_152, %add3A_682] : memref<16x128xf32, #tpu.memory_space<vmem>>[vector<16xi32>, vector<16xi32>], vector<16xf32>,
        %gather3A_684 = tpu.vector_load_idx %arg13[%add3A_121, %broadcast_in_dim3A_678] : memref<80x64xf32, #tpu.memory_space<vmem>>[vector<16xi32>, vector<16xi32>], vector<16xf32>,
        %add3A_685 = arith.addi %gather3A_157, %broadcast_in_dim3A_681 : vector<16xi32>
        %gather3A_686 = tpu.vector_load_idx %arg12[%select_n3A_152, %add3A_685] : memref<16x128xf32, #tpu.memory_space<vmem>>[vector<16xi32>, vector<16xi32>], vector<16xf32>,
        %gather3A_687 = tpu.vector_load_idx %arg13[%add3A_121, %broadcast_in_dim3A_681] : memref<80x64xf32, #tpu.memory_space<vmem>>[vector<16xi32>, vector<16xi32>], vector<16xf32>,
        %mul3A_688 = arith.mulf %gather3A_683, %gather3A_684 : vector<16xf32>
        %add3A_689 = arith.addf %add3A_671, %mul3A_688 : vector<16xf32>
        %mul3A_690 = arith.mulf %gather3A_686, %gather3A_687 : vector<16xf32>
        %add3A_691 = arith.addf %add3A_673, %mul3A_690 : vector<16xf32>
        %scan3A_692 = arith.constant 2 : i32
        %scan3A_693 = arith.addi %scan3A_655, %scan3A_692 : i32
        %mul3A_694 = arith.constant 2 : i32
        %mul3A_695 = arith.muli %scan3A_693, %mul3A_694 : i32
        %broadcast_in_dim3A_696 = vector.broadcast %mul3A_695 : i32 to vector<16xi32>
        %add3A_697 = arith.constant 1 : i32
        %add3A_698 = arith.addi %mul3A_695, %add3A_697 : i32
        %broadcast_in_dim3A_699 = vector.broadcast %add3A_698 : i32 to vector<16xi32>
        %add3A_700 = arith.addi %gather3A_157, %broadcast_in_dim3A_696 : vector<16xi32>
        %gather3A_701 = tpu.vector_load_idx %arg12[%select_n3A_152, %add3A_700] : memref<16x128xf32, #tpu.memory_space<vmem>>[vector<16xi32>, vector<16xi32>], vector<16xf32>,
        %gather3A_702 = tpu.vector_load_idx %arg13[%add3A_121, %broadcast_in_dim3A_696] : memref<80x64xf32, #tpu.memory_space<vmem>>[vector<16xi32>, vector<16xi32>], vector<16xf32>,
        %add3A_703 = arith.addi %gather3A_157, %broadcast_in_dim3A_699 : vector<16xi32>
        %gather3A_704 = tpu.vector_load_idx %arg12[%select_n3A_152, %add3A_703] : memref<16x128xf32, #tpu.memory_space<vmem>>[vector<16xi32>, vector<16xi32>], vector<16xf32>,
        %gather3A_705 = tpu.vector_load_idx %arg13[%add3A_121, %broadcast_in_dim3A_699] : memref<80x64xf32, #tpu.memory_space<vmem>>[vector<16xi32>, vector<16xi32>], vector<16xf32>,
        %mul3A_706 = arith.mulf %gather3A_701, %gather3A_702 : vector<16xf32>
        %add3A_707 = arith.addf %add3A_689, %mul3A_706 : vector<16xf32>
        %mul3A_708 = arith.mulf %gather3A_704, %gather3A_705 : vector<16xf32>
        %add3A_709 = arith.addf %add3A_691, %mul3A_708 : vector<16xf32>
        %scan3A_710 = arith.constant 3 : i32
        %scan3A_711 = arith.addi %scan3A_655, %scan3A_710 : i32
        %mul3A_712 = arith.constant 2 : i32
        %mul3A_713 = arith.muli %scan3A_711, %mul3A_712 : i32
        %broadcast_in_dim3A_714 = vector.broadcast %mul3A_713 : i32 to vector<16xi32>
        %add3A_715 = arith.constant 1 : i32
        %add3A_716 = arith.addi %mul3A_713, %add3A_715 : i32
        %broadcast_in_dim3A_717 = vector.broadcast %add3A_716 : i32 to vector<16xi32>
        %add3A_718 = arith.addi %gather3A_157, %broadcast_in_dim3A_714 : vector<16xi32>
        %gather3A_719 = tpu.vector_load_idx %arg12[%select_n3A_152, %add3A_718] : memref<16x128xf32, #tpu.memory_space<vmem>>[vector<16xi32>, vector<16xi32>], vector<16xf32>,
        %gather3A_720 = tpu.vector_load_idx %arg13[%add3A_121, %broadcast_in_dim3A_714] : memref<80x64xf32, #tpu.memory_space<vmem>>[vector<16xi32>, vector<16xi32>], vector<16xf32>,
        %add3A_721 = arith.addi %gather3A_157, %broadcast_in_dim3A_717 : vector<16xi32>
        %gather3A_722 = tpu.vector_load_idx %arg12[%select_n3A_152, %add3A_721] : memref<16x128xf32, #tpu.memory_space<vmem>>[vector<16xi32>, vector<16xi32>], vector<16xf32>,
        %gather3A_723 = tpu.vector_load_idx %arg13[%add3A_121, %broadcast_in_dim3A_717] : memref<80x64xf32, #tpu.memory_space<vmem>>[vector<16xi32>, vector<16xi32>], vector<16xf32>,
        %mul3A_724 = arith.mulf %gather3A_719, %gather3A_720 : vector<16xf32>
        %add3A_725 = arith.addf %add3A_707, %mul3A_724 : vector<16xf32>
        %mul3A_726 = arith.mulf %gather3A_722, %gather3A_723 : vector<16xf32>
        %add3A_727 = arith.addf %add3A_709, %mul3A_726 : vector<16xf32>
        scf.yield %add3A_725, %add3A_727 : vector<16xf32>, vector<16xf32>
      }
      %scan3A_167 = arith.constant 32 : i32
      %add3A_168 = arith.addf %scan3A_166#0, %scan3A_166#1 : vector<16xf32>
      %mul3A_169 = arith.constant 80 : i32
      %mul3A_170 = arith.muli %add3A_46, %mul3A_169 : i32
      %add3A_171 = arith.constant 16 : i32
      %add3A_172 = arith.addi %mul3A_170, %add3A_171 : i32
      %swap3A_173 = arith.index_cast %add3A_172 : i32 to index
      %swap3A_174 = tpu.vector_load %arg11[%swap3A_173] {strides = array<i32>} : memref<2560xf32, #tpu.memory_space<vmem>>, vector<16xf32>,
      tpu.vector_store %arg11[%swap3A_173], %add3A_168 {strides = array<i32>} : memref<2560xf32, #tpu.memory_space<vmem>>, vector<16xf32>,
      %add3A_175 = arith.constant 32 : i32
      %add3A_176 = vector.broadcast %add3A_175 : i32 to vector<16xi32>
      %add3A_177 = arith.addi %add3A_176, %iota3A : vector<16xi32>
      %jit3A_178 = arith.constant 5 : i32
      %div3A_179 = vector.broadcast %jit3A_178 : i32 to vector<16xi32>
      %div3A_180 = arith.divsi %add3A_177, %div3A_179 : vector<16xi32>
      %sign3A_181 = arith.constant 0 : i32
      %sign3A_182 = vector.broadcast %sign3A_181 : i32 to vector<16xi32>
      %sign3A_183 = arith.cmpi sgt, %add3A_177, %sign3A_182 : vector<16xi32>
      %sign3A_184 = arith.extui %sign3A_183 : vector<16xi1> to vector<16xi32>
      %sign3A_185 = arith.constant 0 : i32
      %sign3A_186 = vector.broadcast %sign3A_185 : i32 to vector<16xi32>
      %sign3A_187 = arith.cmpi slt, %add3A_177, %sign3A_186 : vector<16xi32>
      %sign3A_188 = arith.extui %sign3A_187 : vector<16xi1> to vector<16xi32>
      %sign3A_189 = arith.subi %sign3A_184, %sign3A_188 : vector<16xi32>
      %sign3A_190 = arith.constant 0 : i32
      %sign3A_191 = arith.cmpi sgt, %jit3A_178, %sign3A_190 : i32
      %sign3A_192 = arith.extui %sign3A_191 : i1 to i32
      %sign3A_193 = arith.constant 0 : i32
      %sign3A_194 = arith.cmpi slt, %jit3A_178, %sign3A_193 : i32
      %sign3A_195 = arith.extui %sign3A_194 : i1 to i32
      %sign3A_196 = arith.subi %sign3A_192, %sign3A_195 : i32
      %ne3A_197 = vector.broadcast %sign3A_196 : i32 to vector<16xi32>
      %ne3A_198 = arith.cmpi ne, %sign3A_189, %ne3A_197 : vector<16xi32>
      %rem3A_199 = vector.broadcast %jit3A_178 : i32 to vector<16xi32>
      %rem3A_200 = arith.remsi %add3A_177, %rem3A_199 : vector<16xi32>
      %ne3A_201 = arith.constant 0 : i32
      %ne3A_202 = vector.broadcast %ne3A_201 : i32 to vector<16xi32>
      %ne3A_203 = arith.cmpi ne, %rem3A_200, %ne3A_202 : vector<16xi32>
      %and3A_204 = arith.andi %ne3A_198, %ne3A_203 : vector<16xi1>
      %sub3A_205 = arith.constant 1 : i32
      %sub3A_206 = vector.broadcast %sub3A_205 : i32 to vector<16xi32>
      %sub3A_207 = arith.subi %div3A_180, %sub3A_206 : vector<16xi32>
      %select_n3A_208 = arith.select %and3A_204, %sub3A_207, %div3A_180 : vector<16xi1>, vector<16xi32>
      %mul3A_209 = arith.constant 16 : i32
      %mul3A_210 = arith.muli %add3A_46, %mul3A_209 : i32
      %add3A_211 = vector.broadcast %mul3A_210 : i32 to vector<16xi32>
      %add3A_212 = arith.addi %add3A_211, %select_n3A_208 : vector<16xi32>
      %gather3A_213 = tpu.vector_load_idx %arg9[%add3A_212] : memref<512xi32, #tpu.memory_space<vmem>>[vector<16xi32>], vector<16xi32>,
      %broadcast_in_dim3A_214 = arith.constant 0.000000e+00 : f32
      %broadcast_in_dim3A_215 = vector.broadcast %broadcast_in_dim3A_214 : f32 to vector<16xf32>
      %broadcast_in_dim3A_216 = arith.constant 0.000000e+00 : f32
      %broadcast_in_dim3A_217 = vector.broadcast %broadcast_in_dim3A_216 : f32 to vector<16xf32>
      %scan3A_218 = arith.constant 0 : i32
      %scan3A_219 = arith.constant 32 : i32
      %scan3A_220 = arith.addi %scan3A_218, %scan3A_219 : i32
      %scan3A_221 = arith.constant 4 : i32
      %scan3A_222:2 = scf.for %scan3A_655 = %scan3A_218 to %scan3A_220 step %scan3A_221 iter_args(%scan3A_656 = %broadcast_in_dim3A_215, %scan3A_657 = %broadcast_in_dim3A_217) -> (vector<16xf32>, vector<16xf32>)  : i32 {
        %mul3A_658 = arith.constant 2 : i32
        %mul3A_659 = arith.muli %scan3A_655, %mul3A_658 : i32
        %broadcast_in_dim3A_660 = vector.broadcast %mul3A_659 : i32 to vector<16xi32>
        %add3A_661 = arith.constant 1 : i32
        %add3A_662 = arith.addi %mul3A_659, %add3A_661 : i32
        %broadcast_in_dim3A_663 = vector.broadcast %add3A_662 : i32 to vector<16xi32>
        %add3A_664 = arith.addi %gather3A_213, %broadcast_in_dim3A_660 : vector<16xi32>
        %gather3A_665 = tpu.vector_load_idx %arg12[%select_n3A_208, %add3A_664] : memref<16x128xf32, #tpu.memory_space<vmem>>[vector<16xi32>, vector<16xi32>], vector<16xf32>,
        %gather3A_666 = tpu.vector_load_idx %arg13[%add3A_177, %broadcast_in_dim3A_660] : memref<80x64xf32, #tpu.memory_space<vmem>>[vector<16xi32>, vector<16xi32>], vector<16xf32>,
        %add3A_667 = arith.addi %gather3A_213, %broadcast_in_dim3A_663 : vector<16xi32>
        %gather3A_668 = tpu.vector_load_idx %arg12[%select_n3A_208, %add3A_667] : memref<16x128xf32, #tpu.memory_space<vmem>>[vector<16xi32>, vector<16xi32>], vector<16xf32>,
        %gather3A_669 = tpu.vector_load_idx %arg13[%add3A_177, %broadcast_in_dim3A_663] : memref<80x64xf32, #tpu.memory_space<vmem>>[vector<16xi32>, vector<16xi32>], vector<16xf32>,
        %mul3A_670 = arith.mulf %gather3A_665, %gather3A_666 : vector<16xf32>
        %add3A_671 = arith.addf %scan3A_656, %mul3A_670 : vector<16xf32>
        %mul3A_672 = arith.mulf %gather3A_668, %gather3A_669 : vector<16xf32>
        %add3A_673 = arith.addf %scan3A_657, %mul3A_672 : vector<16xf32>
        %scan3A_674 = arith.constant 1 : i32
        %scan3A_675 = arith.addi %scan3A_655, %scan3A_674 : i32
        %mul3A_676 = arith.constant 2 : i32
        %mul3A_677 = arith.muli %scan3A_675, %mul3A_676 : i32
        %broadcast_in_dim3A_678 = vector.broadcast %mul3A_677 : i32 to vector<16xi32>
        %add3A_679 = arith.constant 1 : i32
        %add3A_680 = arith.addi %mul3A_677, %add3A_679 : i32
        %broadcast_in_dim3A_681 = vector.broadcast %add3A_680 : i32 to vector<16xi32>
        %add3A_682 = arith.addi %gather3A_213, %broadcast_in_dim3A_678 : vector<16xi32>
        %gather3A_683 = tpu.vector_load_idx %arg12[%select_n3A_208, %add3A_682] : memref<16x128xf32, #tpu.memory_space<vmem>>[vector<16xi32>, vector<16xi32>], vector<16xf32>,
        %gather3A_684 = tpu.vector_load_idx %arg13[%add3A_177, %broadcast_in_dim3A_678] : memref<80x64xf32, #tpu.memory_space<vmem>>[vector<16xi32>, vector<16xi32>], vector<16xf32>,
        %add3A_685 = arith.addi %gather3A_213, %broadcast_in_dim3A_681 : vector<16xi32>
        %gather3A_686 = tpu.vector_load_idx %arg12[%select_n3A_208, %add3A_685] : memref<16x128xf32, #tpu.memory_space<vmem>>[vector<16xi32>, vector<16xi32>], vector<16xf32>,
        %gather3A_687 = tpu.vector_load_idx %arg13[%add3A_177, %broadcast_in_dim3A_681] : memref<80x64xf32, #tpu.memory_space<vmem>>[vector<16xi32>, vector<16xi32>], vector<16xf32>,
        %mul3A_688 = arith.mulf %gather3A_683, %gather3A_684 : vector<16xf32>
        %add3A_689 = arith.addf %add3A_671, %mul3A_688 : vector<16xf32>
        %mul3A_690 = arith.mulf %gather3A_686, %gather3A_687 : vector<16xf32>
        %add3A_691 = arith.addf %add3A_673, %mul3A_690 : vector<16xf32>
        %scan3A_692 = arith.constant 2 : i32
        %scan3A_693 = arith.addi %scan3A_655, %scan3A_692 : i32
        %mul3A_694 = arith.constant 2 : i32
        %mul3A_695 = arith.muli %scan3A_693, %mul3A_694 : i32
        %broadcast_in_dim3A_696 = vector.broadcast %mul3A_695 : i32 to vector<16xi32>
        %add3A_697 = arith.constant 1 : i32
        %add3A_698 = arith.addi %mul3A_695, %add3A_697 : i32
        %broadcast_in_dim3A_699 = vector.broadcast %add3A_698 : i32 to vector<16xi32>
        %add3A_700 = arith.addi %gather3A_213, %broadcast_in_dim3A_696 : vector<16xi32>
        %gather3A_701 = tpu.vector_load_idx %arg12[%select_n3A_208, %add3A_700] : memref<16x128xf32, #tpu.memory_space<vmem>>[vector<16xi32>, vector<16xi32>], vector<16xf32>,
        %gather3A_702 = tpu.vector_load_idx %arg13[%add3A_177, %broadcast_in_dim3A_696] : memref<80x64xf32, #tpu.memory_space<vmem>>[vector<16xi32>, vector<16xi32>], vector<16xf32>,
        %add3A_703 = arith.addi %gather3A_213, %broadcast_in_dim3A_699 : vector<16xi32>
        %gather3A_704 = tpu.vector_load_idx %arg12[%select_n3A_208, %add3A_703] : memref<16x128xf32, #tpu.memory_space<vmem>>[vector<16xi32>, vector<16xi32>], vector<16xf32>,
        %gather3A_705 = tpu.vector_load_idx %arg13[%add3A_177, %broadcast_in_dim3A_699] : memref<80x64xf32, #tpu.memory_space<vmem>>[vector<16xi32>, vector<16xi32>], vector<16xf32>,
        %mul3A_706 = arith.mulf %gather3A_701, %gather3A_702 : vector<16xf32>
        %add3A_707 = arith.addf %add3A_689, %mul3A_706 : vector<16xf32>
        %mul3A_708 = arith.mulf %gather3A_704, %gather3A_705 : vector<16xf32>
        %add3A_709 = arith.addf %add3A_691, %mul3A_708 : vector<16xf32>
        %scan3A_710 = arith.constant 3 : i32
        %scan3A_711 = arith.addi %scan3A_655, %scan3A_710 : i32
        %mul3A_712 = arith.constant 2 : i32
        %mul3A_713 = arith.muli %scan3A_711, %mul3A_712 : i32
        %broadcast_in_dim3A_714 = vector.broadcast %mul3A_713 : i32 to vector<16xi32>
        %add3A_715 = arith.constant 1 : i32
        %add3A_716 = arith.addi %mul3A_713, %add3A_715 : i32
        %broadcast_in_dim3A_717 = vector.broadcast %add3A_716 : i32 to vector<16xi32>
        %add3A_718 = arith.addi %gather3A_213, %broadcast_in_dim3A_714 : vector<16xi32>
        %gather3A_719 = tpu.vector_load_idx %arg12[%select_n3A_208, %add3A_718] : memref<16x128xf32, #tpu.memory_space<vmem>>[vector<16xi32>, vector<16xi32>], vector<16xf32>,
        %gather3A_720 = tpu.vector_load_idx %arg13[%add3A_177, %broadcast_in_dim3A_714] : memref<80x64xf32, #tpu.memory_space<vmem>>[vector<16xi32>, vector<16xi32>], vector<16xf32>,
        %add3A_721 = arith.addi %gather3A_213, %broadcast_in_dim3A_717 : vector<16xi32>
        %gather3A_722 = tpu.vector_load_idx %arg12[%select_n3A_208, %add3A_721] : memref<16x128xf32, #tpu.memory_space<vmem>>[vector<16xi32>, vector<16xi32>], vector<16xf32>,
        %gather3A_723 = tpu.vector_load_idx %arg13[%add3A_177, %broadcast_in_dim3A_717] : memref<80x64xf32, #tpu.memory_space<vmem>>[vector<16xi32>, vector<16xi32>], vector<16xf32>,
        %mul3A_724 = arith.mulf %gather3A_719, %gather3A_720 : vector<16xf32>
        %add3A_725 = arith.addf %add3A_707, %mul3A_724 : vector<16xf32>
        %mul3A_726 = arith.mulf %gather3A_722, %gather3A_723 : vector<16xf32>
        %add3A_727 = arith.addf %add3A_709, %mul3A_726 : vector<16xf32>
        scf.yield %add3A_725, %add3A_727 : vector<16xf32>, vector<16xf32>
      }
      %scan3A_223 = arith.constant 32 : i32
      %add3A_224 = arith.addf %scan3A_222#0, %scan3A_222#1 : vector<16xf32>
      %mul3A_225 = arith.constant 80 : i32
      %mul3A_226 = arith.muli %add3A_46, %mul3A_225 : i32
      %add3A_227 = arith.constant 32 : i32
      %add3A_228 = arith.addi %mul3A_226, %add3A_227 : i32
      %swap3A_229 = arith.index_cast %add3A_228 : i32 to index
      %swap3A_230 = tpu.vector_load %arg11[%swap3A_229] {strides = array<i32>} : memref<2560xf32, #tpu.memory_space<vmem>>, vector<16xf32>,
      tpu.vector_store %arg11[%swap3A_229], %add3A_224 {strides = array<i32>} : memref<2560xf32, #tpu.memory_space<vmem>>, vector<16xf32>,
      %add3A_231 = arith.constant 48 : i32
      %add3A_232 = vector.broadcast %add3A_231 : i32 to vector<16xi32>
      %add3A_233 = arith.addi %add3A_232, %iota3A : vector<16xi32>
      %jit3A_234 = arith.constant 5 : i32
      %div3A_235 = vector.broadcast %jit3A_234 : i32 to vector<16xi32>
      %div3A_236 = arith.divsi %add3A_233, %div3A_235 : vector<16xi32>
      %sign3A_237 = arith.constant 0 : i32
      %sign3A_238 = vector.broadcast %sign3A_237 : i32 to vector<16xi32>
      %sign3A_239 = arith.cmpi sgt, %add3A_233, %sign3A_238 : vector<16xi32>
      %sign3A_240 = arith.extui %sign3A_239 : vector<16xi1> to vector<16xi32>
      %sign3A_241 = arith.constant 0 : i32
      %sign3A_242 = vector.broadcast %sign3A_241 : i32 to vector<16xi32>
      %sign3A_243 = arith.cmpi slt, %add3A_233, %sign3A_242 : vector<16xi32>
      %sign3A_244 = arith.extui %sign3A_243 : vector<16xi1> to vector<16xi32>
      %sign3A_245 = arith.subi %sign3A_240, %sign3A_244 : vector<16xi32>
      %sign3A_246 = arith.constant 0 : i32
      %sign3A_247 = arith.cmpi sgt, %jit3A_234, %sign3A_246 : i32
      %sign3A_248 = arith.extui %sign3A_247 : i1 to i32
      %sign3A_249 = arith.constant 0 : i32
      %sign3A_250 = arith.cmpi slt, %jit3A_234, %sign3A_249 : i32
      %sign3A_251 = arith.extui %sign3A_250 : i1 to i32
      %sign3A_252 = arith.subi %sign3A_248, %sign3A_251 : i32
      %ne3A_253 = vector.broadcast %sign3A_252 : i32 to vector<16xi32>
      %ne3A_254 = arith.cmpi ne, %sign3A_245, %ne3A_253 : vector<16xi32>
      %rem3A_255 = vector.broadcast %jit3A_234 : i32 to vector<16xi32>
      %rem3A_256 = arith.remsi %add3A_233, %rem3A_255 : vector<16xi32>
      %ne3A_257 = arith.constant 0 : i32
      %ne3A_258 = vector.broadcast %ne3A_257 : i32 to vector<16xi32>
      %ne3A_259 = arith.cmpi ne, %rem3A_256, %ne3A_258 : vector<16xi32>
      %and3A_260 = arith.andi %ne3A_254, %ne3A_259 : vector<16xi1>
      %sub3A_261 = arith.constant 1 : i32
      %sub3A_262 = vector.broadcast %sub3A_261 : i32 to vector<16xi32>
      %sub3A_263 = arith.subi %div3A_236, %sub3A_262 : vector<16xi32>
      %select_n3A_264 = arith.select %and3A_260, %sub3A_263, %div3A_236 : vector<16xi1>, vector<16xi32>
      %mul3A_265 = arith.constant 16 : i32
      %mul3A_266 = arith.muli %add3A_46, %mul3A_265 : i32
      %add3A_267 = vector.broadcast %mul3A_266 : i32 to vector<16xi32>
      %add3A_268 = arith.addi %add3A_267, %select_n3A_264 : vector<16xi32>
      %gather3A_269 = tpu.vector_load_idx %arg9[%add3A_268] : memref<512xi32, #tpu.memory_space<vmem>>[vector<16xi32>], vector<16xi32>,
      %broadcast_in_dim3A_270 = arith.constant 0.000000e+00 : f32
      %broadcast_in_dim3A_271 = vector.broadcast %broadcast_in_dim3A_270 : f32 to vector<16xf32>
      %broadcast_in_dim3A_272 = arith.constant 0.000000e+00 : f32
      %broadcast_in_dim3A_273 = vector.broadcast %broadcast_in_dim3A_272 : f32 to vector<16xf32>
      %scan3A_274 = arith.constant 0 : i32
      %scan3A_275 = arith.constant 32 : i32
      %scan3A_276 = arith.addi %scan3A_274, %scan3A_275 : i32
      %scan3A_277 = arith.constant 4 : i32
      %scan3A_278:2 = scf.for %scan3A_655 = %scan3A_274 to %scan3A_276 step %scan3A_277 iter_args(%scan3A_656 = %broadcast_in_dim3A_271, %scan3A_657 = %broadcast_in_dim3A_273) -> (vector<16xf32>, vector<16xf32>)  : i32 {
        %mul3A_658 = arith.constant 2 : i32
        %mul3A_659 = arith.muli %scan3A_655, %mul3A_658 : i32
        %broadcast_in_dim3A_660 = vector.broadcast %mul3A_659 : i32 to vector<16xi32>
        %add3A_661 = arith.constant 1 : i32
        %add3A_662 = arith.addi %mul3A_659, %add3A_661 : i32
        %broadcast_in_dim3A_663 = vector.broadcast %add3A_662 : i32 to vector<16xi32>
        %add3A_664 = arith.addi %gather3A_269, %broadcast_in_dim3A_660 : vector<16xi32>
        %gather3A_665 = tpu.vector_load_idx %arg12[%select_n3A_264, %add3A_664] : memref<16x128xf32, #tpu.memory_space<vmem>>[vector<16xi32>, vector<16xi32>], vector<16xf32>,
        %gather3A_666 = tpu.vector_load_idx %arg13[%add3A_233, %broadcast_in_dim3A_660] : memref<80x64xf32, #tpu.memory_space<vmem>>[vector<16xi32>, vector<16xi32>], vector<16xf32>,
        %add3A_667 = arith.addi %gather3A_269, %broadcast_in_dim3A_663 : vector<16xi32>
        %gather3A_668 = tpu.vector_load_idx %arg12[%select_n3A_264, %add3A_667] : memref<16x128xf32, #tpu.memory_space<vmem>>[vector<16xi32>, vector<16xi32>], vector<16xf32>,
        %gather3A_669 = tpu.vector_load_idx %arg13[%add3A_233, %broadcast_in_dim3A_663] : memref<80x64xf32, #tpu.memory_space<vmem>>[vector<16xi32>, vector<16xi32>], vector<16xf32>,
        %mul3A_670 = arith.mulf %gather3A_665, %gather3A_666 : vector<16xf32>
        %add3A_671 = arith.addf %scan3A_656, %mul3A_670 : vector<16xf32>
        %mul3A_672 = arith.mulf %gather3A_668, %gather3A_669 : vector<16xf32>
        %add3A_673 = arith.addf %scan3A_657, %mul3A_672 : vector<16xf32>
        %scan3A_674 = arith.constant 1 : i32
        %scan3A_675 = arith.addi %scan3A_655, %scan3A_674 : i32
        %mul3A_676 = arith.constant 2 : i32
        %mul3A_677 = arith.muli %scan3A_675, %mul3A_676 : i32
        %broadcast_in_dim3A_678 = vector.broadcast %mul3A_677 : i32 to vector<16xi32>
        %add3A_679 = arith.constant 1 : i32
        %add3A_680 = arith.addi %mul3A_677, %add3A_679 : i32
        %broadcast_in_dim3A_681 = vector.broadcast %add3A_680 : i32 to vector<16xi32>
        %add3A_682 = arith.addi %gather3A_269, %broadcast_in_dim3A_678 : vector<16xi32>
        %gather3A_683 = tpu.vector_load_idx %arg12[%select_n3A_264, %add3A_682] : memref<16x128xf32, #tpu.memory_space<vmem>>[vector<16xi32>, vector<16xi32>], vector<16xf32>,
        %gather3A_684 = tpu.vector_load_idx %arg13[%add3A_233, %broadcast_in_dim3A_678] : memref<80x64xf32, #tpu.memory_space<vmem>>[vector<16xi32>, vector<16xi32>], vector<16xf32>,
        %add3A_685 = arith.addi %gather3A_269, %broadcast_in_dim3A_681 : vector<16xi32>
        %gather3A_686 = tpu.vector_load_idx %arg12[%select_n3A_264, %add3A_685] : memref<16x128xf32, #tpu.memory_space<vmem>>[vector<16xi32>, vector<16xi32>], vector<16xf32>,
        %gather3A_687 = tpu.vector_load_idx %arg13[%add3A_233, %broadcast_in_dim3A_681] : memref<80x64xf32, #tpu.memory_space<vmem>>[vector<16xi32>, vector<16xi32>], vector<16xf32>,
        %mul3A_688 = arith.mulf %gather3A_683, %gather3A_684 : vector<16xf32>
        %add3A_689 = arith.addf %add3A_671, %mul3A_688 : vector<16xf32>
        %mul3A_690 = arith.mulf %gather3A_686, %gather3A_687 : vector<16xf32>
        %add3A_691 = arith.addf %add3A_673, %mul3A_690 : vector<16xf32>
        %scan3A_692 = arith.constant 2 : i32
        %scan3A_693 = arith.addi %scan3A_655, %scan3A_692 : i32
        %mul3A_694 = arith.constant 2 : i32
        %mul3A_695 = arith.muli %scan3A_693, %mul3A_694 : i32
        %broadcast_in_dim3A_696 = vector.broadcast %mul3A_695 : i32 to vector<16xi32>
        %add3A_697 = arith.constant 1 : i32
        %add3A_698 = arith.addi %mul3A_695, %add3A_697 : i32
        %broadcast_in_dim3A_699 = vector.broadcast %add3A_698 : i32 to vector<16xi32>
        %add3A_700 = arith.addi %gather3A_269, %broadcast_in_dim3A_696 : vector<16xi32>
        %gather3A_701 = tpu.vector_load_idx %arg12[%select_n3A_264, %add3A_700] : memref<16x128xf32, #tpu.memory_space<vmem>>[vector<16xi32>, vector<16xi32>], vector<16xf32>,
        %gather3A_702 = tpu.vector_load_idx %arg13[%add3A_233, %broadcast_in_dim3A_696] : memref<80x64xf32, #tpu.memory_space<vmem>>[vector<16xi32>, vector<16xi32>], vector<16xf32>,
        %add3A_703 = arith.addi %gather3A_269, %broadcast_in_dim3A_699 : vector<16xi32>
        %gather3A_704 = tpu.vector_load_idx %arg12[%select_n3A_264, %add3A_703] : memref<16x128xf32, #tpu.memory_space<vmem>>[vector<16xi32>, vector<16xi32>], vector<16xf32>,
        %gather3A_705 = tpu.vector_load_idx %arg13[%add3A_233, %broadcast_in_dim3A_699] : memref<80x64xf32, #tpu.memory_space<vmem>>[vector<16xi32>, vector<16xi32>], vector<16xf32>,
        %mul3A_706 = arith.mulf %gather3A_701, %gather3A_702 : vector<16xf32>
        %add3A_707 = arith.addf %add3A_689, %mul3A_706 : vector<16xf32>
        %mul3A_708 = arith.mulf %gather3A_704, %gather3A_705 : vector<16xf32>
        %add3A_709 = arith.addf %add3A_691, %mul3A_708 : vector<16xf32>
        %scan3A_710 = arith.constant 3 : i32
        %scan3A_711 = arith.addi %scan3A_655, %scan3A_710 : i32
        %mul3A_712 = arith.constant 2 : i32
        %mul3A_713 = arith.muli %scan3A_711, %mul3A_712 : i32
        %broadcast_in_dim3A_714 = vector.broadcast %mul3A_713 : i32 to vector<16xi32>
        %add3A_715 = arith.constant 1 : i32
        %add3A_716 = arith.addi %mul3A_713, %add3A_715 : i32
        %broadcast_in_dim3A_717 = vector.broadcast %add3A_716 : i32 to vector<16xi32>
        %add3A_718 = arith.addi %gather3A_269, %broadcast_in_dim3A_714 : vector<16xi32>
        %gather3A_719 = tpu.vector_load_idx %arg12[%select_n3A_264, %add3A_718] : memref<16x128xf32, #tpu.memory_space<vmem>>[vector<16xi32>, vector<16xi32>], vector<16xf32>,
        %gather3A_720 = tpu.vector_load_idx %arg13[%add3A_233, %broadcast_in_dim3A_714] : memref<80x64xf32, #tpu.memory_space<vmem>>[vector<16xi32>, vector<16xi32>], vector<16xf32>,
        %add3A_721 = arith.addi %gather3A_269, %broadcast_in_dim3A_717 : vector<16xi32>
        %gather3A_722 = tpu.vector_load_idx %arg12[%select_n3A_264, %add3A_721] : memref<16x128xf32, #tpu.memory_space<vmem>>[vector<16xi32>, vector<16xi32>], vector<16xf32>,
        %gather3A_723 = tpu.vector_load_idx %arg13[%add3A_233, %broadcast_in_dim3A_717] : memref<80x64xf32, #tpu.memory_space<vmem>>[vector<16xi32>, vector<16xi32>], vector<16xf32>,
        %mul3A_724 = arith.mulf %gather3A_719, %gather3A_720 : vector<16xf32>
        %add3A_725 = arith.addf %add3A_707, %mul3A_724 : vector<16xf32>
        %mul3A_726 = arith.mulf %gather3A_722, %gather3A_723 : vector<16xf32>
        %add3A_727 = arith.addf %add3A_709, %mul3A_726 : vector<16xf32>
        scf.yield %add3A_725, %add3A_727 : vector<16xf32>, vector<16xf32>
      }
      %scan3A_279 = arith.constant 32 : i32
      %add3A_280 = arith.addf %scan3A_278#0, %scan3A_278#1 : vector<16xf32>
      %mul3A_281 = arith.constant 80 : i32
      %mul3A_282 = arith.muli %add3A_46, %mul3A_281 : i32
      %add3A_283 = arith.constant 48 : i32
      %add3A_284 = arith.addi %mul3A_282, %add3A_283 : i32
      %swap3A_285 = arith.index_cast %add3A_284 : i32 to index
      %swap3A_286 = tpu.vector_load %arg11[%swap3A_285] {strides = array<i32>} : memref<2560xf32, #tpu.memory_space<vmem>>, vector<16xf32>,
      tpu.vector_store %arg11[%swap3A_285], %add3A_280 {strides = array<i32>} : memref<2560xf32, #tpu.memory_space<vmem>>, vector<16xf32>,
      %add3A_287 = arith.constant 64 : i32
      %add3A_288 = vector.broadcast %add3A_287 : i32 to vector<16xi32>
      %add3A_289 = arith.addi %add3A_288, %iota3A : vector<16xi32>
      %jit3A_290 = arith.constant 5 : i32
      %div3A_291 = vector.broadcast %jit3A_290 : i32 to vector<16xi32>
      %div3A_292 = arith.divsi %add3A_289, %div3A_291 : vector<16xi32>
      %sign3A_293 = arith.constant 0 : i32
      %sign3A_294 = vector.broadcast %sign3A_293 : i32 to vector<16xi32>
      %sign3A_295 = arith.cmpi sgt, %add3A_289, %sign3A_294 : vector<16xi32>
      %sign3A_296 = arith.extui %sign3A_295 : vector<16xi1> to vector<16xi32>
      %sign3A_297 = arith.constant 0 : i32
      %sign3A_298 = vector.broadcast %sign3A_297 : i32 to vector<16xi32>
      %sign3A_299 = arith.cmpi slt, %add3A_289, %sign3A_298 : vector<16xi32>
      %sign3A_300 = arith.extui %sign3A_299 : vector<16xi1> to vector<16xi32>
      %sign3A_301 = arith.subi %sign3A_296, %sign3A_300 : vector<16xi32>
      %sign3A_302 = arith.constant 0 : i32
      %sign3A_303 = arith.cmpi sgt, %jit3A_290, %sign3A_302 : i32
      %sign3A_304 = arith.extui %sign3A_303 : i1 to i32
      %sign3A_305 = arith.constant 0 : i32
      %sign3A_306 = arith.cmpi slt, %jit3A_290, %sign3A_305 : i32
      %sign3A_307 = arith.extui %sign3A_306 : i1 to i32
      %sign3A_308 = arith.subi %sign3A_304, %sign3A_307 : i32
      %ne3A_309 = vector.broadcast %sign3A_308 : i32 to vector<16xi32>
      %ne3A_310 = arith.cmpi ne, %sign3A_301, %ne3A_309 : vector<16xi32>
      %rem3A_311 = vector.broadcast %jit3A_290 : i32 to vector<16xi32>
      %rem3A_312 = arith.remsi %add3A_289, %rem3A_311 : vector<16xi32>
      %ne3A_313 = arith.constant 0 : i32
      %ne3A_314 = vector.broadcast %ne3A_313 : i32 to vector<16xi32>
      %ne3A_315 = arith.cmpi ne, %rem3A_312, %ne3A_314 : vector<16xi32>
      %and3A_316 = arith.andi %ne3A_310, %ne3A_315 : vector<16xi1>
      %sub3A_317 = arith.constant 1 : i32
      %sub3A_318 = vector.broadcast %sub3A_317 : i32 to vector<16xi32>
      %sub3A_319 = arith.subi %div3A_292, %sub3A_318 : vector<16xi32>
      %select_n3A_320 = arith.select %and3A_316, %sub3A_319, %div3A_292 : vector<16xi1>, vector<16xi32>
      %mul3A_321 = arith.constant 16 : i32
      %mul3A_322 = arith.muli %add3A_46, %mul3A_321 : i32
      %add3A_323 = vector.broadcast %mul3A_322 : i32 to vector<16xi32>
      %add3A_324 = arith.addi %add3A_323, %select_n3A_320 : vector<16xi32>
      %gather3A_325 = tpu.vector_load_idx %arg9[%add3A_324] : memref<512xi32, #tpu.memory_space<vmem>>[vector<16xi32>], vector<16xi32>,
      %broadcast_in_dim3A_326 = arith.constant 0.000000e+00 : f32
      %broadcast_in_dim3A_327 = vector.broadcast %broadcast_in_dim3A_326 : f32 to vector<16xf32>
      %broadcast_in_dim3A_328 = arith.constant 0.000000e+00 : f32
      %broadcast_in_dim3A_329 = vector.broadcast %broadcast_in_dim3A_328 : f32 to vector<16xf32>
      %scan3A_330 = arith.constant 0 : i32
      %scan3A_331 = arith.constant 32 : i32
      %scan3A_332 = arith.addi %scan3A_330, %scan3A_331 : i32
      %scan3A_333 = arith.constant 4 : i32
      %scan3A_334:2 = scf.for %scan3A_655 = %scan3A_330 to %scan3A_332 step %scan3A_333 iter_args(%scan3A_656 = %broadcast_in_dim3A_327, %scan3A_657 = %broadcast_in_dim3A_329) -> (vector<16xf32>, vector<16xf32>)  : i32 {
        %mul3A_658 = arith.constant 2 : i32
        %mul3A_659 = arith.muli %scan3A_655, %mul3A_658 : i32
        %broadcast_in_dim3A_660 = vector.broadcast %mul3A_659 : i32 to vector<16xi32>
        %add3A_661 = arith.constant 1 : i32
        %add3A_662 = arith.addi %mul3A_659, %add3A_661 : i32
        %broadcast_in_dim3A_663 = vector.broadcast %add3A_662 : i32 to vector<16xi32>
        %add3A_664 = arith.addi %gather3A_325, %broadcast_in_dim3A_660 : vector<16xi32>
        %gather3A_665 = tpu.vector_load_idx %arg12[%select_n3A_320, %add3A_664] : memref<16x128xf32, #tpu.memory_space<vmem>>[vector<16xi32>, vector<16xi32>], vector<16xf32>,
        %gather3A_666 = tpu.vector_load_idx %arg13[%add3A_289, %broadcast_in_dim3A_660] : memref<80x64xf32, #tpu.memory_space<vmem>>[vector<16xi32>, vector<16xi32>], vector<16xf32>,
        %add3A_667 = arith.addi %gather3A_325, %broadcast_in_dim3A_663 : vector<16xi32>
        %gather3A_668 = tpu.vector_load_idx %arg12[%select_n3A_320, %add3A_667] : memref<16x128xf32, #tpu.memory_space<vmem>>[vector<16xi32>, vector<16xi32>], vector<16xf32>,
        %gather3A_669 = tpu.vector_load_idx %arg13[%add3A_289, %broadcast_in_dim3A_663] : memref<80x64xf32, #tpu.memory_space<vmem>>[vector<16xi32>, vector<16xi32>], vector<16xf32>,
        %mul3A_670 = arith.mulf %gather3A_665, %gather3A_666 : vector<16xf32>
        %add3A_671 = arith.addf %scan3A_656, %mul3A_670 : vector<16xf32>
        %mul3A_672 = arith.mulf %gather3A_668, %gather3A_669 : vector<16xf32>
        %add3A_673 = arith.addf %scan3A_657, %mul3A_672 : vector<16xf32>
        %scan3A_674 = arith.constant 1 : i32
        %scan3A_675 = arith.addi %scan3A_655, %scan3A_674 : i32
        %mul3A_676 = arith.constant 2 : i32
        %mul3A_677 = arith.muli %scan3A_675, %mul3A_676 : i32
        %broadcast_in_dim3A_678 = vector.broadcast %mul3A_677 : i32 to vector<16xi32>
        %add3A_679 = arith.constant 1 : i32
        %add3A_680 = arith.addi %mul3A_677, %add3A_679 : i32
        %broadcast_in_dim3A_681 = vector.broadcast %add3A_680 : i32 to vector<16xi32>
        %add3A_682 = arith.addi %gather3A_325, %broadcast_in_dim3A_678 : vector<16xi32>
        %gather3A_683 = tpu.vector_load_idx %arg12[%select_n3A_320, %add3A_682] : memref<16x128xf32, #tpu.memory_space<vmem>>[vector<16xi32>, vector<16xi32>], vector<16xf32>,
        %gather3A_684 = tpu.vector_load_idx %arg13[%add3A_289, %broadcast_in_dim3A_678] : memref<80x64xf32, #tpu.memory_space<vmem>>[vector<16xi32>, vector<16xi32>], vector<16xf32>,
        %add3A_685 = arith.addi %gather3A_325, %broadcast_in_dim3A_681 : vector<16xi32>
        %gather3A_686 = tpu.vector_load_idx %arg12[%select_n3A_320, %add3A_685] : memref<16x128xf32, #tpu.memory_space<vmem>>[vector<16xi32>, vector<16xi32>], vector<16xf32>,
        %gather3A_687 = tpu.vector_load_idx %arg13[%add3A_289, %broadcast_in_dim3A_681] : memref<80x64xf32, #tpu.memory_space<vmem>>[vector<16xi32>, vector<16xi32>], vector<16xf32>,
        %mul3A_688 = arith.mulf %gather3A_683, %gather3A_684 : vector<16xf32>
        %add3A_689 = arith.addf %add3A_671, %mul3A_688 : vector<16xf32>
        %mul3A_690 = arith.mulf %gather3A_686, %gather3A_687 : vector<16xf32>
        %add3A_691 = arith.addf %add3A_673, %mul3A_690 : vector<16xf32>
        %scan3A_692 = arith.constant 2 : i32
        %scan3A_693 = arith.addi %scan3A_655, %scan3A_692 : i32
        %mul3A_694 = arith.constant 2 : i32
        %mul3A_695 = arith.muli %scan3A_693, %mul3A_694 : i32
        %broadcast_in_dim3A_696 = vector.broadcast %mul3A_695 : i32 to vector<16xi32>
        %add3A_697 = arith.constant 1 : i32
        %add3A_698 = arith.addi %mul3A_695, %add3A_697 : i32
        %broadcast_in_dim3A_699 = vector.broadcast %add3A_698 : i32 to vector<16xi32>
        %add3A_700 = arith.addi %gather3A_325, %broadcast_in_dim3A_696 : vector<16xi32>
        %gather3A_701 = tpu.vector_load_idx %arg12[%select_n3A_320, %add3A_700] : memref<16x128xf32, #tpu.memory_space<vmem>>[vector<16xi32>, vector<16xi32>], vector<16xf32>,
        %gather3A_702 = tpu.vector_load_idx %arg13[%add3A_289, %broadcast_in_dim3A_696] : memref<80x64xf32, #tpu.memory_space<vmem>>[vector<16xi32>, vector<16xi32>], vector<16xf32>,
        %add3A_703 = arith.addi %gather3A_325, %broadcast_in_dim3A_699 : vector<16xi32>
        %gather3A_704 = tpu.vector_load_idx %arg12[%select_n3A_320, %add3A_703] : memref<16x128xf32, #tpu.memory_space<vmem>>[vector<16xi32>, vector<16xi32>], vector<16xf32>,
        %gather3A_705 = tpu.vector_load_idx %arg13[%add3A_289, %broadcast_in_dim3A_699] : memref<80x64xf32, #tpu.memory_space<vmem>>[vector<16xi32>, vector<16xi32>], vector<16xf32>,
        %mul3A_706 = arith.mulf %gather3A_701, %gather3A_702 : vector<16xf32>
        %add3A_707 = arith.addf %add3A_689, %mul3A_706 : vector<16xf32>
        %mul3A_708 = arith.mulf %gather3A_704, %gather3A_705 : vector<16xf32>
        %add3A_709 = arith.addf %add3A_691, %mul3A_708 : vector<16xf32>
        %scan3A_710 = arith.constant 3 : i32
        %scan3A_711 = arith.addi %scan3A_655, %scan3A_710 : i32
        %mul3A_712 = arith.constant 2 : i32
        %mul3A_713 = arith.muli %scan3A_711, %mul3A_712 : i32
        %broadcast_in_dim3A_714 = vector.broadcast %mul3A_713 : i32 to vector<16xi32>
        %add3A_715 = arith.constant 1 : i32
        %add3A_716 = arith.addi %mul3A_713, %add3A_715 : i32
        %broadcast_in_dim3A_717 = vector.broadcast %add3A_716 : i32 to vector<16xi32>
        %add3A_718 = arith.addi %gather3A_325, %broadcast_in_dim3A_714 : vector<16xi32>
        %gather3A_719 = tpu.vector_load_idx %arg12[%select_n3A_320, %add3A_718] : memref<16x128xf32, #tpu.memory_space<vmem>>[vector<16xi32>, vector<16xi32>], vector<16xf32>,
        %gather3A_720 = tpu.vector_load_idx %arg13[%add3A_289, %broadcast_in_dim3A_714] : memref<80x64xf32, #tpu.memory_space<vmem>>[vector<16xi32>, vector<16xi32>], vector<16xf32>,
        %add3A_721 = arith.addi %gather3A_325, %broadcast_in_dim3A_717 : vector<16xi32>
        %gather3A_722 = tpu.vector_load_idx %arg12[%select_n3A_320, %add3A_721] : memref<16x128xf32, #tpu.memory_space<vmem>>[vector<16xi32>, vector<16xi32>], vector<16xf32>,
        %gather3A_723 = tpu.vector_load_idx %arg13[%add3A_289, %broadcast_in_dim3A_717] : memref<80x64xf32, #tpu.memory_space<vmem>>[vector<16xi32>, vector<16xi32>], vector<16xf32>,
        %mul3A_724 = arith.mulf %gather3A_719, %gather3A_720 : vector<16xf32>
        %add3A_725 = arith.addf %add3A_707, %mul3A_724 : vector<16xf32>
        %mul3A_726 = arith.mulf %gather3A_722, %gather3A_723 : vector<16xf32>
        %add3A_727 = arith.addf %add3A_709, %mul3A_726 : vector<16xf32>
        scf.yield %add3A_725, %add3A_727 : vector<16xf32>, vector<16xf32>
      }
      %scan3A_335 = arith.constant 32 : i32
      %add3A_336 = arith.addf %scan3A_334#0, %scan3A_334#1 : vector<16xf32>
      %mul3A_337 = arith.constant 80 : i32
      %mul3A_338 = arith.muli %add3A_46, %mul3A_337 : i32
      %add3A_339 = arith.constant 64 : i32
      %add3A_340 = arith.addi %mul3A_338, %add3A_339 : i32
      %swap3A_341 = arith.index_cast %add3A_340 : i32 to index
      %swap3A_342 = tpu.vector_load %arg11[%swap3A_341] {strides = array<i32>} : memref<2560xf32, #tpu.memory_space<vmem>>, vector<16xf32>,
      tpu.vector_store %arg11[%swap3A_341], %add3A_336 {strides = array<i32>} : memref<2560xf32, #tpu.memory_space<vmem>>, vector<16xf32>,
      %mul3A_343 = arith.constant 2 : i32
      %mul3A_344 = arith.muli %scan3A_42, %mul3A_343 : i32
      %add3A_345 = arith.constant 1 : i32
      %add3A_346 = arith.addi %mul3A_344, %add3A_345 : i32
      %add3A_347 = arith.constant 1 : i32
      %add3A_348 = arith.addi %add3A_346, %add3A_347 : i32
      %min3A_349 = arith.constant 31 : i32
      %min3A_350 = arith.minsi %add3A_348, %min3A_349 : i32
      %mul3A_351 = arith.constant 16 : i32
      %mul3A_352 = arith.muli %min3A_350, %mul3A_351 : i32
      %dma_start3A_353 = tpu.memref_slice %arg8[%mul3A_352] : memref<512xi32, #tpu.memory_space<vmem>> -> memref<16xi32, #tpu.memory_space<vmem>>
      %dma_start3A_354 = arith.constant 0 : i32
      %dma_start3A_355 = arith.constant 0 : i32
      %dma_start3A_356 = tpu.memref_slice %arg5[%dma_start3A_354, %dma_start3A_355] : memref<500736x128xf32, #tpu.memory_space<hbm>> -> memref<500736x128xf32, #tpu.memory_space<hbm>>
      tpu.enqueue_indirect_dma source(%dma_start3A_356 : memref<500736x128xf32, #tpu.memory_space<hbm>>) target(%arg12 : memref<16x128xf32, #tpu.memory_space<vmem>>) offsets(%dma_start3A_353 : memref<16xi32, #tpu.memory_space<vmem>>) semaphore(%arg16 : memref<!tpu.dma_semaphore, #tpu.memory_space<semaphore_mem>>)
      %mul3A_357 = arith.constant 80 : i32
      %mul3A_358 = arith.muli %min3A_350, %mul3A_357 : i32
      %dma_start3A_359 = tpu.memref_slice %arg10[%mul3A_358] : memref<2560xi32, #tpu.memory_space<vmem>> -> memref<80xi32, #tpu.memory_space<vmem>>
      %dma_start3A_360 = arith.constant 0 : i32
      %dma_start3A_361 = arith.constant 0 : i32
      %dma_start3A_362 = tpu.memref_slice %arg6[%dma_start3A_360, %dma_start3A_361] : memref<1000000x64xf32, #tpu.memory_space<hbm>> -> memref<1000000x64xf32, #tpu.memory_space<hbm>>
      tpu.enqueue_indirect_dma source(%dma_start3A_362 : memref<1000000x64xf32, #tpu.memory_space<hbm>>) target(%arg13 : memref<80x64xf32, #tpu.memory_space<vmem>>) offsets(%dma_start3A_359 : memref<80xi32, #tpu.memory_space<vmem>>) semaphore(%arg17 : memref<!tpu.dma_semaphore, #tpu.memory_space<semaphore_mem>>)
      %dma_wait3A_363 = arith.constant 0 : i32
      %dma_wait3A_364 = arith.constant 0 : i32
      %dma_wait3A_365 = tpu.memref_slice %arg5[%dma_wait3A_363, %dma_wait3A_364] : memref<500736x128xf32, #tpu.memory_space<hbm>> -> memref<16x128xf32, #tpu.memory_space<hbm>>
      %dma_wait3A_366 = arith.constant 0 : i32
      %dma_wait3A_367 = arith.constant 0 : i32
      %dma_wait3A_368 = tpu.memref_slice %arg5[%dma_wait3A_366, %dma_wait3A_367] : memref<500736x128xf32, #tpu.memory_space<hbm>> -> memref<16x128xf32, #tpu.memory_space<hbm>>
      tpu.wait_dma2 semaphore(%arg16 : memref<!tpu.dma_semaphore, #tpu.memory_space<semaphore_mem>>) src(%dma_wait3A_368 : memref<16x128xf32, #tpu.memory_space<hbm>>) dst(%arg14 : memref<16x128xf32, #tpu.memory_space<vmem>>)
      %dma_wait3A_369 = arith.constant 0 : i32
      %dma_wait3A_370 = arith.constant 0 : i32
      %dma_wait3A_371 = tpu.memref_slice %arg6[%dma_wait3A_369, %dma_wait3A_370] : memref<1000000x64xf32, #tpu.memory_space<hbm>> -> memref<80x64xf32, #tpu.memory_space<hbm>>
      %dma_wait3A_372 = arith.constant 0 : i32
      %dma_wait3A_373 = arith.constant 0 : i32
      %dma_wait3A_374 = tpu.memref_slice %arg6[%dma_wait3A_372, %dma_wait3A_373] : memref<1000000x64xf32, #tpu.memory_space<hbm>> -> memref<80x64xf32, #tpu.memory_space<hbm>>
      tpu.wait_dma2 semaphore(%arg17 : memref<!tpu.dma_semaphore, #tpu.memory_space<semaphore_mem>>) src(%dma_wait3A_374 : memref<80x64xf32, #tpu.memory_space<hbm>>) dst(%arg15 : memref<80x64xf32, #tpu.memory_space<vmem>>)
      %add3A_375 = arith.constant 0 : i32
      %add3A_376 = vector.broadcast %add3A_375 : i32 to vector<16xi32>
      %add3A_377 = arith.addi %add3A_376, %iota3A : vector<16xi32>
      %jit3A_378 = arith.constant 5 : i32
      %div3A_379 = vector.broadcast %jit3A_378 : i32 to vector<16xi32>
      %div3A_380 = arith.divsi %add3A_377, %div3A_379 : vector<16xi32>
      %sign3A_381 = arith.constant 0 : i32
      %sign3A_382 = vector.broadcast %sign3A_381 : i32 to vector<16xi32>
      %sign3A_383 = arith.cmpi sgt, %add3A_377, %sign3A_382 : vector<16xi32>
      %sign3A_384 = arith.extui %sign3A_383 : vector<16xi1> to vector<16xi32>
      %sign3A_385 = arith.constant 0 : i32
      %sign3A_386 = vector.broadcast %sign3A_385 : i32 to vector<16xi32>
      %sign3A_387 = arith.cmpi slt, %add3A_377, %sign3A_386 : vector<16xi32>
      %sign3A_388 = arith.extui %sign3A_387 : vector<16xi1> to vector<16xi32>
      %sign3A_389 = arith.subi %sign3A_384, %sign3A_388 : vector<16xi32>
      %sign3A_390 = arith.constant 0 : i32
      %sign3A_391 = arith.cmpi sgt, %jit3A_378, %sign3A_390 : i32
      %sign3A_392 = arith.extui %sign3A_391 : i1 to i32
      %sign3A_393 = arith.constant 0 : i32
      %sign3A_394 = arith.cmpi slt, %jit3A_378, %sign3A_393 : i32
      %sign3A_395 = arith.extui %sign3A_394 : i1 to i32
      %sign3A_396 = arith.subi %sign3A_392, %sign3A_395 : i32
      %ne3A_397 = vector.broadcast %sign3A_396 : i32 to vector<16xi32>
      %ne3A_398 = arith.cmpi ne, %sign3A_389, %ne3A_397 : vector<16xi32>
      %rem3A_399 = vector.broadcast %jit3A_378 : i32 to vector<16xi32>
      %rem3A_400 = arith.remsi %add3A_377, %rem3A_399 : vector<16xi32>
      %ne3A_401 = arith.constant 0 : i32
      %ne3A_402 = vector.broadcast %ne3A_401 : i32 to vector<16xi32>
      %ne3A_403 = arith.cmpi ne, %rem3A_400, %ne3A_402 : vector<16xi32>
      %and3A_404 = arith.andi %ne3A_398, %ne3A_403 : vector<16xi1>
      %sub3A_405 = arith.constant 1 : i32
      %sub3A_406 = vector.broadcast %sub3A_405 : i32 to vector<16xi32>
      %sub3A_407 = arith.subi %div3A_380, %sub3A_406 : vector<16xi32>
      %select_n3A_408 = arith.select %and3A_404, %sub3A_407, %div3A_380 : vector<16xi1>, vector<16xi32>
      %mul3A_409 = arith.constant 16 : i32
      %mul3A_410 = arith.muli %add3A_346, %mul3A_409 : i32
      %add3A_411 = vector.broadcast %mul3A_410 : i32 to vector<16xi32>
      %add3A_412 = arith.addi %add3A_411, %select_n3A_408 : vector<16xi32>
      %gather3A_413 = tpu.vector_load_idx %arg9[%add3A_412] : memref<512xi32, #tpu.memory_space<vmem>>[vector<16xi32>], vector<16xi32>,
      %broadcast_in_dim3A_414 = arith.constant 0.000000e+00 : f32
      %broadcast_in_dim3A_415 = vector.broadcast %broadcast_in_dim3A_414 : f32 to vector<16xf32>
      %broadcast_in_dim3A_416 = arith.constant 0.000000e+00 : f32
      %broadcast_in_dim3A_417 = vector.broadcast %broadcast_in_dim3A_416 : f32 to vector<16xf32>
      %scan3A_418 = arith.constant 0 : i32
      %scan3A_419 = arith.constant 32 : i32
      %scan3A_420 = arith.addi %scan3A_418, %scan3A_419 : i32
      %scan3A_421 = arith.constant 4 : i32
      %scan3A_422:2 = scf.for %scan3A_655 = %scan3A_418 to %scan3A_420 step %scan3A_421 iter_args(%scan3A_656 = %broadcast_in_dim3A_415, %scan3A_657 = %broadcast_in_dim3A_417) -> (vector<16xf32>, vector<16xf32>)  : i32 {
        %mul3A_658 = arith.constant 2 : i32
        %mul3A_659 = arith.muli %scan3A_655, %mul3A_658 : i32
        %broadcast_in_dim3A_660 = vector.broadcast %mul3A_659 : i32 to vector<16xi32>
        %add3A_661 = arith.constant 1 : i32
        %add3A_662 = arith.addi %mul3A_659, %add3A_661 : i32
        %broadcast_in_dim3A_663 = vector.broadcast %add3A_662 : i32 to vector<16xi32>
        %add3A_664 = arith.addi %gather3A_413, %broadcast_in_dim3A_660 : vector<16xi32>
        %gather3A_665 = tpu.vector_load_idx %arg14[%select_n3A_408, %add3A_664] : memref<16x128xf32, #tpu.memory_space<vmem>>[vector<16xi32>, vector<16xi32>], vector<16xf32>,
        %gather3A_666 = tpu.vector_load_idx %arg15[%add3A_377, %broadcast_in_dim3A_660] : memref<80x64xf32, #tpu.memory_space<vmem>>[vector<16xi32>, vector<16xi32>], vector<16xf32>,
        %add3A_667 = arith.addi %gather3A_413, %broadcast_in_dim3A_663 : vector<16xi32>
        %gather3A_668 = tpu.vector_load_idx %arg14[%select_n3A_408, %add3A_667] : memref<16x128xf32, #tpu.memory_space<vmem>>[vector<16xi32>, vector<16xi32>], vector<16xf32>,
        %gather3A_669 = tpu.vector_load_idx %arg15[%add3A_377, %broadcast_in_dim3A_663] : memref<80x64xf32, #tpu.memory_space<vmem>>[vector<16xi32>, vector<16xi32>], vector<16xf32>,
        %mul3A_670 = arith.mulf %gather3A_665, %gather3A_666 : vector<16xf32>
        %add3A_671 = arith.addf %scan3A_656, %mul3A_670 : vector<16xf32>
        %mul3A_672 = arith.mulf %gather3A_668, %gather3A_669 : vector<16xf32>
        %add3A_673 = arith.addf %scan3A_657, %mul3A_672 : vector<16xf32>
        %scan3A_674 = arith.constant 1 : i32
        %scan3A_675 = arith.addi %scan3A_655, %scan3A_674 : i32
        %mul3A_676 = arith.constant 2 : i32
        %mul3A_677 = arith.muli %scan3A_675, %mul3A_676 : i32
        %broadcast_in_dim3A_678 = vector.broadcast %mul3A_677 : i32 to vector<16xi32>
        %add3A_679 = arith.constant 1 : i32
        %add3A_680 = arith.addi %mul3A_677, %add3A_679 : i32
        %broadcast_in_dim3A_681 = vector.broadcast %add3A_680 : i32 to vector<16xi32>
        %add3A_682 = arith.addi %gather3A_413, %broadcast_in_dim3A_678 : vector<16xi32>
        %gather3A_683 = tpu.vector_load_idx %arg14[%select_n3A_408, %add3A_682] : memref<16x128xf32, #tpu.memory_space<vmem>>[vector<16xi32>, vector<16xi32>], vector<16xf32>,
        %gather3A_684 = tpu.vector_load_idx %arg15[%add3A_377, %broadcast_in_dim3A_678] : memref<80x64xf32, #tpu.memory_space<vmem>>[vector<16xi32>, vector<16xi32>], vector<16xf32>,
        %add3A_685 = arith.addi %gather3A_413, %broadcast_in_dim3A_681 : vector<16xi32>
        %gather3A_686 = tpu.vector_load_idx %arg14[%select_n3A_408, %add3A_685] : memref<16x128xf32, #tpu.memory_space<vmem>>[vector<16xi32>, vector<16xi32>], vector<16xf32>,
        %gather3A_687 = tpu.vector_load_idx %arg15[%add3A_377, %broadcast_in_dim3A_681] : memref<80x64xf32, #tpu.memory_space<vmem>>[vector<16xi32>, vector<16xi32>], vector<16xf32>,
        %mul3A_688 = arith.mulf %gather3A_683, %gather3A_684 : vector<16xf32>
        %add3A_689 = arith.addf %add3A_671, %mul3A_688 : vector<16xf32>
        %mul3A_690 = arith.mulf %gather3A_686, %gather3A_687 : vector<16xf32>
        %add3A_691 = arith.addf %add3A_673, %mul3A_690 : vector<16xf32>
        %scan3A_692 = arith.constant 2 : i32
        %scan3A_693 = arith.addi %scan3A_655, %scan3A_692 : i32
        %mul3A_694 = arith.constant 2 : i32
        %mul3A_695 = arith.muli %scan3A_693, %mul3A_694 : i32
        %broadcast_in_dim3A_696 = vector.broadcast %mul3A_695 : i32 to vector<16xi32>
        %add3A_697 = arith.constant 1 : i32
        %add3A_698 = arith.addi %mul3A_695, %add3A_697 : i32
        %broadcast_in_dim3A_699 = vector.broadcast %add3A_698 : i32 to vector<16xi32>
        %add3A_700 = arith.addi %gather3A_413, %broadcast_in_dim3A_696 : vector<16xi32>
        %gather3A_701 = tpu.vector_load_idx %arg14[%select_n3A_408, %add3A_700] : memref<16x128xf32, #tpu.memory_space<vmem>>[vector<16xi32>, vector<16xi32>], vector<16xf32>,
        %gather3A_702 = tpu.vector_load_idx %arg15[%add3A_377, %broadcast_in_dim3A_696] : memref<80x64xf32, #tpu.memory_space<vmem>>[vector<16xi32>, vector<16xi32>], vector<16xf32>,
        %add3A_703 = arith.addi %gather3A_413, %broadcast_in_dim3A_699 : vector<16xi32>
        %gather3A_704 = tpu.vector_load_idx %arg14[%select_n3A_408, %add3A_703] : memref<16x128xf32, #tpu.memory_space<vmem>>[vector<16xi32>, vector<16xi32>], vector<16xf32>,
        %gather3A_705 = tpu.vector_load_idx %arg15[%add3A_377, %broadcast_in_dim3A_699] : memref<80x64xf32, #tpu.memory_space<vmem>>[vector<16xi32>, vector<16xi32>], vector<16xf32>,
        %mul3A_706 = arith.mulf %gather3A_701, %gather3A_702 : vector<16xf32>
        %add3A_707 = arith.addf %add3A_689, %mul3A_706 : vector<16xf32>
        %mul3A_708 = arith.mulf %gather3A_704, %gather3A_705 : vector<16xf32>
        %add3A_709 = arith.addf %add3A_691, %mul3A_708 : vector<16xf32>
        %scan3A_710 = arith.constant 3 : i32
        %scan3A_711 = arith.addi %scan3A_655, %scan3A_710 : i32
        %mul3A_712 = arith.constant 2 : i32
        %mul3A_713 = arith.muli %scan3A_711, %mul3A_712 : i32
        %broadcast_in_dim3A_714 = vector.broadcast %mul3A_713 : i32 to vector<16xi32>
        %add3A_715 = arith.constant 1 : i32
        %add3A_716 = arith.addi %mul3A_713, %add3A_715 : i32
        %broadcast_in_dim3A_717 = vector.broadcast %add3A_716 : i32 to vector<16xi32>
        %add3A_718 = arith.addi %gather3A_413, %broadcast_in_dim3A_714 : vector<16xi32>
        %gather3A_719 = tpu.vector_load_idx %arg14[%select_n3A_408, %add3A_718] : memref<16x128xf32, #tpu.memory_space<vmem>>[vector<16xi32>, vector<16xi32>], vector<16xf32>,
        %gather3A_720 = tpu.vector_load_idx %arg15[%add3A_377, %broadcast_in_dim3A_714] : memref<80x64xf32, #tpu.memory_space<vmem>>[vector<16xi32>, vector<16xi32>], vector<16xf32>,
        %add3A_721 = arith.addi %gather3A_413, %broadcast_in_dim3A_717 : vector<16xi32>
        %gather3A_722 = tpu.vector_load_idx %arg14[%select_n3A_408, %add3A_721] : memref<16x128xf32, #tpu.memory_space<vmem>>[vector<16xi32>, vector<16xi32>], vector<16xf32>,
        %gather3A_723 = tpu.vector_load_idx %arg15[%add3A_377, %broadcast_in_dim3A_717] : memref<80x64xf32, #tpu.memory_space<vmem>>[vector<16xi32>, vector<16xi32>], vector<16xf32>,
        %mul3A_724 = arith.mulf %gather3A_719, %gather3A_720 : vector<16xf32>
        %add3A_725 = arith.addf %add3A_707, %mul3A_724 : vector<16xf32>
        %mul3A_726 = arith.mulf %gather3A_722, %gather3A_723 : vector<16xf32>
        %add3A_727 = arith.addf %add3A_709, %mul3A_726 : vector<16xf32>
        scf.yield %add3A_725, %add3A_727 : vector<16xf32>, vector<16xf32>
      }
      %scan3A_423 = arith.constant 32 : i32
      %add3A_424 = arith.addf %scan3A_422#0, %scan3A_422#1 : vector<16xf32>
      %mul3A_425 = arith.constant 80 : i32
      %mul3A_426 = arith.muli %add3A_346, %mul3A_425 : i32
      %add3A_427 = arith.constant 0 : i32
      %add3A_428 = arith.addi %mul3A_426, %add3A_427 : i32
      %swap3A_429 = arith.index_cast %add3A_428 : i32 to index
      %swap3A_430 = tpu.vector_load %arg11[%swap3A_429] {strides = array<i32>} : memref<2560xf32, #tpu.memory_space<vmem>>, vector<16xf32>,
      tpu.vector_store %arg11[%swap3A_429], %add3A_424 {strides = array<i32>} : memref<2560xf32, #tpu.memory_space<vmem>>, vector<16xf32>,
      %add3A_431 = arith.constant 16 : i32
      %add3A_432 = vector.broadcast %add3A_431 : i32 to vector<16xi32>
      %add3A_433 = arith.addi %add3A_432, %iota3A : vector<16xi32>
      %jit3A_434 = arith.constant 5 : i32
      %div3A_435 = vector.broadcast %jit3A_434 : i32 to vector<16xi32>
      %div3A_436 = arith.divsi %add3A_433, %div3A_435 : vector<16xi32>
      %sign3A_437 = arith.constant 0 : i32
      %sign3A_438 = vector.broadcast %sign3A_437 : i32 to vector<16xi32>
      %sign3A_439 = arith.cmpi sgt, %add3A_433, %sign3A_438 : vector<16xi32>
      %sign3A_440 = arith.extui %sign3A_439 : vector<16xi1> to vector<16xi32>
      %sign3A_441 = arith.constant 0 : i32
      %sign3A_442 = vector.broadcast %sign3A_441 : i32 to vector<16xi32>
      %sign3A_443 = arith.cmpi slt, %add3A_433, %sign3A_442 : vector<16xi32>
      %sign3A_444 = arith.extui %sign3A_443 : vector<16xi1> to vector<16xi32>
      %sign3A_445 = arith.subi %sign3A_440, %sign3A_444 : vector<16xi32>
      %sign3A_446 = arith.constant 0 : i32
      %sign3A_447 = arith.cmpi sgt, %jit3A_434, %sign3A_446 : i32
      %sign3A_448 = arith.extui %sign3A_447 : i1 to i32
      %sign3A_449 = arith.constant 0 : i32
      %sign3A_450 = arith.cmpi slt, %jit3A_434, %sign3A_449 : i32
      %sign3A_451 = arith.extui %sign3A_450 : i1 to i32
      %sign3A_452 = arith.subi %sign3A_448, %sign3A_451 : i32
      %ne3A_453 = vector.broadcast %sign3A_452 : i32 to vector<16xi32>
      %ne3A_454 = arith.cmpi ne, %sign3A_445, %ne3A_453 : vector<16xi32>
      %rem3A_455 = vector.broadcast %jit3A_434 : i32 to vector<16xi32>
      %rem3A_456 = arith.remsi %add3A_433, %rem3A_455 : vector<16xi32>
      %ne3A_457 = arith.constant 0 : i32
      %ne3A_458 = vector.broadcast %ne3A_457 : i32 to vector<16xi32>
      %ne3A_459 = arith.cmpi ne, %rem3A_456, %ne3A_458 : vector<16xi32>
      %and3A_460 = arith.andi %ne3A_454, %ne3A_459 : vector<16xi1>
      %sub3A_461 = arith.constant 1 : i32
      %sub3A_462 = vector.broadcast %sub3A_461 : i32 to vector<16xi32>
      %sub3A_463 = arith.subi %div3A_436, %sub3A_462 : vector<16xi32>
      %select_n3A_464 = arith.select %and3A_460, %sub3A_463, %div3A_436 : vector<16xi1>, vector<16xi32>
      %mul3A_465 = arith.constant 16 : i32
      %mul3A_466 = arith.muli %add3A_346, %mul3A_465 : i32
      %add3A_467 = vector.broadcast %mul3A_466 : i32 to vector<16xi32>
      %add3A_468 = arith.addi %add3A_467, %select_n3A_464 : vector<16xi32>
      %gather3A_469 = tpu.vector_load_idx %arg9[%add3A_468] : memref<512xi32, #tpu.memory_space<vmem>>[vector<16xi32>], vector<16xi32>,
      %broadcast_in_dim3A_470 = arith.constant 0.000000e+00 : f32
      %broadcast_in_dim3A_471 = vector.broadcast %broadcast_in_dim3A_470 : f32 to vector<16xf32>
      %broadcast_in_dim3A_472 = arith.constant 0.000000e+00 : f32
      %broadcast_in_dim3A_473 = vector.broadcast %broadcast_in_dim3A_472 : f32 to vector<16xf32>
      %scan3A_474 = arith.constant 0 : i32
      %scan3A_475 = arith.constant 32 : i32
      %scan3A_476 = arith.addi %scan3A_474, %scan3A_475 : i32
      %scan3A_477 = arith.constant 4 : i32
      %scan3A_478:2 = scf.for %scan3A_655 = %scan3A_474 to %scan3A_476 step %scan3A_477 iter_args(%scan3A_656 = %broadcast_in_dim3A_471, %scan3A_657 = %broadcast_in_dim3A_473) -> (vector<16xf32>, vector<16xf32>)  : i32 {
        %mul3A_658 = arith.constant 2 : i32
        %mul3A_659 = arith.muli %scan3A_655, %mul3A_658 : i32
        %broadcast_in_dim3A_660 = vector.broadcast %mul3A_659 : i32 to vector<16xi32>
        %add3A_661 = arith.constant 1 : i32
        %add3A_662 = arith.addi %mul3A_659, %add3A_661 : i32
        %broadcast_in_dim3A_663 = vector.broadcast %add3A_662 : i32 to vector<16xi32>
        %add3A_664 = arith.addi %gather3A_469, %broadcast_in_dim3A_660 : vector<16xi32>
        %gather3A_665 = tpu.vector_load_idx %arg14[%select_n3A_464, %add3A_664] : memref<16x128xf32, #tpu.memory_space<vmem>>[vector<16xi32>, vector<16xi32>], vector<16xf32>,
        %gather3A_666 = tpu.vector_load_idx %arg15[%add3A_433, %broadcast_in_dim3A_660] : memref<80x64xf32, #tpu.memory_space<vmem>>[vector<16xi32>, vector<16xi32>], vector<16xf32>,
        %add3A_667 = arith.addi %gather3A_469, %broadcast_in_dim3A_663 : vector<16xi32>
        %gather3A_668 = tpu.vector_load_idx %arg14[%select_n3A_464, %add3A_667] : memref<16x128xf32, #tpu.memory_space<vmem>>[vector<16xi32>, vector<16xi32>], vector<16xf32>,
        %gather3A_669 = tpu.vector_load_idx %arg15[%add3A_433, %broadcast_in_dim3A_663] : memref<80x64xf32, #tpu.memory_space<vmem>>[vector<16xi32>, vector<16xi32>], vector<16xf32>,
        %mul3A_670 = arith.mulf %gather3A_665, %gather3A_666 : vector<16xf32>
        %add3A_671 = arith.addf %scan3A_656, %mul3A_670 : vector<16xf32>
        %mul3A_672 = arith.mulf %gather3A_668, %gather3A_669 : vector<16xf32>
        %add3A_673 = arith.addf %scan3A_657, %mul3A_672 : vector<16xf32>
        %scan3A_674 = arith.constant 1 : i32
        %scan3A_675 = arith.addi %scan3A_655, %scan3A_674 : i32
        %mul3A_676 = arith.constant 2 : i32
        %mul3A_677 = arith.muli %scan3A_675, %mul3A_676 : i32
        %broadcast_in_dim3A_678 = vector.broadcast %mul3A_677 : i32 to vector<16xi32>
        %add3A_679 = arith.constant 1 : i32
        %add3A_680 = arith.addi %mul3A_677, %add3A_679 : i32
        %broadcast_in_dim3A_681 = vector.broadcast %add3A_680 : i32 to vector<16xi32>
        %add3A_682 = arith.addi %gather3A_469, %broadcast_in_dim3A_678 : vector<16xi32>
        %gather3A_683 = tpu.vector_load_idx %arg14[%select_n3A_464, %add3A_682] : memref<16x128xf32, #tpu.memory_space<vmem>>[vector<16xi32>, vector<16xi32>], vector<16xf32>,
        %gather3A_684 = tpu.vector_load_idx %arg15[%add3A_433, %broadcast_in_dim3A_678] : memref<80x64xf32, #tpu.memory_space<vmem>>[vector<16xi32>, vector<16xi32>], vector<16xf32>,
        %add3A_685 = arith.addi %gather3A_469, %broadcast_in_dim3A_681 : vector<16xi32>
        %gather3A_686 = tpu.vector_load_idx %arg14[%select_n3A_464, %add3A_685] : memref<16x128xf32, #tpu.memory_space<vmem>>[vector<16xi32>, vector<16xi32>], vector<16xf32>,
        %gather3A_687 = tpu.vector_load_idx %arg15[%add3A_433, %broadcast_in_dim3A_681] : memref<80x64xf32, #tpu.memory_space<vmem>>[vector<16xi32>, vector<16xi32>], vector<16xf32>,
        %mul3A_688 = arith.mulf %gather3A_683, %gather3A_684 : vector<16xf32>
        %add3A_689 = arith.addf %add3A_671, %mul3A_688 : vector<16xf32>
        %mul3A_690 = arith.mulf %gather3A_686, %gather3A_687 : vector<16xf32>
        %add3A_691 = arith.addf %add3A_673, %mul3A_690 : vector<16xf32>
        %scan3A_692 = arith.constant 2 : i32
        %scan3A_693 = arith.addi %scan3A_655, %scan3A_692 : i32
        %mul3A_694 = arith.constant 2 : i32
        %mul3A_695 = arith.muli %scan3A_693, %mul3A_694 : i32
        %broadcast_in_dim3A_696 = vector.broadcast %mul3A_695 : i32 to vector<16xi32>
        %add3A_697 = arith.constant 1 : i32
        %add3A_698 = arith.addi %mul3A_695, %add3A_697 : i32
        %broadcast_in_dim3A_699 = vector.broadcast %add3A_698 : i32 to vector<16xi32>
        %add3A_700 = arith.addi %gather3A_469, %broadcast_in_dim3A_696 : vector<16xi32>
        %gather3A_701 = tpu.vector_load_idx %arg14[%select_n3A_464, %add3A_700] : memref<16x128xf32, #tpu.memory_space<vmem>>[vector<16xi32>, vector<16xi32>], vector<16xf32>,
        %gather3A_702 = tpu.vector_load_idx %arg15[%add3A_433, %broadcast_in_dim3A_696] : memref<80x64xf32, #tpu.memory_space<vmem>>[vector<16xi32>, vector<16xi32>], vector<16xf32>,
        %add3A_703 = arith.addi %gather3A_469, %broadcast_in_dim3A_699 : vector<16xi32>
        %gather3A_704 = tpu.vector_load_idx %arg14[%select_n3A_464, %add3A_703] : memref<16x128xf32, #tpu.memory_space<vmem>>[vector<16xi32>, vector<16xi32>], vector<16xf32>,
        %gather3A_705 = tpu.vector_load_idx %arg15[%add3A_433, %broadcast_in_dim3A_699] : memref<80x64xf32, #tpu.memory_space<vmem>>[vector<16xi32>, vector<16xi32>], vector<16xf32>,
        %mul3A_706 = arith.mulf %gather3A_701, %gather3A_702 : vector<16xf32>
        %add3A_707 = arith.addf %add3A_689, %mul3A_706 : vector<16xf32>
        %mul3A_708 = arith.mulf %gather3A_704, %gather3A_705 : vector<16xf32>
        %add3A_709 = arith.addf %add3A_691, %mul3A_708 : vector<16xf32>
        %scan3A_710 = arith.constant 3 : i32
        %scan3A_711 = arith.addi %scan3A_655, %scan3A_710 : i32
        %mul3A_712 = arith.constant 2 : i32
        %mul3A_713 = arith.muli %scan3A_711, %mul3A_712 : i32
        %broadcast_in_dim3A_714 = vector.broadcast %mul3A_713 : i32 to vector<16xi32>
        %add3A_715 = arith.constant 1 : i32
        %add3A_716 = arith.addi %mul3A_713, %add3A_715 : i32
        %broadcast_in_dim3A_717 = vector.broadcast %add3A_716 : i32 to vector<16xi32>
        %add3A_718 = arith.addi %gather3A_469, %broadcast_in_dim3A_714 : vector<16xi32>
        %gather3A_719 = tpu.vector_load_idx %arg14[%select_n3A_464, %add3A_718] : memref<16x128xf32, #tpu.memory_space<vmem>>[vector<16xi32>, vector<16xi32>], vector<16xf32>,
        %gather3A_720 = tpu.vector_load_idx %arg15[%add3A_433, %broadcast_in_dim3A_714] : memref<80x64xf32, #tpu.memory_space<vmem>>[vector<16xi32>, vector<16xi32>], vector<16xf32>,
        %add3A_721 = arith.addi %gather3A_469, %broadcast_in_dim3A_717 : vector<16xi32>
        %gather3A_722 = tpu.vector_load_idx %arg14[%select_n3A_464, %add3A_721] : memref<16x128xf32, #tpu.memory_space<vmem>>[vector<16xi32>, vector<16xi32>], vector<16xf32>,
        %gather3A_723 = tpu.vector_load_idx %arg15[%add3A_433, %broadcast_in_dim3A_717] : memref<80x64xf32, #tpu.memory_space<vmem>>[vector<16xi32>, vector<16xi32>], vector<16xf32>,
        %mul3A_724 = arith.mulf %gather3A_719, %gather3A_720 : vector<16xf32>
        %add3A_725 = arith.addf %add3A_707, %mul3A_724 : vector<16xf32>
        %mul3A_726 = arith.mulf %gather3A_722, %gather3A_723 : vector<16xf32>
        %add3A_727 = arith.addf %add3A_709, %mul3A_726 : vector<16xf32>
        scf.yield %add3A_725, %add3A_727 : vector<16xf32>, vector<16xf32>
      }
      %scan3A_479 = arith.constant 32 : i32
      %add3A_480 = arith.addf %scan3A_478#0, %scan3A_478#1 : vector<16xf32>
      %mul3A_481 = arith.constant 80 : i32
      %mul3A_482 = arith.muli %add3A_346, %mul3A_481 : i32
      %add3A_483 = arith.constant 16 : i32
      %add3A_484 = arith.addi %mul3A_482, %add3A_483 : i32
      %swap3A_485 = arith.index_cast %add3A_484 : i32 to index
      %swap3A_486 = tpu.vector_load %arg11[%swap3A_485] {strides = array<i32>} : memref<2560xf32, #tpu.memory_space<vmem>>, vector<16xf32>,
      tpu.vector_store %arg11[%swap3A_485], %add3A_480 {strides = array<i32>} : memref<2560xf32, #tpu.memory_space<vmem>>, vector<16xf32>,
      %add3A_487 = arith.constant 32 : i32
      %add3A_488 = vector.broadcast %add3A_487 : i32 to vector<16xi32>
      %add3A_489 = arith.addi %add3A_488, %iota3A : vector<16xi32>
      %jit3A_490 = arith.constant 5 : i32
      %div3A_491 = vector.broadcast %jit3A_490 : i32 to vector<16xi32>
      %div3A_492 = arith.divsi %add3A_489, %div3A_491 : vector<16xi32>
      %sign3A_493 = arith.constant 0 : i32
      %sign3A_494 = vector.broadcast %sign3A_493 : i32 to vector<16xi32>
      %sign3A_495 = arith.cmpi sgt, %add3A_489, %sign3A_494 : vector<16xi32>
      %sign3A_496 = arith.extui %sign3A_495 : vector<16xi1> to vector<16xi32>
      %sign3A_497 = arith.constant 0 : i32
      %sign3A_498 = vector.broadcast %sign3A_497 : i32 to vector<16xi32>
      %sign3A_499 = arith.cmpi slt, %add3A_489, %sign3A_498 : vector<16xi32>
      %sign3A_500 = arith.extui %sign3A_499 : vector<16xi1> to vector<16xi32>
      %sign3A_501 = arith.subi %sign3A_496, %sign3A_500 : vector<16xi32>
      %sign3A_502 = arith.constant 0 : i32
      %sign3A_503 = arith.cmpi sgt, %jit3A_490, %sign3A_502 : i32
      %sign3A_504 = arith.extui %sign3A_503 : i1 to i32
      %sign3A_505 = arith.constant 0 : i32
      %sign3A_506 = arith.cmpi slt, %jit3A_490, %sign3A_505 : i32
      %sign3A_507 = arith.extui %sign3A_506 : i1 to i32
      %sign3A_508 = arith.subi %sign3A_504, %sign3A_507 : i32
      %ne3A_509 = vector.broadcast %sign3A_508 : i32 to vector<16xi32>
      %ne3A_510 = arith.cmpi ne, %sign3A_501, %ne3A_509 : vector<16xi32>
      %rem3A_511 = vector.broadcast %jit3A_490 : i32 to vector<16xi32>
      %rem3A_512 = arith.remsi %add3A_489, %rem3A_511 : vector<16xi32>
      %ne3A_513 = arith.constant 0 : i32
      %ne3A_514 = vector.broadcast %ne3A_513 : i32 to vector<16xi32>
      %ne3A_515 = arith.cmpi ne, %rem3A_512, %ne3A_514 : vector<16xi32>
      %and3A_516 = arith.andi %ne3A_510, %ne3A_515 : vector<16xi1>
      %sub3A_517 = arith.constant 1 : i32
      %sub3A_518 = vector.broadcast %sub3A_517 : i32 to vector<16xi32>
      %sub3A_519 = arith.subi %div3A_492, %sub3A_518 : vector<16xi32>
      %select_n3A_520 = arith.select %and3A_516, %sub3A_519, %div3A_492 : vector<16xi1>, vector<16xi32>
      %mul3A_521 = arith.constant 16 : i32
      %mul3A_522 = arith.muli %add3A_346, %mul3A_521 : i32
      %add3A_523 = vector.broadcast %mul3A_522 : i32 to vector<16xi32>
      %add3A_524 = arith.addi %add3A_523, %select_n3A_520 : vector<16xi32>
      %gather3A_525 = tpu.vector_load_idx %arg9[%add3A_524] : memref<512xi32, #tpu.memory_space<vmem>>[vector<16xi32>], vector<16xi32>,
      %broadcast_in_dim3A_526 = arith.constant 0.000000e+00 : f32
      %broadcast_in_dim3A_527 = vector.broadcast %broadcast_in_dim3A_526 : f32 to vector<16xf32>
      %broadcast_in_dim3A_528 = arith.constant 0.000000e+00 : f32
      %broadcast_in_dim3A_529 = vector.broadcast %broadcast_in_dim3A_528 : f32 to vector<16xf32>
      %scan3A_530 = arith.constant 0 : i32
      %scan3A_531 = arith.constant 32 : i32
      %scan3A_532 = arith.addi %scan3A_530, %scan3A_531 : i32
      %scan3A_533 = arith.constant 4 : i32
      %scan3A_534:2 = scf.for %scan3A_655 = %scan3A_530 to %scan3A_532 step %scan3A_533 iter_args(%scan3A_656 = %broadcast_in_dim3A_527, %scan3A_657 = %broadcast_in_dim3A_529) -> (vector<16xf32>, vector<16xf32>)  : i32 {
        %mul3A_658 = arith.constant 2 : i32
        %mul3A_659 = arith.muli %scan3A_655, %mul3A_658 : i32
        %broadcast_in_dim3A_660 = vector.broadcast %mul3A_659 : i32 to vector<16xi32>
        %add3A_661 = arith.constant 1 : i32
        %add3A_662 = arith.addi %mul3A_659, %add3A_661 : i32
        %broadcast_in_dim3A_663 = vector.broadcast %add3A_662 : i32 to vector<16xi32>
        %add3A_664 = arith.addi %gather3A_525, %broadcast_in_dim3A_660 : vector<16xi32>
        %gather3A_665 = tpu.vector_load_idx %arg14[%select_n3A_520, %add3A_664] : memref<16x128xf32, #tpu.memory_space<vmem>>[vector<16xi32>, vector<16xi32>], vector<16xf32>,
        %gather3A_666 = tpu.vector_load_idx %arg15[%add3A_489, %broadcast_in_dim3A_660] : memref<80x64xf32, #tpu.memory_space<vmem>>[vector<16xi32>, vector<16xi32>], vector<16xf32>,
        %add3A_667 = arith.addi %gather3A_525, %broadcast_in_dim3A_663 : vector<16xi32>
        %gather3A_668 = tpu.vector_load_idx %arg14[%select_n3A_520, %add3A_667] : memref<16x128xf32, #tpu.memory_space<vmem>>[vector<16xi32>, vector<16xi32>], vector<16xf32>,
        %gather3A_669 = tpu.vector_load_idx %arg15[%add3A_489, %broadcast_in_dim3A_663] : memref<80x64xf32, #tpu.memory_space<vmem>>[vector<16xi32>, vector<16xi32>], vector<16xf32>,
        %mul3A_670 = arith.mulf %gather3A_665, %gather3A_666 : vector<16xf32>
        %add3A_671 = arith.addf %scan3A_656, %mul3A_670 : vector<16xf32>
        %mul3A_672 = arith.mulf %gather3A_668, %gather3A_669 : vector<16xf32>
        %add3A_673 = arith.addf %scan3A_657, %mul3A_672 : vector<16xf32>
        %scan3A_674 = arith.constant 1 : i32
        %scan3A_675 = arith.addi %scan3A_655, %scan3A_674 : i32
        %mul3A_676 = arith.constant 2 : i32
        %mul3A_677 = arith.muli %scan3A_675, %mul3A_676 : i32
        %broadcast_in_dim3A_678 = vector.broadcast %mul3A_677 : i32 to vector<16xi32>
        %add3A_679 = arith.constant 1 : i32
        %add3A_680 = arith.addi %mul3A_677, %add3A_679 : i32
        %broadcast_in_dim3A_681 = vector.broadcast %add3A_680 : i32 to vector<16xi32>
        %add3A_682 = arith.addi %gather3A_525, %broadcast_in_dim3A_678 : vector<16xi32>
        %gather3A_683 = tpu.vector_load_idx %arg14[%select_n3A_520, %add3A_682] : memref<16x128xf32, #tpu.memory_space<vmem>>[vector<16xi32>, vector<16xi32>], vector<16xf32>,
        %gather3A_684 = tpu.vector_load_idx %arg15[%add3A_489, %broadcast_in_dim3A_678] : memref<80x64xf32, #tpu.memory_space<vmem>>[vector<16xi32>, vector<16xi32>], vector<16xf32>,
        %add3A_685 = arith.addi %gather3A_525, %broadcast_in_dim3A_681 : vector<16xi32>
        %gather3A_686 = tpu.vector_load_idx %arg14[%select_n3A_520, %add3A_685] : memref<16x128xf32, #tpu.memory_space<vmem>>[vector<16xi32>, vector<16xi32>], vector<16xf32>,
        %gather3A_687 = tpu.vector_load_idx %arg15[%add3A_489, %broadcast_in_dim3A_681] : memref<80x64xf32, #tpu.memory_space<vmem>>[vector<16xi32>, vector<16xi32>], vector<16xf32>,
        %mul3A_688 = arith.mulf %gather3A_683, %gather3A_684 : vector<16xf32>
        %add3A_689 = arith.addf %add3A_671, %mul3A_688 : vector<16xf32>
        %mul3A_690 = arith.mulf %gather3A_686, %gather3A_687 : vector<16xf32>
        %add3A_691 = arith.addf %add3A_673, %mul3A_690 : vector<16xf32>
        %scan3A_692 = arith.constant 2 : i32
        %scan3A_693 = arith.addi %scan3A_655, %scan3A_692 : i32
        %mul3A_694 = arith.constant 2 : i32
        %mul3A_695 = arith.muli %scan3A_693, %mul3A_694 : i32
        %broadcast_in_dim3A_696 = vector.broadcast %mul3A_695 : i32 to vector<16xi32>
        %add3A_697 = arith.constant 1 : i32
        %add3A_698 = arith.addi %mul3A_695, %add3A_697 : i32
        %broadcast_in_dim3A_699 = vector.broadcast %add3A_698 : i32 to vector<16xi32>
        %add3A_700 = arith.addi %gather3A_525, %broadcast_in_dim3A_696 : vector<16xi32>
        %gather3A_701 = tpu.vector_load_idx %arg14[%select_n3A_520, %add3A_700] : memref<16x128xf32, #tpu.memory_space<vmem>>[vector<16xi32>, vector<16xi32>], vector<16xf32>,
        %gather3A_702 = tpu.vector_load_idx %arg15[%add3A_489, %broadcast_in_dim3A_696] : memref<80x64xf32, #tpu.memory_space<vmem>>[vector<16xi32>, vector<16xi32>], vector<16xf32>,
        %add3A_703 = arith.addi %gather3A_525, %broadcast_in_dim3A_699 : vector<16xi32>
        %gather3A_704 = tpu.vector_load_idx %arg14[%select_n3A_520, %add3A_703] : memref<16x128xf32, #tpu.memory_space<vmem>>[vector<16xi32>, vector<16xi32>], vector<16xf32>,
        %gather3A_705 = tpu.vector_load_idx %arg15[%add3A_489, %broadcast_in_dim3A_699] : memref<80x64xf32, #tpu.memory_space<vmem>>[vector<16xi32>, vector<16xi32>], vector<16xf32>,
        %mul3A_706 = arith.mulf %gather3A_701, %gather3A_702 : vector<16xf32>
        %add3A_707 = arith.addf %add3A_689, %mul3A_706 : vector<16xf32>
        %mul3A_708 = arith.mulf %gather3A_704, %gather3A_705 : vector<16xf32>
        %add3A_709 = arith.addf %add3A_691, %mul3A_708 : vector<16xf32>
        %scan3A_710 = arith.constant 3 : i32
        %scan3A_711 = arith.addi %scan3A_655, %scan3A_710 : i32
        %mul3A_712 = arith.constant 2 : i32
        %mul3A_713 = arith.muli %scan3A_711, %mul3A_712 : i32
        %broadcast_in_dim3A_714 = vector.broadcast %mul3A_713 : i32 to vector<16xi32>
        %add3A_715 = arith.constant 1 : i32
        %add3A_716 = arith.addi %mul3A_713, %add3A_715 : i32
        %broadcast_in_dim3A_717 = vector.broadcast %add3A_716 : i32 to vector<16xi32>
        %add3A_718 = arith.addi %gather3A_525, %broadcast_in_dim3A_714 : vector<16xi32>
        %gather3A_719 = tpu.vector_load_idx %arg14[%select_n3A_520, %add3A_718] : memref<16x128xf32, #tpu.memory_space<vmem>>[vector<16xi32>, vector<16xi32>], vector<16xf32>,
        %gather3A_720 = tpu.vector_load_idx %arg15[%add3A_489, %broadcast_in_dim3A_714] : memref<80x64xf32, #tpu.memory_space<vmem>>[vector<16xi32>, vector<16xi32>], vector<16xf32>,
        %add3A_721 = arith.addi %gather3A_525, %broadcast_in_dim3A_717 : vector<16xi32>
        %gather3A_722 = tpu.vector_load_idx %arg14[%select_n3A_520, %add3A_721] : memref<16x128xf32, #tpu.memory_space<vmem>>[vector<16xi32>, vector<16xi32>], vector<16xf32>,
        %gather3A_723 = tpu.vector_load_idx %arg15[%add3A_489, %broadcast_in_dim3A_717] : memref<80x64xf32, #tpu.memory_space<vmem>>[vector<16xi32>, vector<16xi32>], vector<16xf32>,
        %mul3A_724 = arith.mulf %gather3A_719, %gather3A_720 : vector<16xf32>
        %add3A_725 = arith.addf %add3A_707, %mul3A_724 : vector<16xf32>
        %mul3A_726 = arith.mulf %gather3A_722, %gather3A_723 : vector<16xf32>
        %add3A_727 = arith.addf %add3A_709, %mul3A_726 : vector<16xf32>
        scf.yield %add3A_725, %add3A_727 : vector<16xf32>, vector<16xf32>
      }
      %scan3A_535 = arith.constant 32 : i32
      %add3A_536 = arith.addf %scan3A_534#0, %scan3A_534#1 : vector<16xf32>
      %mul3A_537 = arith.constant 80 : i32
      %mul3A_538 = arith.muli %add3A_346, %mul3A_537 : i32
      %add3A_539 = arith.constant 32 : i32
      %add3A_540 = arith.addi %mul3A_538, %add3A_539 : i32
      %swap3A_541 = arith.index_cast %add3A_540 : i32 to index
      %swap3A_542 = tpu.vector_load %arg11[%swap3A_541] {strides = array<i32>} : memref<2560xf32, #tpu.memory_space<vmem>>, vector<16xf32>,
      tpu.vector_store %arg11[%swap3A_541], %add3A_536 {strides = array<i32>} : memref<2560xf32, #tpu.memory_space<vmem>>, vector<16xf32>,
      %add3A_543 = arith.constant 48 : i32
      %add3A_544 = vector.broadcast %add3A_543 : i32 to vector<16xi32>
      %add3A_545 = arith.addi %add3A_544, %iota3A : vector<16xi32>
      %jit3A_546 = arith.constant 5 : i32
      %div3A_547 = vector.broadcast %jit3A_546 : i32 to vector<16xi32>
      %div3A_548 = arith.divsi %add3A_545, %div3A_547 : vector<16xi32>
      %sign3A_549 = arith.constant 0 : i32
      %sign3A_550 = vector.broadcast %sign3A_549 : i32 to vector<16xi32>
      %sign3A_551 = arith.cmpi sgt, %add3A_545, %sign3A_550 : vector<16xi32>
      %sign3A_552 = arith.extui %sign3A_551 : vector<16xi1> to vector<16xi32>
      %sign3A_553 = arith.constant 0 : i32
      %sign3A_554 = vector.broadcast %sign3A_553 : i32 to vector<16xi32>
      %sign3A_555 = arith.cmpi slt, %add3A_545, %sign3A_554 : vector<16xi32>
      %sign3A_556 = arith.extui %sign3A_555 : vector<16xi1> to vector<16xi32>
      %sign3A_557 = arith.subi %sign3A_552, %sign3A_556 : vector<16xi32>
      %sign3A_558 = arith.constant 0 : i32
      %sign3A_559 = arith.cmpi sgt, %jit3A_546, %sign3A_558 : i32
      %sign3A_560 = arith.extui %sign3A_559 : i1 to i32
      %sign3A_561 = arith.constant 0 : i32
      %sign3A_562 = arith.cmpi slt, %jit3A_546, %sign3A_561 : i32
      %sign3A_563 = arith.extui %sign3A_562 : i1 to i32
      %sign3A_564 = arith.subi %sign3A_560, %sign3A_563 : i32
      %ne3A_565 = vector.broadcast %sign3A_564 : i32 to vector<16xi32>
      %ne3A_566 = arith.cmpi ne, %sign3A_557, %ne3A_565 : vector<16xi32>
      %rem3A_567 = vector.broadcast %jit3A_546 : i32 to vector<16xi32>
      %rem3A_568 = arith.remsi %add3A_545, %rem3A_567 : vector<16xi32>
      %ne3A_569 = arith.constant 0 : i32
      %ne3A_570 = vector.broadcast %ne3A_569 : i32 to vector<16xi32>
      %ne3A_571 = arith.cmpi ne, %rem3A_568, %ne3A_570 : vector<16xi32>
      %and3A_572 = arith.andi %ne3A_566, %ne3A_571 : vector<16xi1>
      %sub3A_573 = arith.constant 1 : i32
      %sub3A_574 = vector.broadcast %sub3A_573 : i32 to vector<16xi32>
      %sub3A_575 = arith.subi %div3A_548, %sub3A_574 : vector<16xi32>
      %select_n3A_576 = arith.select %and3A_572, %sub3A_575, %div3A_548 : vector<16xi1>, vector<16xi32>
      %mul3A_577 = arith.constant 16 : i32
      %mul3A_578 = arith.muli %add3A_346, %mul3A_577 : i32
      %add3A_579 = vector.broadcast %mul3A_578 : i32 to vector<16xi32>
      %add3A_580 = arith.addi %add3A_579, %select_n3A_576 : vector<16xi32>
      %gather3A_581 = tpu.vector_load_idx %arg9[%add3A_580] : memref<512xi32, #tpu.memory_space<vmem>>[vector<16xi32>], vector<16xi32>,
      %broadcast_in_dim3A_582 = arith.constant 0.000000e+00 : f32
      %broadcast_in_dim3A_583 = vector.broadcast %broadcast_in_dim3A_582 : f32 to vector<16xf32>
      %broadcast_in_dim3A_584 = arith.constant 0.000000e+00 : f32
      %broadcast_in_dim3A_585 = vector.broadcast %broadcast_in_dim3A_584 : f32 to vector<16xf32>
      %scan3A_586 = arith.constant 0 : i32
      %scan3A_587 = arith.constant 32 : i32
      %scan3A_588 = arith.addi %scan3A_586, %scan3A_587 : i32
      %scan3A_589 = arith.constant 4 : i32
      %scan3A_590:2 = scf.for %scan3A_655 = %scan3A_586 to %scan3A_588 step %scan3A_589 iter_args(%scan3A_656 = %broadcast_in_dim3A_583, %scan3A_657 = %broadcast_in_dim3A_585) -> (vector<16xf32>, vector<16xf32>)  : i32 {
        %mul3A_658 = arith.constant 2 : i32
        %mul3A_659 = arith.muli %scan3A_655, %mul3A_658 : i32
        %broadcast_in_dim3A_660 = vector.broadcast %mul3A_659 : i32 to vector<16xi32>
        %add3A_661 = arith.constant 1 : i32
        %add3A_662 = arith.addi %mul3A_659, %add3A_661 : i32
        %broadcast_in_dim3A_663 = vector.broadcast %add3A_662 : i32 to vector<16xi32>
        %add3A_664 = arith.addi %gather3A_581, %broadcast_in_dim3A_660 : vector<16xi32>
        %gather3A_665 = tpu.vector_load_idx %arg14[%select_n3A_576, %add3A_664] : memref<16x128xf32, #tpu.memory_space<vmem>>[vector<16xi32>, vector<16xi32>], vector<16xf32>,
        %gather3A_666 = tpu.vector_load_idx %arg15[%add3A_545, %broadcast_in_dim3A_660] : memref<80x64xf32, #tpu.memory_space<vmem>>[vector<16xi32>, vector<16xi32>], vector<16xf32>,
        %add3A_667 = arith.addi %gather3A_581, %broadcast_in_dim3A_663 : vector<16xi32>
        %gather3A_668 = tpu.vector_load_idx %arg14[%select_n3A_576, %add3A_667] : memref<16x128xf32, #tpu.memory_space<vmem>>[vector<16xi32>, vector<16xi32>], vector<16xf32>,
        %gather3A_669 = tpu.vector_load_idx %arg15[%add3A_545, %broadcast_in_dim3A_663] : memref<80x64xf32, #tpu.memory_space<vmem>>[vector<16xi32>, vector<16xi32>], vector<16xf32>,
        %mul3A_670 = arith.mulf %gather3A_665, %gather3A_666 : vector<16xf32>
        %add3A_671 = arith.addf %scan3A_656, %mul3A_670 : vector<16xf32>
        %mul3A_672 = arith.mulf %gather3A_668, %gather3A_669 : vector<16xf32>
        %add3A_673 = arith.addf %scan3A_657, %mul3A_672 : vector<16xf32>
        %scan3A_674 = arith.constant 1 : i32
        %scan3A_675 = arith.addi %scan3A_655, %scan3A_674 : i32
        %mul3A_676 = arith.constant 2 : i32
        %mul3A_677 = arith.muli %scan3A_675, %mul3A_676 : i32
        %broadcast_in_dim3A_678 = vector.broadcast %mul3A_677 : i32 to vector<16xi32>
        %add3A_679 = arith.constant 1 : i32
        %add3A_680 = arith.addi %mul3A_677, %add3A_679 : i32
        %broadcast_in_dim3A_681 = vector.broadcast %add3A_680 : i32 to vector<16xi32>
        %add3A_682 = arith.addi %gather3A_581, %broadcast_in_dim3A_678 : vector<16xi32>
        %gather3A_683 = tpu.vector_load_idx %arg14[%select_n3A_576, %add3A_682] : memref<16x128xf32, #tpu.memory_space<vmem>>[vector<16xi32>, vector<16xi32>], vector<16xf32>,
        %gather3A_684 = tpu.vector_load_idx %arg15[%add3A_545, %broadcast_in_dim3A_678] : memref<80x64xf32, #tpu.memory_space<vmem>>[vector<16xi32>, vector<16xi32>], vector<16xf32>,
        %add3A_685 = arith.addi %gather3A_581, %broadcast_in_dim3A_681 : vector<16xi32>
        %gather3A_686 = tpu.vector_load_idx %arg14[%select_n3A_576, %add3A_685] : memref<16x128xf32, #tpu.memory_space<vmem>>[vector<16xi32>, vector<16xi32>], vector<16xf32>,
        %gather3A_687 = tpu.vector_load_idx %arg15[%add3A_545, %broadcast_in_dim3A_681] : memref<80x64xf32, #tpu.memory_space<vmem>>[vector<16xi32>, vector<16xi32>], vector<16xf32>,
        %mul3A_688 = arith.mulf %gather3A_683, %gather3A_684 : vector<16xf32>
        %add3A_689 = arith.addf %add3A_671, %mul3A_688 : vector<16xf32>
        %mul3A_690 = arith.mulf %gather3A_686, %gather3A_687 : vector<16xf32>
        %add3A_691 = arith.addf %add3A_673, %mul3A_690 : vector<16xf32>
        %scan3A_692 = arith.constant 2 : i32
        %scan3A_693 = arith.addi %scan3A_655, %scan3A_692 : i32
        %mul3A_694 = arith.constant 2 : i32
        %mul3A_695 = arith.muli %scan3A_693, %mul3A_694 : i32
        %broadcast_in_dim3A_696 = vector.broadcast %mul3A_695 : i32 to vector<16xi32>
        %add3A_697 = arith.constant 1 : i32
        %add3A_698 = arith.addi %mul3A_695, %add3A_697 : i32
        %broadcast_in_dim3A_699 = vector.broadcast %add3A_698 : i32 to vector<16xi32>
        %add3A_700 = arith.addi %gather3A_581, %broadcast_in_dim3A_696 : vector<16xi32>
        %gather3A_701 = tpu.vector_load_idx %arg14[%select_n3A_576, %add3A_700] : memref<16x128xf32, #tpu.memory_space<vmem>>[vector<16xi32>, vector<16xi32>], vector<16xf32>,
        %gather3A_702 = tpu.vector_load_idx %arg15[%add3A_545, %broadcast_in_dim3A_696] : memref<80x64xf32, #tpu.memory_space<vmem>>[vector<16xi32>, vector<16xi32>], vector<16xf32>,
        %add3A_703 = arith.addi %gather3A_581, %broadcast_in_dim3A_699 : vector<16xi32>
        %gather3A_704 = tpu.vector_load_idx %arg14[%select_n3A_576, %add3A_703] : memref<16x128xf32, #tpu.memory_space<vmem>>[vector<16xi32>, vector<16xi32>], vector<16xf32>,
        %gather3A_705 = tpu.vector_load_idx %arg15[%add3A_545, %broadcast_in_dim3A_699] : memref<80x64xf32, #tpu.memory_space<vmem>>[vector<16xi32>, vector<16xi32>], vector<16xf32>,
        %mul3A_706 = arith.mulf %gather3A_701, %gather3A_702 : vector<16xf32>
        %add3A_707 = arith.addf %add3A_689, %mul3A_706 : vector<16xf32>
        %mul3A_708 = arith.mulf %gather3A_704, %gather3A_705 : vector<16xf32>
        %add3A_709 = arith.addf %add3A_691, %mul3A_708 : vector<16xf32>
        %scan3A_710 = arith.constant 3 : i32
        %scan3A_711 = arith.addi %scan3A_655, %scan3A_710 : i32
        %mul3A_712 = arith.constant 2 : i32
        %mul3A_713 = arith.muli %scan3A_711, %mul3A_712 : i32
        %broadcast_in_dim3A_714 = vector.broadcast %mul3A_713 : i32 to vector<16xi32>
        %add3A_715 = arith.constant 1 : i32
        %add3A_716 = arith.addi %mul3A_713, %add3A_715 : i32
        %broadcast_in_dim3A_717 = vector.broadcast %add3A_716 : i32 to vector<16xi32>
        %add3A_718 = arith.addi %gather3A_581, %broadcast_in_dim3A_714 : vector<16xi32>
        %gather3A_719 = tpu.vector_load_idx %arg14[%select_n3A_576, %add3A_718] : memref<16x128xf32, #tpu.memory_space<vmem>>[vector<16xi32>, vector<16xi32>], vector<16xf32>,
        %gather3A_720 = tpu.vector_load_idx %arg15[%add3A_545, %broadcast_in_dim3A_714] : memref<80x64xf32, #tpu.memory_space<vmem>>[vector<16xi32>, vector<16xi32>], vector<16xf32>,
        %add3A_721 = arith.addi %gather3A_581, %broadcast_in_dim3A_717 : vector<16xi32>
        %gather3A_722 = tpu.vector_load_idx %arg14[%select_n3A_576, %add3A_721] : memref<16x128xf32, #tpu.memory_space<vmem>>[vector<16xi32>, vector<16xi32>], vector<16xf32>,
        %gather3A_723 = tpu.vector_load_idx %arg15[%add3A_545, %broadcast_in_dim3A_717] : memref<80x64xf32, #tpu.memory_space<vmem>>[vector<16xi32>, vector<16xi32>], vector<16xf32>,
        %mul3A_724 = arith.mulf %gather3A_719, %gather3A_720 : vector<16xf32>
        %add3A_725 = arith.addf %add3A_707, %mul3A_724 : vector<16xf32>
        %mul3A_726 = arith.mulf %gather3A_722, %gather3A_723 : vector<16xf32>
        %add3A_727 = arith.addf %add3A_709, %mul3A_726 : vector<16xf32>
        scf.yield %add3A_725, %add3A_727 : vector<16xf32>, vector<16xf32>
      }
      %scan3A_591 = arith.constant 32 : i32
      %add3A_592 = arith.addf %scan3A_590#0, %scan3A_590#1 : vector<16xf32>
      %mul3A_593 = arith.constant 80 : i32
      %mul3A_594 = arith.muli %add3A_346, %mul3A_593 : i32
      %add3A_595 = arith.constant 48 : i32
      %add3A_596 = arith.addi %mul3A_594, %add3A_595 : i32
      %swap3A_597 = arith.index_cast %add3A_596 : i32 to index
      %swap3A_598 = tpu.vector_load %arg11[%swap3A_597] {strides = array<i32>} : memref<2560xf32, #tpu.memory_space<vmem>>, vector<16xf32>,
      tpu.vector_store %arg11[%swap3A_597], %add3A_592 {strides = array<i32>} : memref<2560xf32, #tpu.memory_space<vmem>>, vector<16xf32>,
      %add3A_599 = arith.constant 64 : i32
      %add3A_600 = vector.broadcast %add3A_599 : i32 to vector<16xi32>
      %add3A_601 = arith.addi %add3A_600, %iota3A : vector<16xi32>
      %jit3A_602 = arith.constant 5 : i32
      %div3A_603 = vector.broadcast %jit3A_602 : i32 to vector<16xi32>
      %div3A_604 = arith.divsi %add3A_601, %div3A_603 : vector<16xi32>
      %sign3A_605 = arith.constant 0 : i32
      %sign3A_606 = vector.broadcast %sign3A_605 : i32 to vector<16xi32>
      %sign3A_607 = arith.cmpi sgt, %add3A_601, %sign3A_606 : vector<16xi32>
      %sign3A_608 = arith.extui %sign3A_607 : vector<16xi1> to vector<16xi32>
      %sign3A_609 = arith.constant 0 : i32
      %sign3A_610 = vector.broadcast %sign3A_609 : i32 to vector<16xi32>
      %sign3A_611 = arith.cmpi slt, %add3A_601, %sign3A_610 : vector<16xi32>
      %sign3A_612 = arith.extui %sign3A_611 : vector<16xi1> to vector<16xi32>
      %sign3A_613 = arith.subi %sign3A_608, %sign3A_612 : vector<16xi32>
      %sign3A_614 = arith.constant 0 : i32
      %sign3A_615 = arith.cmpi sgt, %jit3A_602, %sign3A_614 : i32
      %sign3A_616 = arith.extui %sign3A_615 : i1 to i32
      %sign3A_617 = arith.constant 0 : i32
      %sign3A_618 = arith.cmpi slt, %jit3A_602, %sign3A_617 : i32
      %sign3A_619 = arith.extui %sign3A_618 : i1 to i32
      %sign3A_620 = arith.subi %sign3A_616, %sign3A_619 : i32
      %ne3A_621 = vector.broadcast %sign3A_620 : i32 to vector<16xi32>
      %ne3A_622 = arith.cmpi ne, %sign3A_613, %ne3A_621 : vector<16xi32>
      %rem3A_623 = vector.broadcast %jit3A_602 : i32 to vector<16xi32>
      %rem3A_624 = arith.remsi %add3A_601, %rem3A_623 : vector<16xi32>
      %ne3A_625 = arith.constant 0 : i32
      %ne3A_626 = vector.broadcast %ne3A_625 : i32 to vector<16xi32>
      %ne3A_627 = arith.cmpi ne, %rem3A_624, %ne3A_626 : vector<16xi32>
      %and3A_628 = arith.andi %ne3A_622, %ne3A_627 : vector<16xi1>
      %sub3A_629 = arith.constant 1 : i32
      %sub3A_630 = vector.broadcast %sub3A_629 : i32 to vector<16xi32>
      %sub3A_631 = arith.subi %div3A_604, %sub3A_630 : vector<16xi32>
      %select_n3A_632 = arith.select %and3A_628, %sub3A_631, %div3A_604 : vector<16xi1>, vector<16xi32>
      %mul3A_633 = arith.constant 16 : i32
      %mul3A_634 = arith.muli %add3A_346, %mul3A_633 : i32
      %add3A_635 = vector.broadcast %mul3A_634 : i32 to vector<16xi32>
      %add3A_636 = arith.addi %add3A_635, %select_n3A_632 : vector<16xi32>
      %gather3A_637 = tpu.vector_load_idx %arg9[%add3A_636] : memref<512xi32, #tpu.memory_space<vmem>>[vector<16xi32>], vector<16xi32>,
      %broadcast_in_dim3A_638 = arith.constant 0.000000e+00 : f32
      %broadcast_in_dim3A_639 = vector.broadcast %broadcast_in_dim3A_638 : f32 to vector<16xf32>
      %broadcast_in_dim3A_640 = arith.constant 0.000000e+00 : f32
      %broadcast_in_dim3A_641 = vector.broadcast %broadcast_in_dim3A_640 : f32 to vector<16xf32>
      %scan3A_642 = arith.constant 0 : i32
      %scan3A_643 = arith.constant 32 : i32
      %scan3A_644 = arith.addi %scan3A_642, %scan3A_643 : i32
      %scan3A_645 = arith.constant 4 : i32
      %scan3A_646:2 = scf.for %scan3A_655 = %scan3A_642 to %scan3A_644 step %scan3A_645 iter_args(%scan3A_656 = %broadcast_in_dim3A_639, %scan3A_657 = %broadcast_in_dim3A_641) -> (vector<16xf32>, vector<16xf32>)  : i32 {
        %mul3A_658 = arith.constant 2 : i32
        %mul3A_659 = arith.muli %scan3A_655, %mul3A_658 : i32
        %broadcast_in_dim3A_660 = vector.broadcast %mul3A_659 : i32 to vector<16xi32>
        %add3A_661 = arith.constant 1 : i32
        %add3A_662 = arith.addi %mul3A_659, %add3A_661 : i32
        %broadcast_in_dim3A_663 = vector.broadcast %add3A_662 : i32 to vector<16xi32>
        %add3A_664 = arith.addi %gather3A_637, %broadcast_in_dim3A_660 : vector<16xi32>
        %gather3A_665 = tpu.vector_load_idx %arg14[%select_n3A_632, %add3A_664] : memref<16x128xf32, #tpu.memory_space<vmem>>[vector<16xi32>, vector<16xi32>], vector<16xf32>,
        %gather3A_666 = tpu.vector_load_idx %arg15[%add3A_601, %broadcast_in_dim3A_660] : memref<80x64xf32, #tpu.memory_space<vmem>>[vector<16xi32>, vector<16xi32>], vector<16xf32>,
        %add3A_667 = arith.addi %gather3A_637, %broadcast_in_dim3A_663 : vector<16xi32>
        %gather3A_668 = tpu.vector_load_idx %arg14[%select_n3A_632, %add3A_667] : memref<16x128xf32, #tpu.memory_space<vmem>>[vector<16xi32>, vector<16xi32>], vector<16xf32>,
        %gather3A_669 = tpu.vector_load_idx %arg15[%add3A_601, %broadcast_in_dim3A_663] : memref<80x64xf32, #tpu.memory_space<vmem>>[vector<16xi32>, vector<16xi32>], vector<16xf32>,
        %mul3A_670 = arith.mulf %gather3A_665, %gather3A_666 : vector<16xf32>
        %add3A_671 = arith.addf %scan3A_656, %mul3A_670 : vector<16xf32>
        %mul3A_672 = arith.mulf %gather3A_668, %gather3A_669 : vector<16xf32>
        %add3A_673 = arith.addf %scan3A_657, %mul3A_672 : vector<16xf32>
        %scan3A_674 = arith.constant 1 : i32
        %scan3A_675 = arith.addi %scan3A_655, %scan3A_674 : i32
        %mul3A_676 = arith.constant 2 : i32
        %mul3A_677 = arith.muli %scan3A_675, %mul3A_676 : i32
        %broadcast_in_dim3A_678 = vector.broadcast %mul3A_677 : i32 to vector<16xi32>
        %add3A_679 = arith.constant 1 : i32
        %add3A_680 = arith.addi %mul3A_677, %add3A_679 : i32
        %broadcast_in_dim3A_681 = vector.broadcast %add3A_680 : i32 to vector<16xi32>
        %add3A_682 = arith.addi %gather3A_637, %broadcast_in_dim3A_678 : vector<16xi32>
        %gather3A_683 = tpu.vector_load_idx %arg14[%select_n3A_632, %add3A_682] : memref<16x128xf32, #tpu.memory_space<vmem>>[vector<16xi32>, vector<16xi32>], vector<16xf32>,
        %gather3A_684 = tpu.vector_load_idx %arg15[%add3A_601, %broadcast_in_dim3A_678] : memref<80x64xf32, #tpu.memory_space<vmem>>[vector<16xi32>, vector<16xi32>], vector<16xf32>,
        %add3A_685 = arith.addi %gather3A_637, %broadcast_in_dim3A_681 : vector<16xi32>
        %gather3A_686 = tpu.vector_load_idx %arg14[%select_n3A_632, %add3A_685] : memref<16x128xf32, #tpu.memory_space<vmem>>[vector<16xi32>, vector<16xi32>], vector<16xf32>,
        %gather3A_687 = tpu.vector_load_idx %arg15[%add3A_601, %broadcast_in_dim3A_681] : memref<80x64xf32, #tpu.memory_space<vmem>>[vector<16xi32>, vector<16xi32>], vector<16xf32>,
        %mul3A_688 = arith.mulf %gather3A_683, %gather3A_684 : vector<16xf32>
        %add3A_689 = arith.addf %add3A_671, %mul3A_688 : vector<16xf32>
        %mul3A_690 = arith.mulf %gather3A_686, %gather3A_687 : vector<16xf32>
        %add3A_691 = arith.addf %add3A_673, %mul3A_690 : vector<16xf32>
        %scan3A_692 = arith.constant 2 : i32
        %scan3A_693 = arith.addi %scan3A_655, %scan3A_692 : i32
        %mul3A_694 = arith.constant 2 : i32
        %mul3A_695 = arith.muli %scan3A_693, %mul3A_694 : i32
        %broadcast_in_dim3A_696 = vector.broadcast %mul3A_695 : i32 to vector<16xi32>
        %add3A_697 = arith.constant 1 : i32
        %add3A_698 = arith.addi %mul3A_695, %add3A_697 : i32
        %broadcast_in_dim3A_699 = vector.broadcast %add3A_698 : i32 to vector<16xi32>
        %add3A_700 = arith.addi %gather3A_637, %broadcast_in_dim3A_696 : vector<16xi32>
        %gather3A_701 = tpu.vector_load_idx %arg14[%select_n3A_632, %add3A_700] : memref<16x128xf32, #tpu.memory_space<vmem>>[vector<16xi32>, vector<16xi32>], vector<16xf32>,
        %gather3A_702 = tpu.vector_load_idx %arg15[%add3A_601, %broadcast_in_dim3A_696] : memref<80x64xf32, #tpu.memory_space<vmem>>[vector<16xi32>, vector<16xi32>], vector<16xf32>,
        %add3A_703 = arith.addi %gather3A_637, %broadcast_in_dim3A_699 : vector<16xi32>
        %gather3A_704 = tpu.vector_load_idx %arg14[%select_n3A_632, %add3A_703] : memref<16x128xf32, #tpu.memory_space<vmem>>[vector<16xi32>, vector<16xi32>], vector<16xf32>,
        %gather3A_705 = tpu.vector_load_idx %arg15[%add3A_601, %broadcast_in_dim3A_699] : memref<80x64xf32, #tpu.memory_space<vmem>>[vector<16xi32>, vector<16xi32>], vector<16xf32>,
        %mul3A_706 = arith.mulf %gather3A_701, %gather3A_702 : vector<16xf32>
        %add3A_707 = arith.addf %add3A_689, %mul3A_706 : vector<16xf32>
        %mul3A_708 = arith.mulf %gather3A_704, %gather3A_705 : vector<16xf32>
        %add3A_709 = arith.addf %add3A_691, %mul3A_708 : vector<16xf32>
        %scan3A_710 = arith.constant 3 : i32
        %scan3A_711 = arith.addi %scan3A_655, %scan3A_710 : i32
        %mul3A_712 = arith.constant 2 : i32
        %mul3A_713 = arith.muli %scan3A_711, %mul3A_712 : i32
        %broadcast_in_dim3A_714 = vector.broadcast %mul3A_713 : i32 to vector<16xi32>
        %add3A_715 = arith.constant 1 : i32
        %add3A_716 = arith.addi %mul3A_713, %add3A_715 : i32
        %broadcast_in_dim3A_717 = vector.broadcast %add3A_716 : i32 to vector<16xi32>
        %add3A_718 = arith.addi %gather3A_637, %broadcast_in_dim3A_714 : vector<16xi32>
        %gather3A_719 = tpu.vector_load_idx %arg14[%select_n3A_632, %add3A_718] : memref<16x128xf32, #tpu.memory_space<vmem>>[vector<16xi32>, vector<16xi32>], vector<16xf32>,
        %gather3A_720 = tpu.vector_load_idx %arg15[%add3A_601, %broadcast_in_dim3A_714] : memref<80x64xf32, #tpu.memory_space<vmem>>[vector<16xi32>, vector<16xi32>], vector<16xf32>,
        %add3A_721 = arith.addi %gather3A_637, %broadcast_in_dim3A_717 : vector<16xi32>
        %gather3A_722 = tpu.vector_load_idx %arg14[%select_n3A_632, %add3A_721] : memref<16x128xf32, #tpu.memory_space<vmem>>[vector<16xi32>, vector<16xi32>], vector<16xf32>,
        %gather3A_723 = tpu.vector_load_idx %arg15[%add3A_601, %broadcast_in_dim3A_717] : memref<80x64xf32, #tpu.memory_space<vmem>>[vector<16xi32>, vector<16xi32>], vector<16xf32>,
        %mul3A_724 = arith.mulf %gather3A_719, %gather3A_720 : vector<16xf32>
        %add3A_725 = arith.addf %add3A_707, %mul3A_724 : vector<16xf32>
        %mul3A_726 = arith.mulf %gather3A_722, %gather3A_723 : vector<16xf32>
        %add3A_727 = arith.addf %add3A_709, %mul3A_726 : vector<16xf32>
        scf.yield %add3A_725, %add3A_727 : vector<16xf32>, vector<16xf32>
      }
      %scan3A_647 = arith.constant 32 : i32
      %add3A_648 = arith.addf %scan3A_646#0, %scan3A_646#1 : vector<16xf32>
      %mul3A_649 = arith.constant 80 : i32
      %mul3A_650 = arith.muli %add3A_346, %mul3A_649 : i32
      %add3A_651 = arith.constant 64 : i32
      %add3A_652 = arith.addi %mul3A_650, %add3A_651 : i32
      %swap3A_653 = arith.index_cast %add3A_652 : i32 to index
      %swap3A_654 = tpu.vector_load %arg11[%swap3A_653] {strides = array<i32>} : memref<2560xf32, #tpu.memory_space<vmem>>, vector<16xf32>,
      tpu.vector_store %arg11[%swap3A_653], %add3A_648 {strides = array<i32>} : memref<2560xf32, #tpu.memory_space<vmem>>, vector<16xf32>,
    }
    %scan3A_26 = arith.constant 16 : i32
    %dma_wait3A = arith.constant 0 : i32
    %dma_wait3A_27 = arith.constant 0 : i32
    %dma_wait3A_28 = tpu.memref_slice %arg5[%dma_wait3A, %dma_wait3A_27] : memref<500736x128xf32, #tpu.memory_space<hbm>> -> memref<16x128xf32, #tpu.memory_space<hbm>>
    %dma_wait3A_29 = arith.constant 0 : i32
    %dma_wait3A_30 = arith.constant 0 : i32
    %dma_wait3A_31 = tpu.memref_slice %arg5[%dma_wait3A_29, %dma_wait3A_30] : memref<500736x128xf32, #tpu.memory_space<hbm>> -> memref<16x128xf32, #tpu.memory_space<hbm>>
    tpu.wait_dma2 semaphore(%arg16 : memref<!tpu.dma_semaphore, #tpu.memory_space<semaphore_mem>>) src(%dma_wait3A_31 : memref<16x128xf32, #tpu.memory_space<hbm>>) dst(%arg12 : memref<16x128xf32, #tpu.memory_space<vmem>>)
    %dma_wait3A_32 = arith.constant 0 : i32
    %dma_wait3A_33 = arith.constant 0 : i32
    %dma_wait3A_34 = tpu.memref_slice %arg6[%dma_wait3A_32, %dma_wait3A_33] : memref<1000000x64xf32, #tpu.memory_space<hbm>> -> memref<80x64xf32, #tpu.memory_space<hbm>>
    %dma_wait3A_35 = arith.constant 0 : i32
    %dma_wait3A_36 = arith.constant 0 : i32
    %dma_wait3A_37 = tpu.memref_slice %arg6[%dma_wait3A_35, %dma_wait3A_36] : memref<1000000x64xf32, #tpu.memory_space<hbm>> -> memref<80x64xf32, #tpu.memory_space<hbm>>
    tpu.wait_dma2 semaphore(%arg17 : memref<!tpu.dma_semaphore, #tpu.memory_space<semaphore_mem>>) src(%dma_wait3A_37 : memref<80x64xf32, #tpu.memory_space<hbm>>) dst(%arg13 : memref<80x64xf32, #tpu.memory_space<vmem>>)
    %mul3A_38 = arith.constant 512 : i32
    %mul3A_39 = arith.muli %add3A, %mul3A_38 : i32
    %mul3A_40 = arith.constant 5 : i32
    %mul3A_41 = arith.muli %mul3A_39, %mul3A_40 : i32
    "tpu.region"() ({
      %run_scoped3A = tpu.sem_alloc : memref<!tpu.dma_semaphore, #tpu.memory_space<semaphore_mem>>
      %dma_start3A_42 = tpu.memref_slice %arg7[%mul3A_41] : memref<81920xf32, #tpu.memory_space<hbm>> -> memref<2560xf32, #tpu.memory_space<hbm>>
      %dma_start3A_43 = tpu.memref_slice %arg7[%mul3A_41] : memref<81920xf32, #tpu.memory_space<hbm>> -> memref<2560xf32, #tpu.memory_space<hbm>>
      tpu.enqueue_dma source(%arg11 : memref<2560xf32, #tpu.memory_space<vmem>>) target(%dma_start3A_43 : memref<2560xf32, #tpu.memory_space<hbm>>) target_semaphore(%run_scoped3A : memref<!tpu.dma_semaphore, #tpu.memory_space<semaphore_mem>>)
      %dma_wait3A_44 = tpu.memref_slice %arg7[%mul3A_41] : memref<81920xf32, #tpu.memory_space<hbm>> -> memref<2560xf32, #tpu.memory_space<hbm>>
      %dma_wait3A_45 = tpu.memref_slice %arg7[%mul3A_41] : memref<81920xf32, #tpu.memory_space<hbm>> -> memref<2560xf32, #tpu.memory_space<hbm>>
      tpu.wait_dma2 semaphore(%run_scoped3A : memref<!tpu.dma_semaphore, #tpu.memory_space<semaphore_mem>>) src(%arg11 : memref<2560xf32, #tpu.memory_space<vmem>>) dst(%dma_wait3A_45 : memref<2560xf32, #tpu.memory_space<hbm>>)
      tpu.yield
    }) : () -> ()
    return
  }
}

module attributes {stable_mosaic.version = 14 : i64} {
  func.func @_tc_transpose_body(%arg0: i32, %arg1: memref<64x2048xf32, #tpu.memory_space<vmem>>, %arg2: memref<1x1024x128xf32, #tpu.memory_space<vmem>>) attributes {dimension_semantics = [#tpu.dimension_semantics<arbitrary>], iteration_bounds = array<i64: 489>, scalar_prefetch = 0 : i64, scratch_operands = 0 : i64, tpu.core_type = #tpu.core_type<tc>, window_params = [{transform_indices = @transform_0, window_bounds = array<i64: 64, 2048>}, {transform_indices = @transform_1, window_bounds = array<i64: 1, 1024, 128>}]} {
    %get3A = arith.constant 0 : index
    %get3A_0 = arith.constant 0 : index
    %get3A_1 = vector.load %arg1[%get3A, %get3A_0] : memref<64x2048xf32, #tpu.memory_space<vmem>>, vector<64x2048xf32>
    %iota3A = tpu.iota {dimensions = array<i32: 0>} : vector<64x64xi32>
    %iota3A_2 = tpu.iota {dimensions = array<i32: 1>} : vector<64x64xi32>
    %add3A = arith.constant 0 : i32
    %add3A_3 = vector.broadcast %add3A : i32 to vector<64x64xi32>
    %add3A_4 = arith.addi %iota3A, %add3A_3 : vector<64x64xi32>
    %eq3A = arith.cmpi eq, %add3A_4, %iota3A_2 : vector<64x64xi32>
    %convert_element_type3A = arith.extui %eq3A : vector<64x64xi1> to vector<64x64xi32>
    %convert_element_type3A_5 = arith.sitofp %convert_element_type3A : vector<64x64xi32> to vector<64x64xf32>
    %dot_general3A = arith.constant dense<0.000000e+00> : vector<2048x64xf32>
    %dot_general3A_6 = tpu.matmul %get3A_1, %convert_element_type3A_5, %dot_general3A {dimension_numbers = #tpu.dot_dimension_numbers<[0], [0], [1], [1], [0, 1, 1, 1], [], []>, transpose_lhs_hint = false} : vector<64x2048xf32>, vector<64x64xf32>, vector<2048x64xf32> -> vector<2048x64xf32>
    %slice3A = vector.extract_strided_slice %dot_general3A_6 {offsets = [0, 0], sizes = [1024, 64], strides = [1, 1]} : vector<2048x64xf32> to vector<1024x64xf32>
    %slice3A_7 = vector.extract_strided_slice %dot_general3A_6 {offsets = [1024, 0], sizes = [1024, 64], strides = [1, 1]} : vector<2048x64xf32> to vector<1024x64xf32>
    %concatenate3A = tpu.concatenate %slice3A, %slice3A_7 in 1 : vector<1024x64xf32>, vector<1024x64xf32> -> vector<1024x128xf32>
    %broadcast_in_dim3A = vector.shape_cast %concatenate3A : vector<1024x128xf32> to vector<1x1024x128xf32>
    %swap3A = arith.constant 0 : index
    %swap3A_8 = arith.constant 0 : index
    %swap3A_9 = arith.constant 0 : index
    %swap3A_10 = vector.load %arg2[%swap3A, %swap3A_8, %swap3A_9] : memref<1x1024x128xf32, #tpu.memory_space<vmem>>, vector<1x1024x128xf32>
    tpu.vector_store %arg2[%swap3A, %swap3A_8, %swap3A_9], %broadcast_in_dim3A {strides = array<i32>} : memref<1x1024x128xf32, #tpu.memory_space<vmem>>, vector<1x1024x128xf32>,
    return
  }
  func.func @transform_0(%arg0: i32) -> (i32, i32) {
    %c0_i32 = arith.constant 0 : i32
    %c0_i32_0 = arith.constant 0 : i32
    return %c0_i32, %arg0 : i32, i32
  }
  func.func @transform_1(%arg0: i32) -> (i32, i32, i32) {
    %c0_i32 = arith.constant 0 : i32
    %c0_i32_0 = arith.constant 0 : i32
    %c0_i32_1 = arith.constant 0 : i32
    return %arg0, %c0_i32, %c0_i32_0 : i32, i32, i32
  }
}

</mosaic_0001>

<sc_bundles>
// kernel: kernel.4.cloned.1.call-start
scs
__scs_entry_jumppad:
0x0: {  	(pc) =	sbr.rel $0x88, $3  }
0x1: {  	(tag) =	ssettag $0x0;
	lr =	simm.s32 $0x1  }
0x2: {  	[smem:$0x3F9D] =	sst lr;
	_ =	strace $0xD0000000  }
0x3: {  	_ = 	snop  }
0x4: {  	_ = 	snop  }
0x5: {  	_ = 	snop  }
0x6: {  	_ = 	snop  }
0x7: {  	_ = 	snop  }
__scs_overlays_trampoline_lowered:
0x8: {  	[smem:$0x3FAC] =	sst s0  }
0x9: {  	[smem:$0x3FAD] =	sst s1  }
0xa: {  	[smem:$0x3FAE] =	sst s2  }
0xb: {  	[smem:$0x3FAF] =	sst s3  }
0xc: {  	[smem:$0x3FB0] =	sst s4  }
0xd: {  	[smem:$0x3FB1] =	sst s5  }
0xe: {  	[smem:$0x3FB2] =	sst s6  }
0xf: {  	[smem:$0x3FB3] =	sst s7  }
0x10: {  	[smem:$0x3FB4] =	sst s8  }
0x11: {  	[smem:$0x3FB5] =	sst s9;
	s0 =	simm.s32 @!p0 $0x0  }
0x12: {  	s1 =	sld [smem:$0x3F9B];
	s0 =	simm.s32 @p0 $0x1  }
0x13: {  	[smem:$0x3FB6] =	sst s0;
	s0 =	simm.s32 @!p1 $0x0  }
0x14: {  	s2 =	sld [smem:$0x3F9A];
	s0 =	simm.s32 @p1 $0x1  }
0x15: {  	[smem:$0x3FB7] =	sst s0;
	s0 =	simm.s32 @!p2 $0x0  }
0x16: {  	s3 =	sld [smem:$0x3FDB];
	s0 =	simm.s32 @p2 $0x1  }
0x17: {  	s4 =	simm.s32 $0x1BF5;
	[smem:$0x3FB9] =	sst s0  }
0x18: {  	s0 =	sld [smem:$0x3F9C];
	_ =	swait.ge [sflag:s4], $0x0  }
0x19: {  	s7 =	sld [smem:$0x3F9D]  }
0x1a: {  	s8 =	sadd.s32 $0xFFFFE003, lr  }
0x1b: {  	s9 =	sadd.s32 $0xFFFFFEF7, lr;
	s5 =	simm.s32 $0xFFFFFFFF;
	p2 =	slt.u32 s8, $0xFFFFF086  }
0x1c: {  	p1 =	slt.u32 s9, $0xF7A;
	s5 =	simm.s32 @!p2 $0x0  }
0x1d: {  	s5 =	simm.s32 @p1 $0x1;
	p0 =	seq.s32 s7, s2  }
0x1e: {  	s7 =	smul.u32 @!p0 $0xF7A, s2;
	p2 =	seq.s32 @!p0 s5, $0x0  }
0x1f: {  	s9 =	smul.u32 $0xF7A, s1;
	s8 =	simm.s32 @!p0 $0x1BF5;
	p2 =	por !p2, p0  }
0x20: {  	[sflag:s8] =	ssyncset.s32 @!p0 $0xFFFFF086;
	s6 =	sadd.s32 @!p0 s3, s7;
	s7 =	simm.s32 @!p0 $0x108  }
0x21: {  	s3 =	sadd.s32 s3, s9;
	s6 =	sadd.s32 @!p0 $0x88, s6;
	s7 =	simm.s32 @p2 $0x1082  }
0x22: {  	[simem:s7], [sflag:s8] =	dma.local @!p0 [hbm:s6], $0xF7A  }
0x23: {  	s9 =	sor.u32 $0xD0000000, s2;
	s6 =	simm.s32 $0x108;
	_ =	swait.ge @!p0 [sflag:s8], $0x0  }
0x24: {  	s3 =	sadd.s32 $0x88, s3;
	s6 =	simm.s32 @!p1 $0x1082;
	[sflag:s4] =	ssyncset.s32 $0xFFFFF086  }
0x25: {  	[simem:s6], [sflag:s4] =	dma.local [hbm:s3], $0xF7A  }
0x26: {  	[smem:$0x3F9D] =	sst s1;
	(tag) =	ssettag s2;
	_ =	strace s9  }
0x27: {  	s1 =	sld [smem:$0x3FAD]  }
0x28: {  	s2 =	sld [smem:$0x3FAE]  }
0x29: {  	s4 =	sld [smem:$0x3FB0]  }
0x2a: {  	p0 =	seq.s32 s5, $0x0;
	s5 =	sld [smem:$0x3FB1]  }
0x2b: {  	s6 =	sld [smem:$0x3FB2]  }
0x2c: {  	s7 =	sld [smem:$0x3FB3]  }
0x2d: {  	s3 =	simm.s32 $0x108;
	s8 =	sld [smem:$0x3FB4]  }
0x2e: {  	s3 =	simm.s32 @!p0 $0x1082;
	s9 =	sld [smem:$0x3FB5]  }
0x2f: {  	lr =	sadd.s32 s0, s3;
	s0 =	sld [smem:$0x3FAC]  }
0x30: {  	s3 =	sld [smem:$0x3FAF]  }
0x31: {  	[smem:$0x3FB8] =	sst s10  }
0x32: {  	s10 =	sld [smem:$0x3FB6];
	_ =	sdelay $0x3  }
0x33: {  	p0 =	seq.s32 s10, $0x1;
	s10 =	sld [smem:$0x3FB8];
	_ =	sdelay $0x3  }
0x34: {  	[smem:$0x3FB8] =	sst s10  }
0x35: {  	s10 =	sld [smem:$0x3FB7];
	_ =	sdelay $0x3  }
0x36: {  	p1 =	seq.s32 s10, $0x1;
	s10 =	sld [smem:$0x3FB8];
	_ =	sdelay $0x3  }
0x37: {  	[smem:$0x3FB8] =	sst s10  }
0x38: {  	s10 =	sld [smem:$0x3FB9]  }
0x39: {  	_ = 	snop;
	(pc) =	sbr.ind lr, $3  }
0x3a: {  	_ = 	snop  }
0x3b: {  	_ = 	snop  }
0x3c: {  	p2 =	seq.s32 s10, $0x1;
	s10 =	sld [smem:$0x3FB8]  }
0x3d: {  	_ =	shalt  }
0x3e: {  	_ =	shalt  }
0x3f: {  	_ =	shalt  }
0x40: {  	_ =	shalt  }
0x41: {  	_ =	shalt  }
0x42: {  	_ =	shalt  }
0x43: {  	_ =	shalt  }
0x44: {  	_ =	shalt  }
0x45: {  	_ =	shalt  }
0x46: {  	_ =	shalt  }
0x47: {  	_ =	shalt  }
0x48: {  	_ =	shalt  }
0x49: {  	_ =	shalt  }
0x4a: {  	_ =	shalt  }
0x4b: {  	_ =	shalt  }
0x4c: {  	_ =	shalt  }
0x4d: {  	_ =	shalt  }
0x4e: {  	_ =	shalt  }
0x4f: {  	_ =	shalt  }
0x50: {  	_ =	shalt  }
0x51: {  	_ =	shalt  }
0x52: {  	_ =	shalt  }
0x53: {  	_ =	shalt  }
0x54: {  	_ =	shalt  }
0x55: {  	_ =	shalt  }
0x56: {  	_ =	shalt  }
0x57: {  	_ =	shalt  }
0x58: {  	_ =	shalt  }
0x59: {  	_ =	shalt  }
0x5a: {  	_ =	shalt  }
0x5b: {  	_ =	shalt  }
0x5c: {  	_ =	shalt  }
0x5d: {  	_ =	shalt  }
0x5e: {  	_ =	shalt  }
0x5f: {  	_ =	shalt  }
0x60: {  	_ =	shalt  }
0x61: {  	_ =	shalt  }
0x62: {  	_ =	shalt  }
0x63: {  	_ =	shalt  }
0x64: {  	_ =	shalt  }
0x65: {  	_ =	shalt  }
0x66: {  	_ =	shalt  }
0x67: {  	_ =	shalt  }
0x68: {  	_ =	shalt  }
0x69: {  	_ =	shalt  }
0x6a: {  	_ =	shalt  }
0x6b: {  	_ =	shalt  }
0x6c: {  	_ =	shalt  }
0x6d: {  	_ =	shalt  }
0x6e: {  	_ =	shalt  }
0x6f: {  	_ =	shalt  }
0x70: {  	_ =	shalt  }
0x71: {  	_ =	shalt  }
0x72: {  	_ =	shalt  }
0x73: {  	_ =	shalt  }
0x74: {  	_ =	shalt  }
0x75: {  	_ =	shalt  }
0x76: {  	_ =	shalt  }
0x77: {  	_ =	shalt  }
0x78: {  	_ =	shalt  }
0x79: {  	_ =	shalt  }
0x7a: {  	_ =	shalt  }
0x7b: {  	_ =	shalt  }
0x7c: {  	_ =	shalt  }
0x7d: {  	_ =	shalt  }
0x7e: {  	_ =	shalt  }
0x7f: {  	_ =	shalt  }
0x80: {  	_ =	shalt  }
0x81: {  	_ =	shalt  }
0x82: {  	_ =	shalt  }
0x83: {  	_ =	shalt  }
0x84: {  	_ =	shalt  }
0x85: {  	_ =	shalt  }
0x86: {  	_ =	shalt  }
0x87: {  	_ =	shalt  }
.Lfunc_end0:
.L_simem_size_0:
called_computation_lowered:
.L_overlay_start_0:
0x88: {  	s2 =	sld [smem:$0x3FD9]  }
0x89: {  	s3 =	sld [smem:$0x3FFE];
	_ =	sdelay $0x1  }
0x8a: {  	s1 =	srdreg.scid  }
0x8b: {  	s0 =	sand.u32 $0x1, s1  }
0x8c: {  	s17 =	sshll.u32 s0, $0xA;
	s2 =	sadd.s32 s3, s2  }
0x8d: {  	s2 =	sadd.s32 s2, s17  }
0x8e: {  	[smem:$0x3FC4] =	sst s2  }
0x8f: {  	_ = 	snop  }
0x90: {  	s2 =	sld [smem:$0x3FD0];
	(tm) =	ssettm $0x1  }
0x91: {  	s18 =	sld [smem:$0x3FFB];
	_ =	sdelay $0x3  }
0x92: {  	_ =	strace s18  }
0x93: {  	s3 =	sld [smem:$0x3FFC];
	_ =	sdelay $0x3  }
0x94: {  	_ =	strace s3  }
0x95: {  	s3 =	sld [smem:$0x3FFD];
	_ =	sdelay $0x3  }
0x96: {  	_ =	strace s3  }
0x97: {  	_ =	strace $0x8FFFFFFF  }
0x98: {  	s19 =	sld [smem:$0x3FDB];
	_ =	sdelay $0x1  }
0x99: {  	s4 =	simm.s32 $_scs_section_size  }
0x9a: {  	s5 =	simm.s32 $_size__tile_overlayer_lowered;
	s6 =	simm.s32 $_tile_overlayer_lowered  }
0x9b: {  	s22 =	simm.s32 $0x1BFF;
	s21 =	sshll.u32 s6, $0x1;
	s3 =	sadd.s32 s4, s19  }
0x9c: {  	s7 =	simm.s32 $0x0;
	s20 =	sshll.u32 s5, $0x1;
	s5 =	sadd.s32 s21, s3  }
0x9d: {  	[timem:s7], [sflag:s22] =	dma.local [hbm:s5], s20  }
0x9e: {  	_ =	swait.ge [sflag:s22], s20  }
0x9f: {  	s4 =	ssub.s32 $0x0, s20;
	[sflag:s22] =	ssyncset.done $0x0  }
0xa0: {  	[sflag:s22] =	ssyncadd.s32 s4;
	_ =	sdelay $0x1  }
0xa1: {  	s23 =	simm.s32 $0x1B8B  }
0xa2: {  	_ =	swait.ge [sflag:s23], $0x1  }
0xa3: {  	[sflag:s23] =	ssyncset.done $0x0  }
0xa4: {  	s25 =	simm.s32 $0x1B8E;
	s24 =	sld [smem:$0x3FFE];
	[sflag:s23] =	ssyncadd.s32 $0xFFFFFFFF  }
0xa5: {  	s26 =	simm.s32 $execute0_lowered;
	[smem:$0x3FD2] =	sst s25  }
0xa6: {  	s5 =	sshll.u32 s26, $0x1;
	_ =	strace $0x80000046;
	[dreg:$0x1] =	wrdreg $0xFFFFFFFF  }
0xa7: {  	s28 =	simm.s32 $_size_execute0_lowered;
	s3 =	sadd.s32 s3, s5;
	[dreg:$0x0] =	wrdreg $0x0  }
0xa8: {  	s5 =	sshll.u32 s28, $0x1;
	[dreg:$0x2] =	wrdreg s3  }
0xa9: {  	[dreg:$0x3] =	wrdreg s5  }
0xaa: {  	[dreg:$0x4] =	wrdreg $0xC0  }
0xab: {  	_ =	task [dreg:s7], $0x5FFFF  }
0xac: {  	[dreg:$0x1] =	wrdreg $0xFFFFFFFF  }
0xad: {  	[dreg:$0x0] =	wrdreg $0x60  }
0xae: {  	[dreg:$0x2] =	wrdreg s24  }
0xaf: {  	[dreg:$0x3] =	wrdreg s2  }
0xb0: {  	[dreg:$0x4] =	wrdreg $0x9  }
0xb1: {  	_ =	task.clear_ibuf [dreg:s7], $0x5FFFF;
	_ =	strace $0x90000046  }
0xb2: {  	s29 =	simm.s32 $0x9;
	_ =	strace $0x80000048  }
0xb3: {  	_ =	swait.ge [sflag:s29], $0x1  }
0xb4: {  	[sflag:s29] =	ssyncadd.s32 $0xFFFFFFFF  }
0xb5: {  	_ =	strace $0x90000048  }
0xb6: {  	_ =	sfence  }
0xb7: {  	s30 =	sld [smem:$0x0];
	_ =	sdelay $0x2  }
0xb8: {  	s31 =	sshll.u32 s1, $0xD;
	s1 =	sshrl.u32 s1, $0x2  }
0xb9: {  	s3 =	sand.u32 $0x4000, s31;
	s1 =	sadd.s32 s1, s30  }
0xba: {  	s0 =	sor.u32 s3, s0;
	s1 =	sshll.u32 s1, $0x11  }
0xbb: {  	s0 =	sor.u32 s1, s0  }
0xbc: {  	s0 =	sadd.s32 $0x8F2B, s0  }
0xbd: {  	[sflag:s0] =	ssyncadd.remote.s32 $0x1  }
0xbe: {  	_ =	sfence.sel $0xFFFF  }
0xbf: {  	[dreg:$0x0] =	wrdreg $0xFFFFFFFF;
	(pc) =	sbr.abs _section_cstart, $3  }
0xc0: {  	[dreg:$0x1] =	wrdreg $0xFFFFFFFF  }
0xc1: {  	_ =	task.clear_ibuf [dreg:s7], $0x2FFFF;
	_ =	strace $0x9FFFFFFF  }
0xc2: {  	(tm) =	ssettm $0x7FFFFFFF  }
0xc3: {  	_ =	shalt  }
tec
execute0_lowered:
.L_overlay_start_1:
0x0: {  	(tag) =	ssettag $0x1  }
0x1: {  	v0 =	vimm.s32 $0xEAA55400  }
0x2: {  	v0 =	vunpack.c.l.s2.s4 v0;
	_ =	sdelay $0x1  }
0x3: {  	v0 =	vunpack.c.l.s4.s8 v0;
	_ =	sdelay $0x1  }
0x4: {  	v0 =	vunpack.c.0.s8.s32 v0  }
0x5: {  	v1 =	vimm.s32 $0x180;
	vm0 =	vcmask $0x1300;
	v2 =	vlaneseq.u32  }
0x6: {  	vm12 =	vcmask $0x2714;
	v1 =	vsel vm0, $0x0, v1;
	v0 =	vand.u32 $0x3, v0  }
0x7: {  	vm13 =	vcmask $0x3B28;
	vm14 =	vcmask $0xF00;
	[tilespmem:$0x1FE00] =	vst v0;
	v0 =	vsel vm12, $0x80, v1  }
0x8: {  	v3 =	vmul.u32 $0x40, v2;
	v2 =	vsel vm13, $0x100, v0;
	v0 =	vimm.s32 $0x6  }
0x9: {  	vm1 =	vcmask $0x2310;
	v0 =	vsel vm14, $0x3, v0  }
0xa: {  	vm2 =	vcmask $0x3724;
	v1 =	vimm.s32 $0x300;
	v0 =	vsel vm1, $0x4, v0  }
0xb: {  	v1 =	vsel vm14, $0x180, v1;
	v0 =	vsel vm2, $0x5, v0  }
0xc: {  	[tilespmem:$0x1FE10] =	vst v0;
	v0 =	vsel vm1, $0x200, v1  }
0xd: {  	vm15 =	vcmask $0x1F10;
	v11 =	vsel vm2, $0x280, v0;
	v0 =	vimm.s32 $0x7060606  }
0xe: {  	vm4 =	vcmask $0xB00;
	v1 =	vimm.s32 $0x480;
	v0 =	vunpack.c.0.s8.s32 v0  }
0xf: {  	vm5 =	vcmask $0x1F0C;
	vm6 =	vcmask $0x3320;
	v1 =	vsel vm4, $0x300, v1  }
0x10: {  	vm9 =	vcmask $0x700;
	v1 =	vsel vm5, $0x380, v1;
	v0 =	vnsel vm14, $0x9, v0  }
0x11: {  	v21 =	vsel vm6, $0x400, v1;
	v1 =	vimm.s32 $0x600;
	v0 =	vsel vm15, $0x7, v0  }
0x12: {  	vm10 =	vcmask $0x1B08;
	v1 =	vsel vm9, $0x480, v1;
	v0 =	vsel vm6, $0x8, v0  }
0x13: {  	s0 =	rddreg [dreg:$0x0];
	s2 =	simm.s32 $0x0;
	vm11 =	vcmask $0x2F1C;
	v1 =	vsel vm10, $0x500, v1;
	[tilespmem:$0x1FE20] =	vst v0;
	v0 =	vor.u32 $0x800, v3  }
0x14: {  	[smem:$0x7FF] =	sst s2;
	v31 =	vsel vm11, $0x580, v1;
	v1 =	vor.u32 $0xC03, v3;
	[tilespmem:$0x1FE30] =	vst v0  }
0x15: {  	s7 =	rddreg [dreg:$0x1];
	_ =	strace $0x80000047;
	[tilespmem:$0x1FE70] =	vst v1  }
0x16: {  	v4 =	vor.u32 $0x1, v3;
	[tilespmem:$0x1FE90] =	vst v3  }
0x17: {  	v5 =	vor.u32 $0x2, v3;
	[tilespmem:$0x1FEA0] =	vst v4  }
0x18: {  	v6 =	vor.u32 $0x3, v3;
	[tilespmem:$0x1FEB0] =	vst v5  }
0x19: {  	v7 =	vor.u32 $0x4, v3;
	[tilespmem:$0x1FEC0] =	vst v6  }
0x1a: {  	v8 =	vor.u32 $0x5, v3;
	[tilespmem:$0x1FED0] =	vst v7  }
0x1b: {  	v9 =	vor.u32 $0x6, v3;
	[tilespmem:$0x1FEE0] =	vst v8  }
0x1c: {  	v12 =	vor.u32 $0x7, v3;
	[tilespmem:$0x1FEF0] =	vst v9  }
0x1d: {  	v16 =	vor.u32 $0x400, v3;
	[tilespmem:$0x1FF00] =	vst v12  }
0x1e: {  	v17 =	vor.u32 $0x401, v3;
	[tilespmem:$0x1FF10] =	vst v16  }
0x1f: {  	v18 =	vor.u32 $0x402, v3;
	[tilespmem:$0x1FF20] =	vst v17  }
0x20: {  	v10 =	vimm.s32 $0xBAAAAA99;
	v19 =	vor.u32 $0x403, v3;
	[tilespmem:$0x1FF30] =	vst v18  }
0x21: {  	v10 =	vunpack.c.l.s4.s8 v10;
	v22 =	vor.u32 $0x404, v3;
	[tilespmem:$0x1FF40] =	vst v19  }
0x22: {  	vm7 =	vcmask $0x1F00;
	vm8 =	vcmask $0x2F20;
	v23 =	vor.u32 $0x405, v3;
	[tilespmem:$0x1FF50] =	vst v22  }
0x23: {  	v24 =	vor.u32 $0x406, v3;
	v25 =	vor.u32 $0x407, v3;
	v0 =	vunpack.c.0.s8.s32 v10;
	[tilespmem:$0x1FF60] =	vst v23  }
0x24: {  	v26 =	vor.u32 $0x801, v3;
	v27 =	vor.u32 $0x802, v3;
	v28 =	vor.u32 $0x803, v3;
	[tilespmem:$0x1FF70] =	vst v24  }
0x25: {  	v29 =	vor.u32 $0x804, v3;
	v32 =	vor.u32 $0x805, v3;
	[tilespmem:$0x1FF80] =	vst v25;
	v0 =	vand.u32 $0xF, v0  }
0x26: {  	s3 =	srdreg.scid;
	v33 =	vor.u32 $0x806, v3;
	v34 =	vor.u32 $0x807, v3;
	[tilespmem:$0x1FF90] =	vst v26;
	v0 =	vnsel vm7, $0xC, v0  }
0x27: {  	s1 =	stileid.u32;
	s11 =	simm.s32 $0x200;
	s13 =	simm.s32 $0x10;
	v10 =	vimm.s32 $0xEEDDDDDC;
	[tilespmem:$0x1FFA0] =	vst v28;
	v35 =	vsel vm8, $0xB, v0;
	v0 =	vor.u32 $0xC00, v3  }
0x28: {  	s14 =	simm.s32 $0x1800;
	s15 =	simm.s32 $0x50;
	s16 =	simm.s32 $0x2000;
	v36 =	vor.u32 $0xC04, v3;
	v10 =	vunpack.c.l.s4.s8 v10;
	[tilespmem:$0x1FE40] =	vst v0;
	v0 =	vor.u32 $0xC01, v3  }
0x29: {  	s17 =	simm.s32 $0x3400;
	s18 =	simm.s32 $0x3C00;
	s19 =	simm.s32 $0x1;
	v37 =	vor.u32 $0xC05, v3;
	v38 =	vor.u32 $0xC06, v3;
	[tilespmem:$0x1FE50] =	vst v0;
	v0 =	vor.u32 $0xC02, v3  }
0x2a: {  	s20 =	simm.s32 $0x2;
	s3 =	sand.u32 $0x1, s3;
	s4 =	sshll.u32 s1, $0x1;
	v39 =	vor.u32 $0xC07, v3;
	v42 =	vor.u32 $0x1000, v3;
	[tilespmem:$0x1FE60] =	vst v0;
	v0 =	vunpack.c.0.s8.s32 v10  }
0x2b: {  	s22 =	simm.s32 $0x0;
	s4 =	sor.u32 s3, s4;
	s6 =	ssub.s32 $0x2, s3;
	v43 =	vor.u32 $0x1001, v3;
	v44 =	vor.u32 $0x1002, v3;
	v45 =	vor.u32 $0x1003, v3;
	[tilespmem:$0x1FFB0] =	vst v29  }
0x2c: {  	s3 =	sadd.s32 $0x1800, s0;
	s5 =	sshll.u32 s4, $0x6;
	s8 =	smul.u32 $0x140, s4;
	v46 =	vor.u32 $0x1004, v3;
	vm12 =	vcmask $0x300;
	[tilespmem:$0x1FFC0] =	vst v32;
	v0 =	vand.u32 $0xF, v0  }
0x2d: {  	s30 =	sshrl.u32 s6, $0x1;
	s4 =	sadd.s32 $0xF43C00, s0;
	s9 =	sadd.s32 s5, s0;
	vm13 =	vcmask $0x2B20;
	v1 =	vimm.s32 $0x780;
	[tilespmem:$0x1FFD0] =	vst v33;
	v0 =	vnsel vm7, $0xF, v0  }
0x2e: {  	s10 =	ssub.s32 s6, s30;
	s0 =	sadd.s32 s8, s0;
	s31 =	sadd.s32 $0x1000, s9;
	vm14 =	vcmask $0x1704;
	[tilespmem:$0x1FFE0] =	vst v34;
	v1 =	vsel vm12, $0x600, v1;
	v0 =	vsel vm13, $0xE, v0  }
0x2f: {  	v47 =	vor.u32 $0x1005, v3;
	s6 =	sadd.s32 $0x800, s9;
	s7 =	sadd.s32 s7, s8;
	s9 =	smax.u32 s10, $0x1;
	vm15 =	vcmask $0x2B18;
	[tilespmem:$0x1FE80] =	vst v0;
	v0 =	vsel vm14, $0x680, v1  }
0x30: {  	v48 =	vor.u32 $0x1006, v3;
	v49 =	vor.u32 $0x1007, v3;
	s10 =	simm.s32 $0x3;
	s8 =	sadd.s32 $0x7A5800, s0;
	[dreg:$0x3] =	wrdreg s31;
	[tilespmem:$0x1FFF0] =	vst v35;
	v41 =	vsel vm15, $0x700, v0  }
.LBB2_1:
0x31: {  	s0 =	rddreg [dreg:$0x3]  }
0x32: {  	[tilespmem:s2], [sflag:$0x3] =	stream.linear.gather [hbm4b:s0+s2], $0x200, $0x38;
	[tilespmem:$0x5000] =	vst v63  }
0x33: {  	_ =	swait.ge [sflag:s10], $0x200  }
0x34: {  	[sflag:s10] =	ssyncset.done $0x0  }
0x35: {  	[sflag:s10] =	ssyncadd.s32 $0xFFFFFE00  }
0x36: {  	[tilespmem:s11], [sflag:$0x3] =	stream.linear.gather [hbm4b:s6+s2], $0x200, $0x38;
	[tilespmem:$0x5000] =	vst v63  }
0x37: {  	_ =	swait.ge [sflag:s10], $0x200  }
0x38: {  	[sflag:s10] =	ssyncset.done $0x0  }
0x39: {  	s31 =	simm.s32 $0x400;
	[sflag:s10] =	ssyncadd.s32 $0xFFFFFE00  }
0x3a: {  	[tilespmem:s31], [sflag:$0x3] =	stream.linear.gather [hbm4b:s7+s2], $0xA00, $0x38;
	[tilespmem:$0x5000] =	vst v63  }
0x3b: {  	_ =	swait.ge [sflag:s10], $0xA00  }
0x3c: {  	[sflag:s10] =	ssyncset.done $0x0  }
0x3d: {  	[sflag:s10] =	ssyncadd.s32 $0xFFFFF600  }
0x3e: {  	[tilespmem:s14], [sflag:$0x1] =	stream.indirect.gather [hbm4b:s3+s13], $0x80, s2, s13, $0xb8;
	[tilespmem:$0x5000] =	vst v63  }
0x3f: {  	s23 =	simm.s32 $0x0  }
0x40: {  	[tilespmem:s16], [sflag:$0x2] =	stream.indirect.gather [hbm4b:s4+s15], $0x40, s31, s15, $0xb8;
	[tilespmem:$0x5000] =	vst v63  }
.LBB2_2:
0x41: {  	s0 =	sshllo.u32 s23, $0x1  }
0x42: {  	s25 =	sshll.u32 s0, $0x4  }
0x43: {  	s0 =	smul.u32 $0x140, s0;
	s24 =	sand.u32 $0x3FFFFFF0, s25  }
0x44: {  	[tilespmem:s17], [sflag:$0x1] =	stream.indirect.gather [hbm4b:s3+s13], $0x80, s24, s13, $0xb8;
	[tilespmem:$0x5000] =	vst v63  }
0x45: {  	s24 =	sshra.s32 s0, $0x2  }
0x46: {  	s0 =	sadd.s32 $0x400, s24  }
0x47: {  	[tilespmem:s18], [sflag:$0x2] =	stream.indirect.gather [hbm4b:s4+s15], $0x40, s0, s15, $0xb8;
	[tilespmem:$0x5000] =	vst v63  }
0x48: {  	_ =	swait.ge [sflag:s19], $0x800  }
0x49: {  	v0 =	vld [tilespmem:$0x1FE00];
	_ =	sdelay $0x3  }
0x4a: {  	s5 =	sshll.u32 s23, $0x5  }
0x4b: {  	[sflag:s19] =	ssyncset.done $0x0;
	v0 =	vor.u32 s5, v0  }
0x4c: {  	[sflag:s19] =	ssyncadd.s32 $0xFFFFF800  }
0x4d: {  	_ =	swait.ge [sflag:s20], $0x1400  }
0x4e: {  	s26 =	simm.s32 $0x0;
	[sflag:s20] =	ssyncset.done $0x0  }
0x4f: {  	s29 =	simm.s32 $0x7;
	v1 =	vor.u32 s26, v3;
	[sflag:s20] =	ssyncadd.s32 $0xFFFFEC00  }
0x50: {  	s28 =	simm.s32 $0x6;
	v10 =	vor.u32 s29, v12;
	v51 =	vld.idx.msk [tilespmem:v0+s11+$0x0], $0xffff  }
0x51: {  	s30 =	simm.s32 $0x4;
	v0 =	vor.u32 s28, v9  }
0x52: {  	s31 =	simm.s32 $0x5;
	v20 =	vor.u32 s30, v7  }
0x53: {  	s1 =	simm.s32 $0x2;
	v30 =	vor.u32 s31, v8  }
0x54: {  	s21 =	simm.s32 $0x3;
	v40 =	vor.u32 s1, v5;
	v52 =	vld.idx.msk [tilespmem:v1+s16+$0x0], $0xffff  }
0x55: {  	s12 =	simm.s32 $0x1;
	v59 =	vor.u32 s21, v6;
	v55 =	vld.idx.msk [tilespmem:v10+s16+$0x0], $0xffff;
	v1 =	vand.u32 $0x7, v51;
	v50 =	vadd.s32 s26, v51  }
0x56: {  	v57 =	vld.idx.msk [tilespmem:v0+s16+$0x0], $0xffff;
	v56 =	vor.u32 v2, v1;
	v0 =	vand.u32 $0xFFFFFFF8, v50;
	v1 =	vor.u32 s12, v4  }
0x57: {  	v53 =	vld.idx.msk [tilespmem:v20+s16+$0x0], $0xffff;
	v10 =	vadd.s32 s12, v51;
	v0 =	vadd.s32 v56, v0  }
0x58: {  	v54 =	vld.idx.msk [tilespmem:v30+s16+$0x0], $0xffff;
	v20 =	vadd.s32 s1, v51;
	v10 =	vadd.s32 v2, v10  }
0x59: {  	v58 =	vld.idx.msk [tilespmem:v40+s16+$0x0], $0xffff;
	v13 =	vadd.s32 v2, v20;
	v20 =	vadd.s32 s21, v51  }
0x5a: {  	v59 =	vld.idx.msk [tilespmem:v59+s16+$0x0], $0xffff;
	v14 =	vadd.s32 s30, v51;
	v30 =	vadd.s32 v2, v20  }
0x5b: {  	v60 =	vimm.f32 $0.0e+00;
	v40 =	vadd.s32 v2, v14;
	v61 =	vld.idx.msk [tilespmem:v1+s16+$0x0], $0xffff;
	v1 =	vadd.s32 s31, v51  }
0x5c: {  	v16 =	vmovc v3;
	v17 =	vmovc v4;
	v18 =	vmov v5;
	v63 =	vld.idx.msk [tilespmem:v0+s14+$0x0], $0xffff;
	v20 =	vadd.s32 v2, v1;
	v0 =	vadd.s32 s28, v51  }
0x5d: {  	v19 =	vmovc v6;
	v22 =	vmovc v7;
	v23 =	vmov v8;
	v62 =	vadd.s32 s29, v51;
	v1 =	vld.idx.msk [tilespmem:v10+s14+$0x0], $0xffff;
	v0 =	vadd.s32 v2, v0  }
0x5e: {  	v24 =	vmovc v9;
	v25 =	vmovc v12;
	v35 =	vmov s5;
	s26 =	sshll.u32 s23, $0x1;
	s29 =	simm.s32 $0x8;
	v50 =	vadd.s32 v2, v62;
	v62 =	vimm.f32 $0.0e+00;
	s28 =	simm.s32 $0x0;
	v10 =	vld.idx.msk [tilespmem:v13+s14+$0x0], $0xffff  }
.LBB2_3:
0x5f: {  	v3 =	vor.u32 s29, v16;
	s30 =	sadd.s32 $0x6, s29;
	v30 =	vld.idx.msk [tilespmem:v30+s14+$0x0], $0xffff  }
0x60: {  	v4 =	vadd.s32 s29, v51;
	s0 =	sadd.s32 $0x4, s29;
	s1 =	sadd.s32 $0x5, s29;
	s31 =	sadd.s32 $0x7, s29;
	v5 =	vor.u32 s30, v24;
	v40 =	vld.idx.msk [tilespmem:v40+s14+$0x0], $0xffff  }
0x61: {  	s21 =	sadd.s32 $0x2, s29;
	s12 =	sadd.s32 $0x3, s29;
	v6 =	vor.u32 s0, v22;
	v7 =	vor.u32 s1, v23;
	v8 =	vor.u32 s31, v25;
	v20 =	vld.idx.msk [tilespmem:v20+s14+$0x0], $0xffff  }
0x62: {  	v9 =	vadd.s32 s21, v51;
	v12 =	vor.u32 s21, v18;
	v13 =	vor.u32 s12, v19;
	v0 =	vld.idx.msk [tilespmem:v0+s14+$0x0], $0xffff  }
0x63: {  	s21 =	sadd.s32 $0x1, s29;
	v14 =	vadd.s32 s12, v51;
	v63 =	vmul.f32 v52, v63;
	v1 =	vmul.f32 v61, v1;
	v50 =	vld.idx.msk [tilespmem:v50+s14+$0x0], $0xffff  }
0x64: {  	v4 =	vand.u32 $0xFFFFFFF8, v4;
	v10 =	vmul.f32 v58, v10;
	v52 =	vld.idx.msk [tilespmem:v3+s16+$0x0], $0xffff;
	v3 =	vor.u32 s21, v17  }
0x65: {  	v58 =	vadd.f32 v63, v60;
	v1 =	vadd.f32 v1, v62;
	v30 =	vmul.f32 v59, v30;
	v5 =	vld.idx.msk [tilespmem:v5+s16+$0x0], $0xffff  }
0x66: {  	s28 =	sadd.s32 $0x4, s28;
	v4 =	vadd.s32 v56, v4;
	v59 =	vadd.s32 s21, v51;
	v40 =	vmul.f32 v53, v40;
	v8 =	vld.idx.msk [tilespmem:v8+s16+$0x0], $0xffff  }
0x67: {  	p0 =	slt.u32 s28, $0x1C;
	v1 =	vadd.f32 v30, v1;
	v53 =	vld.idx.msk [tilespmem:v6+s16+$0x0], $0xffff;
	v6 =	vadd.f32 v10, v58;
	v10 =	vmul.f32 v54, v20  }
0x68: {  	v9 =	vadd.s32 v2, v9;
	v15 =	vadd.s32 v2, v59;
	v0 =	vmul.f32 v57, v0;
	v54 =	vld.idx.msk [tilespmem:v7+s16+$0x0], $0xffff  }
0x69: {  	v7 =	vmul.f32 v55, v50;
	v58 =	vld.idx.msk [tilespmem:v12+s16+$0x0], $0xffff;
	v6 =	vadd.f32 v40, v6;
	v1 =	vadd.f32 v10, v1  }
.Ltmp0:
0x6a: {  	v30 =	vadd.s32 v2, v14;
	v10 =	vadd.s32 s0, v51;
	v12 =	vadd.s32 s1, v51;
	v59 =	vld.idx.msk [tilespmem:v13+s16+$0x0], $0xffff;
	(pc) =	sbr.rel @p0 .LBB2_3-.Ltmp0, $4  }
0x6b: {  	v40 =	vadd.s32 v2, v10;
	v61 =	vld.idx.msk [tilespmem:v3+s16+$0x0], $0xffff;
	v60 =	vadd.f32 v0, v6;
	v62 =	vadd.f32 v7, v1  }
0x6c: {  	v20 =	vadd.s32 v2, v12;
	v57 =	vmovc v5;
	v0 =	vadd.s32 s30, v51;
	v55 =	vmov v8;
	v63 =	vld.idx.msk [tilespmem:v4+s14+$0x0], $0xffff  }
0x6d: {  	v3 =	vadd.s32 s31, v51;
	v0 =	vadd.s32 v2, v0;
	v1 =	vld.idx.msk [tilespmem:v15+s14+$0x0], $0xffff  }
0x6e: {  	s29 =	sadd.s32 $0x8, s29;
	v50 =	vadd.s32 v2, v3;
	v10 =	vld.idx.msk [tilespmem:v9+s14+$0x0], $0xffff  }
0x6f: {  	_ =	sdelay $0x3  }
0x70: {  	v3 =	vld.idx.msk [tilespmem:v30+s14+$0x0], $0xffff;
	_ =	sdelay $0x1  }
0x71: {  	v5 =	vld.idx.msk [tilespmem:v20+s14+$0x0], $0xffff  }
0x72: {  	v1 =	vmul.f32 v61, v1  }
0x73: {  	v7 =	vld.idx.msk [tilespmem:v50+s14+$0x0], $0xffff  }
0x74: {  	v1 =	vadd.f32 v1, v62;
	v3 =	vmul.f32 v59, v3;
	_ =	sdelay $0x1  }
0x75: {  	v4 =	vld.idx.msk [tilespmem:v40+s14+$0x0], $0xffff;
	v1 =	vadd.f32 v3, v1;
	v3 =	vmul.f32 v54, v5  }
0x76: {  	v6 =	vmul.f32 v52, v63  }
0x77: {  	v0 =	vld.idx.msk [tilespmem:v0+s14+$0x0], $0xffff;
	v1 =	vadd.f32 v3, v1;
	v3 =	vmul.f32 v55, v7  }
0x78: {  	v8 =	vmul.f32 v58, v10;
	v6 =	vadd.f32 v6, v60  }
0x79: {  	v1 =	vadd.f32 v3, v1;
	v3 =	vld [tilespmem:$0x1FE10]  }
0x7a: {  	v4 =	vmul.f32 v53, v4;
	v6 =	vadd.f32 v8, v6;
	_ =	sdelay $0x1  }
0x7b: {  	v16 =	vld [tilespmem:$0x1FF10];
	v0 =	vmul.f32 v57, v0;
	v4 =	vadd.f32 v4, v6  }
0x7c: {  	v22 =	vld [tilespmem:$0x1FF50]  }
0x7d: {  	v24 =	vld [tilespmem:$0x1FF70];
	v0 =	vadd.f32 v0, v4;
	v3 =	vor.u32 v3, v35  }
0x7e: {  	s0 =	smul.u32 $0x280, s23;
	v25 =	vld [tilespmem:$0x1FF80]  }
0x7f: {  	v23 =	vld [tilespmem:$0x1FF60];
	v0 =	vadd.f32 v1, v0  }
0x80: {  	s21 =	simm.s32 $0x4;
	v18 =	vld [tilespmem:$0x1FF30];
	s28 =	sshra.s32 s0, $0x2  }
0x81: {  	s5 =	simm.s32 $0x0;
	v19 =	vld [tilespmem:$0x1FF40];
	v62 =	vor.u32 s21, v22;
	[tilespmem:s28+$0xE00] =	vst v0  }
0x82: {  	s1 =	simm.s32 $0x6;
	v0 =	vor.u32 s5, v16;
	v51 =	vld.idx.msk [tilespmem:v3+s11+$0x0], $0xffff  }
0x83: {  	s12 =	simm.s32 $0x7;
	v17 =	vld [tilespmem:$0x1FF20];
	v1 =	vor.u32 s1, v24  }
0x84: {  	s29 =	simm.s32 $0x5;
	v3 =	vor.u32 s12, v25  }
0x85: {  	s30 =	simm.s32 $0x2;
	v63 =	vor.u32 s29, v23  }
0x86: {  	s31 =	simm.s32 $0x3;
	v12 =	vor.u32 s30, v18;
	v53 =	vld.idx.msk [tilespmem:v62+s16+$0x0], $0xffff  }
0x87: {  	v8 =	vor.u32 s31, v19;
	v52 =	vld.idx.msk [tilespmem:v0+s16+$0x0], $0xffff;
	v0 =	vand.u32 $0x7, v51;
	v13 =	vadd.s32 s5, v51;
	s5 =	simm.s32 $0x1  }
0x88: {  	v57 =	vld.idx.msk [tilespmem:v1+s16+$0x0], $0xffff;
	v56 =	vor.u32 v11, v0;
	v0 =	vand.u32 $0xFFFFFFF8, v13;
	v1 =	vor.u32 s5, v17  }
0x89: {  	v55 =	vld.idx.msk [tilespmem:v3+s16+$0x0], $0xffff;
	v3 =	vadd.s32 s5, v51;
	v0 =	vadd.s32 v56, v0  }
0x8a: {  	v54 =	vld.idx.msk [tilespmem:v63+s16+$0x0], $0xffff;
	v14 =	vadd.s32 s30, v51;
	v3 =	vadd.s32 v11, v3  }
0x8b: {  	v59 =	vld.idx.msk [tilespmem:v12+s16+$0x0], $0xffff;
	v40 =	vadd.s32 s31, v51;
	v4 =	vadd.s32 v11, v14  }
0x8c: {  	v58 =	vld.idx.msk [tilespmem:v8+s16+$0x0], $0xffff;
	v50 =	vadd.s32 s21, v51;
	v30 =	vadd.s32 v11, v40  }
0x8d: {  	v40 =	vadd.s32 v11, v50;
	v61 =	vld.idx.msk [tilespmem:v1+s16+$0x0], $0xffff;
	v1 =	vadd.s32 s29, v51  }
0x8e: {  	v63 =	vld.idx.msk [tilespmem:v0+s14+$0x0], $0xffff;
	v20 =	vadd.s32 v11, v1;
	v0 =	vadd.s32 s1, v51  }
0x8f: {  	v1 =	vld.idx.msk [tilespmem:v3+s14+$0x0], $0xffff;
	v3 =	vadd.s32 s12, v51;
	v0 =	vadd.s32 v11, v0  }
0x90: {  	v60 =	vimm.f32 $0.0e+00;
	v62 =	vimm.f32 $0.0e+00;
	s30 =	simm.s32 $0x8;
	s29 =	simm.s32 $0x0;
	v10 =	vld.idx.msk [tilespmem:v4+s14+$0x0], $0xffff;
	v50 =	vadd.s32 v11, v3  }
.LBB2_5:
0x91: {  	v3 =	vor.u32 s30, v16;
	s31 =	sadd.s32 $0x6, s30;
	v4 =	vld.idx.msk [tilespmem:v30+s14+$0x0], $0xffff  }
0x92: {  	v5 =	vadd.s32 s30, v51;
	s1 =	sadd.s32 $0x4, s30;
	s12 =	sadd.s32 $0x5, s30;
	s0 =	sadd.s32 $0x7, s30;
	v6 =	vor.u32 s31, v24;
	v7 =	vld.idx.msk [tilespmem:v40+s14+$0x0], $0xffff  }
0x93: {  	s21 =	sadd.s32 $0x2, s30;
	s5 =	sadd.s32 $0x3, s30;
	v8 =	vor.u32 s1, v22;
	v9 =	vor.u32 s12, v23;
	v12 =	vor.u32 s0, v25;
	v13 =	vld.idx.msk [tilespmem:v20+s14+$0x0], $0xffff  }
0x94: {  	v14 =	vadd.s32 s21, v51;
	v15 =	vor.u32 s21, v18;
	v20 =	vor.u32 s5, v19;
	v0 =	vld.idx.msk [tilespmem:v0+s14+$0x0], $0xffff  }
0x95: {  	s21 =	sadd.s32 $0x1, s30;
	v30 =	vadd.s32 s5, v51;
	v40 =	vmul.f32 v52, v63;
	v1 =	vmul.f32 v61, v1;
	v50 =	vld.idx.msk [tilespmem:v50+s14+$0x0], $0xffff  }
0x96: {  	v5 =	vand.u32 $0xFFFFFFF8, v5;
	v10 =	vmul.f32 v59, v10;
	v52 =	vld.idx.msk [tilespmem:v3+s16+$0x0], $0xffff;
	v3 =	vor.u32 s21, v17  }
0x97: {  	v40 =	vadd.f32 v40, v60;
	v1 =	vadd.f32 v1, v62;
	v4 =	vmul.f32 v58, v4;
	v6 =	vld.idx.msk [tilespmem:v6+s16+$0x0], $0xffff  }
0x98: {  	s29 =	sadd.s32 $0x4, s29;
	v5 =	vadd.s32 v56, v5;
	v58 =	vadd.s32 s21, v51;
	v7 =	vmul.f32 v53, v7;
	v12 =	vld.idx.msk [tilespmem:v12+s16+$0x0], $0xffff  }
0x99: {  	p0 =	slt.u32 s29, $0x1C;
	v1 =	vadd.f32 v4, v1;
	v4 =	vmul.f32 v54, v13;
	v53 =	vld.idx.msk [tilespmem:v8+s16+$0x0], $0xffff;
	v8 =	vadd.f32 v10, v40  }
0x9a: {  	v13 =	vadd.s32 v11, v14;
	v10 =	vadd.s32 v11, v58;
	v0 =	vmul.f32 v57, v0;
	v54 =	vld.idx.msk [tilespmem:v9+s16+$0x0], $0xffff  }
0x9b: {  	v1 =	vadd.f32 v4, v1;
	v4 =	vmul.f32 v55, v50;
	v59 =	vld.idx.msk [tilespmem:v15+s16+$0x0], $0xffff;
	v7 =	vadd.f32 v7, v8  }
.Ltmp1:
0x9c: {  	v30 =	vadd.s32 v11, v30;
	v9 =	vadd.s32 s12, v51;
	v8 =	vadd.s32 s1, v51;
	v58 =	vld.idx.msk [tilespmem:v20+s16+$0x0], $0xffff;
	(pc) =	sbr.rel @p0 .LBB2_5-.Ltmp1, $4  }
0x9d: {  	v40 =	vadd.s32 v11, v8;
	v62 =	vadd.f32 v4, v1;
	v61 =	vld.idx.msk [tilespmem:v3+s16+$0x0], $0xffff;
	v60 =	vadd.f32 v0, v7  }
0x9e: {  	v20 =	vadd.s32 v11, v9;
	v57 =	vmovc v6;
	v0 =	vadd.s32 s31, v51;
	v55 =	vmov v12;
	v63 =	vld.idx.msk [tilespmem:v5+s14+$0x0], $0xffff  }
0x9f: {  	v3 =	vadd.s32 s0, v51;
	v0 =	vadd.s32 v11, v0;
	v1 =	vld.idx.msk [tilespmem:v10+s14+$0x0], $0xffff  }
0xa0: {  	s30 =	sadd.s32 $0x8, s30;
	v50 =	vadd.s32 v11, v3;
	v10 =	vld.idx.msk [tilespmem:v13+s14+$0x0], $0xffff  }
0xa1: {  	_ =	sdelay $0x3  }
0xa2: {  	v3 =	vld.idx.msk [tilespmem:v30+s14+$0x0], $0xffff;
	_ =	sdelay $0x1  }
0xa3: {  	v5 =	vld.idx.msk [tilespmem:v20+s14+$0x0], $0xffff  }
0xa4: {  	v1 =	vmul.f32 v61, v1  }
0xa5: {  	v7 =	vld.idx.msk [tilespmem:v50+s14+$0x0], $0xffff  }
0xa6: {  	v1 =	vadd.f32 v1, v62;
	v3 =	vmul.f32 v58, v3;
	_ =	sdelay $0x1  }
0xa7: {  	v4 =	vld.idx.msk [tilespmem:v40+s14+$0x0], $0xffff;
	v1 =	vadd.f32 v3, v1;
	v3 =	vmul.f32 v54, v5  }
0xa8: {  	v6 =	vmul.f32 v52, v63  }
0xa9: {  	v0 =	vld.idx.msk [tilespmem:v0+s14+$0x0], $0xffff;
	v1 =	vadd.f32 v3, v1;
	v3 =	vmul.f32 v55, v7  }
0xaa: {  	v8 =	vmul.f32 v59, v10;
	v6 =	vadd.f32 v6, v60  }
0xab: {  	v1 =	vadd.f32 v3, v1;
	v3 =	vld [tilespmem:$0x1FE20]  }
0xac: {  	v4 =	vmul.f32 v53, v4;
	v6 =	vadd.f32 v8, v6;
	_ =	sdelay $0x1  }
0xad: {  	v0 =	vmul.f32 v57, v0;
	v4 =	vadd.f32 v4, v6;
	_ =	sdelay $0x1  }
0xae: {  	v16 =	vld [tilespmem:$0x1FE30];
	v0 =	vadd.f32 v0, v4;
	v3 =	vor.u32 v3, v35;
	_ =	sdelay $0x1  }
0xaf: {  	v0 =	vadd.f32 v1, v0  }
0xb0: {  	s12 =	simm.s32 $0x4  }
0xb1: {  	s0 =	simm.s32 $0x0;
	v63 =	vor.u32 s12, v29;
	[tilespmem:s28+$0xE10] =	vst v0  }
0xb2: {  	s1 =	simm.s32 $0x6;
	v0 =	vor.u32 s0, v16;
	v51 =	vld.idx.msk [tilespmem:v3+s11+$0x0], $0xffff  }
0xb3: {  	s5 =	simm.s32 $0x7;
	v1 =	vor.u32 s1, v33  }
0xb4: {  	s21 =	simm.s32 $0x5;
	v3 =	vor.u32 s5, v34  }
0xb5: {  	s29 =	simm.s32 $0x2;
	v12 =	vor.u32 s21, v32  }
0xb6: {  	s30 =	simm.s32 $0x3;
	v13 =	vor.u32 s29, v27;
	v53 =	vld.idx.msk [tilespmem:v63+s16+$0x0], $0xffff  }
0xb7: {  	s31 =	simm.s32 $0x1;
	v8 =	vor.u32 s30, v28;
	v52 =	vld.idx.msk [tilespmem:v0+s16+$0x0], $0xffff;
	v0 =	vand.u32 $0x7, v51;
	v14 =	vadd.s32 s0, v51  }
0xb8: {  	v57 =	vld.idx.msk [tilespmem:v1+s16+$0x0], $0xffff;
	v1 =	vor.u32 s31, v26;
	v56 =	vor.u32 v21, v0;
	v0 =	vand.u32 $0xFFFFFFF8, v14  }
0xb9: {  	v55 =	vld.idx.msk [tilespmem:v3+s16+$0x0], $0xffff;
	v3 =	vadd.s32 s31, v51;
	v0 =	vadd.s32 v56, v0  }
0xba: {  	v22 =	vmov v35;
	v54 =	vld.idx.msk [tilespmem:v12+s16+$0x0], $0xffff;
	v35 =	vadd.s32 s29, v51;
	v3 =	vadd.s32 v21, v3  }
0xbb: {  	v59 =	vld.idx.msk [tilespmem:v13+s16+$0x0], $0xffff;
	v40 =	vadd.s32 s30, v51;
	v4 =	vadd.s32 v21, v35  }
0xbc: {  	v58 =	vld.idx.msk [tilespmem:v8+s16+$0x0], $0xffff;
	v50 =	vadd.s32 s12, v51;
	v30 =	vadd.s32 v21, v40  }
0xbd: {  	v61 =	vld.idx.msk [tilespmem:v1+s16+$0x0], $0xffff;
	v1 =	vadd.s32 s21, v51;
	v40 =	vadd.s32 v21, v50  }
0xbe: {  	v20 =	vadd.s32 v21, v1;
	v63 =	vld.idx.msk [tilespmem:v0+s14+$0x0], $0xffff;
	v0 =	vadd.s32 s1, v51  }
0xbf: {  	v1 =	vld.idx.msk [tilespmem:v3+s14+$0x0], $0xffff;
	v3 =	vadd.s32 s5, v51;
	v0 =	vadd.s32 v21, v0  }
0xc0: {  	v60 =	vimm.f32 $0.0e+00;
	v62 =	vimm.f32 $0.0e+00;
	s29 =	simm.s32 $0x0;
	s30 =	simm.s32 $0x8;
	v10 =	vld.idx.msk [tilespmem:v4+s14+$0x0], $0xffff;
	v50 =	vadd.s32 v21, v3  }
.LBB2_7:
0xc1: {  	v3 =	vor.u32 s30, v16;
	s0 =	sadd.s32 $0x6, s30;
	v4 =	vld.idx.msk [tilespmem:v30+s14+$0x0], $0xffff  }
0xc2: {  	v5 =	vadd.s32 s30, v51;
	s1 =	sadd.s32 $0x4, s30;
	s5 =	sadd.s32 $0x5, s30;
	s31 =	sadd.s32 $0x7, s30;
	v6 =	vor.u32 s0, v33;
	v7 =	vld.idx.msk [tilespmem:v40+s14+$0x0], $0xffff  }
0xc3: {  	s12 =	sadd.s32 $0x2, s30;
	s21 =	sadd.s32 $0x3, s30;
	v8 =	vor.u32 s1, v29;
	v9 =	vor.u32 s5, v32;
	v12 =	vor.u32 s31, v34;
	v13 =	vld.idx.msk [tilespmem:v20+s14+$0x0], $0xffff  }
0xc4: {  	v14 =	vadd.s32 s12, v51;
	v15 =	vor.u32 s12, v27;
	v20 =	vor.u32 s21, v28;
	v0 =	vld.idx.msk [tilespmem:v0+s14+$0x0], $0xffff  }
0xc5: {  	s12 =	sadd.s32 $0x1, s30;
	v30 =	vadd.s32 s21, v51;
	v40 =	vmul.f32 v52, v63;
	v1 =	vmul.f32 v61, v1;
	v50 =	vld.idx.msk [tilespmem:v50+s14+$0x0], $0xffff  }
0xc6: {  	v5 =	vand.u32 $0xFFFFFFF8, v5;
	v10 =	vmul.f32 v59, v10;
	v52 =	vld.idx.msk [tilespmem:v3+s16+$0x0], $0xffff;
	v3 =	vor.u32 s12, v26  }
0xc7: {  	v40 =	vadd.f32 v40, v60;
	v1 =	vadd.f32 v1, v62;
	v4 =	vmul.f32 v58, v4;
	v6 =	vld.idx.msk [tilespmem:v6+s16+$0x0], $0xffff  }
0xc8: {  	s29 =	sadd.s32 $0x4, s29;
	v5 =	vadd.s32 v56, v5;
	v58 =	vadd.s32 s12, v51;
	v7 =	vmul.f32 v53, v7;
	v12 =	vld.idx.msk [tilespmem:v12+s16+$0x0], $0xffff  }
0xc9: {  	p0 =	slt.u32 s29, $0x1C;
	v1 =	vadd.f32 v4, v1;
	v4 =	vmul.f32 v54, v13;
	v53 =	vld.idx.msk [tilespmem:v8+s16+$0x0], $0xffff;
	v8 =	vadd.f32 v10, v40  }
0xca: {  	v13 =	vadd.s32 v21, v14;
	v10 =	vadd.s32 v21, v58;
	v0 =	vmul.f32 v57, v0;
	v54 =	vld.idx.msk [tilespmem:v9+s16+$0x0], $0xffff  }
0xcb: {  	v1 =	vadd.f32 v4, v1;
	v4 =	vmul.f32 v55, v50;
	v59 =	vld.idx.msk [tilespmem:v15+s16+$0x0], $0xffff;
	v7 =	vadd.f32 v7, v8  }
.Ltmp2:
0xcc: {  	v30 =	vadd.s32 v21, v30;
	v9 =	vadd.s32 s5, v51;
	v8 =	vadd.s32 s1, v51;
	v58 =	vld.idx.msk [tilespmem:v20+s16+$0x0], $0xffff;
	(pc) =	sbr.rel @p0 .LBB2_7-.Ltmp2, $4  }
0xcd: {  	v40 =	vadd.s32 v21, v8;
	v62 =	vadd.f32 v4, v1;
	v61 =	vld.idx.msk [tilespmem:v3+s16+$0x0], $0xffff;
	v60 =	vadd.f32 v0, v7  }
0xce: {  	v20 =	vadd.s32 v21, v9;
	v57 =	vmovc v6;
	v0 =	vadd.s32 s0, v51;
	v55 =	vmov v12;
	v63 =	vld.idx.msk [tilespmem:v5+s14+$0x0], $0xffff  }
0xcf: {  	v3 =	vadd.s32 s31, v51;
	v0 =	vadd.s32 v21, v0;
	v1 =	vld.idx.msk [tilespmem:v10+s14+$0x0], $0xffff  }
0xd0: {  	s30 =	sadd.s32 $0x8, s30;
	v50 =	vadd.s32 v21, v3;
	v10 =	vld.idx.msk [tilespmem:v13+s14+$0x0], $0xffff  }
0xd1: {  	_ =	sdelay $0x3  }
0xd2: {  	v3 =	vld.idx.msk [tilespmem:v30+s14+$0x0], $0xffff  }
0xd3: {  	v4 =	vld.idx.msk [tilespmem:v40+s14+$0x0], $0xffff  }
0xd4: {  	v5 =	vld.idx.msk [tilespmem:v20+s14+$0x0], $0xffff  }
0xd5: {  	v0 =	vld.idx.msk [tilespmem:v0+s14+$0x0], $0xffff;
	v6 =	vmul.f32 v52, v63;
	v1 =	vmul.f32 v61, v1  }
0xd6: {  	v7 =	vld.idx.msk [tilespmem:v50+s14+$0x0], $0xffff;
	v8 =	vmul.f32 v59, v10  }
0xd7: {  	v6 =	vadd.f32 v6, v60;
	v1 =	vadd.f32 v1, v62;
	v3 =	vmul.f32 v58, v3  }
0xd8: {  	v35 =	vld [tilespmem:$0x1FFF0];
	v4 =	vmul.f32 v53, v4  }
0xd9: {  	v6 =	vadd.f32 v8, v6;
	v1 =	vadd.f32 v3, v1;
	v3 =	vmul.f32 v54, v5  }
0xda: {  	v0 =	vmul.f32 v57, v0  }
0xdb: {  	v4 =	vadd.f32 v4, v6;
	v1 =	vadd.f32 v3, v1;
	v3 =	vmul.f32 v55, v7;
	_ =	sdelay $0x1  }
0xdc: {  	v16 =	vld [tilespmem:$0x1FE40];
	v0 =	vadd.f32 v0, v4;
	v1 =	vadd.f32 v3, v1;
	v3 =	vor.u32 v35, v22;
	_ =	sdelay $0x1  }
0xdd: {  	v0 =	vadd.f32 v1, v0  }
0xde: {  	s12 =	simm.s32 $0x4;
	v18 =	vld [tilespmem:$0x1FE60]  }
0xdf: {  	s0 =	simm.s32 $0x0;
	v19 =	vld [tilespmem:$0x1FE70];
	v63 =	vor.u32 s12, v36;
	[tilespmem:s28+$0xE20] =	vst v0  }
0xe0: {  	s1 =	simm.s32 $0x6;
	v0 =	vor.u32 s0, v16;
	v51 =	vld.idx.msk [tilespmem:v3+s11+$0x0], $0xffff  }
0xe1: {  	s5 =	simm.s32 $0x7;
	v17 =	vld [tilespmem:$0x1FE50];
	v1 =	vor.u32 s1, v38  }
0xe2: {  	s21 =	simm.s32 $0x5;
	v3 =	vor.u32 s5, v39  }
0xe3: {  	s29 =	simm.s32 $0x2;
	v12 =	vor.u32 s21, v37  }
0xe4: {  	s30 =	simm.s32 $0x3;
	v13 =	vor.u32 s29, v18;
	v53 =	vld.idx.msk [tilespmem:v63+s16+$0x0], $0xffff  }
0xe5: {  	s31 =	simm.s32 $0x1;
	v8 =	vor.u32 s30, v19;
	v52 =	vld.idx.msk [tilespmem:v0+s16+$0x0], $0xffff;
	v0 =	vand.u32 $0x7, v51;
	v14 =	vadd.s32 s0, v51  }
0xe6: {  	v57 =	vld.idx.msk [tilespmem:v1+s16+$0x0], $0xffff;
	v1 =	vor.u32 s31, v17;
	v56 =	vor.u32 v31, v0;
	v0 =	vand.u32 $0xFFFFFFF8, v14  }
0xe7: {  	v55 =	vld.idx.msk [tilespmem:v3+s16+$0x0], $0xffff;
	v3 =	vadd.s32 s31, v51;
	v0 =	vadd.s32 v56, v0  }
0xe8: {  	v54 =	vld.idx.msk [tilespmem:v12+s16+$0x0], $0xffff;
	v35 =	vadd.s32 s29, v51;
	v3 =	vadd.s32 v31, v3  }
0xe9: {  	v59 =	vld.idx.msk [tilespmem:v13+s16+$0x0], $0xffff;
	v40 =	vadd.s32 s30, v51;
	v4 =	vadd.s32 v31, v35  }
0xea: {  	v58 =	vld.idx.msk [tilespmem:v8+s16+$0x0], $0xffff;
	v50 =	vadd.s32 s12, v51;
	v30 =	vadd.s32 v31, v40  }
0xeb: {  	v40 =	vadd.s32 v31, v50;
	v61 =	vld.idx.msk [tilespmem:v1+s16+$0x0], $0xffff;
	v1 =	vadd.s32 s21, v51  }
0xec: {  	v20 =	vadd.s32 v31, v1;
	v63 =	vld.idx.msk [tilespmem:v0+s14+$0x0], $0xffff;
	v0 =	vadd.s32 s1, v51  }
0xed: {  	v1 =	vld.idx.msk [tilespmem:v3+s14+$0x0], $0xffff;
	v3 =	vadd.s32 s5, v51;
	v0 =	vadd.s32 v31, v0  }
0xee: {  	v60 =	vimm.f32 $0.0e+00;
	v62 =	vimm.f32 $0.0e+00;
	s29 =	simm.s32 $0x0;
	s30 =	simm.s32 $0x8;
	v10 =	vld.idx.msk [tilespmem:v4+s14+$0x0], $0xffff;
	v50 =	vadd.s32 v31, v3  }
.LBB2_9:
0xef: {  	v3 =	vor.u32 s30, v16;
	s0 =	sadd.s32 $0x6, s30;
	v4 =	vld.idx.msk [tilespmem:v30+s14+$0x0], $0xffff  }
0xf0: {  	v5 =	vadd.s32 s30, v51;
	s1 =	sadd.s32 $0x4, s30;
	s5 =	sadd.s32 $0x5, s30;
	s31 =	sadd.s32 $0x7, s30;
	v6 =	vor.u32 s0, v38;
	v7 =	vld.idx.msk [tilespmem:v40+s14+$0x0], $0xffff  }
0xf1: {  	s12 =	sadd.s32 $0x2, s30;
	s21 =	sadd.s32 $0x3, s30;
	v8 =	vor.u32 s1, v36;
	v9 =	vor.u32 s5, v37;
	v12 =	vor.u32 s31, v39;
	v13 =	vld.idx.msk [tilespmem:v20+s14+$0x0], $0xffff  }
0xf2: {  	v14 =	vadd.s32 s12, v51;
	v15 =	vor.u32 s12, v18;
	v20 =	vor.u32 s21, v19;
	v0 =	vld.idx.msk [tilespmem:v0+s14+$0x0], $0xffff  }
0xf3: {  	s12 =	sadd.s32 $0x1, s30;
	v30 =	vadd.s32 s21, v51;
	v40 =	vmul.f32 v52, v63;
	v1 =	vmul.f32 v61, v1;
	v50 =	vld.idx.msk [tilespmem:v50+s14+$0x0], $0xffff  }
0xf4: {  	v5 =	vand.u32 $0xFFFFFFF8, v5;
	v10 =	vmul.f32 v59, v10;
	v52 =	vld.idx.msk [tilespmem:v3+s16+$0x0], $0xffff;
	v3 =	vor.u32 s12, v17  }
0xf5: {  	v40 =	vadd.f32 v40, v60;
	v1 =	vadd.f32 v1, v62;
	v4 =	vmul.f32 v58, v4;
	v6 =	vld.idx.msk [tilespmem:v6+s16+$0x0], $0xffff  }
0xf6: {  	s29 =	sadd.s32 $0x4, s29;
	v5 =	vadd.s32 v56, v5;
	v58 =	vadd.s32 s12, v51;
	v7 =	vmul.f32 v53, v7;
	v12 =	vld.idx.msk [tilespmem:v12+s16+$0x0], $0xffff  }
0xf7: {  	p0 =	slt.u32 s29, $0x1C;
	v1 =	vadd.f32 v4, v1;
	v4 =	vmul.f32 v54, v13;
	v53 =	vld.idx.msk [tilespmem:v8+s16+$0x0], $0xffff;
	v8 =	vadd.f32 v10, v40  }
0xf8: {  	v13 =	vadd.s32 v31, v14;
	v10 =	vadd.s32 v31, v58;
	v0 =	vmul.f32 v57, v0;
	v54 =	vld.idx.msk [tilespmem:v9+s16+$0x0], $0xffff  }
0xf9: {  	v1 =	vadd.f32 v4, v1;
	v4 =	vmul.f32 v55, v50;
	v59 =	vld.idx.msk [tilespmem:v15+s16+$0x0], $0xffff;
	v7 =	vadd.f32 v7, v8  }
.Ltmp3:
0xfa: {  	v30 =	vadd.s32 v31, v30;
	v9 =	vadd.s32 s5, v51;
	v8 =	vadd.s32 s1, v51;
	v58 =	vld.idx.msk [tilespmem:v20+s16+$0x0], $0xffff;
	(pc) =	sbr.rel @p0 .LBB2_9-.Ltmp3, $4  }
0xfb: {  	v40 =	vadd.s32 v31, v8;
	v62 =	vadd.f32 v4, v1;
	v61 =	vld.idx.msk [tilespmem:v3+s16+$0x0], $0xffff;
	v60 =	vadd.f32 v0, v7  }
0xfc: {  	v20 =	vadd.s32 v31, v9;
	v57 =	vmovc v6;
	v0 =	vadd.s32 s0, v51;
	v55 =	vmov v12;
	v63 =	vld.idx.msk [tilespmem:v5+s14+$0x0], $0xffff  }
0xfd: {  	v3 =	vadd.s32 s31, v51;
	v0 =	vadd.s32 v31, v0;
	v1 =	vld.idx.msk [tilespmem:v10+s14+$0x0], $0xffff  }
0xfe: {  	s30 =	sadd.s32 $0x8, s30;
	v50 =	vadd.s32 v31, v3;
	v10 =	vld.idx.msk [tilespmem:v13+s14+$0x0], $0xffff  }
0xff: {  	_ =	sdelay $0x3  }
0x100: {  	v3 =	vld.idx.msk [tilespmem:v30+s14+$0x0], $0xffff;
	_ =	sdelay $0x1  }
0x101: {  	v5 =	vld.idx.msk [tilespmem:v20+s14+$0x0], $0xffff  }
0x102: {  	v1 =	vmul.f32 v61, v1  }
0x103: {  	v7 =	vld.idx.msk [tilespmem:v50+s14+$0x0], $0xffff  }
0x104: {  	v1 =	vadd.f32 v1, v62;
	v3 =	vmul.f32 v58, v3;
	_ =	sdelay $0x1  }
0x105: {  	v4 =	vld.idx.msk [tilespmem:v40+s14+$0x0], $0xffff;
	v1 =	vadd.f32 v3, v1;
	v3 =	vmul.f32 v54, v5  }
0x106: {  	v6 =	vmul.f32 v52, v63  }
0x107: {  	v0 =	vld.idx.msk [tilespmem:v0+s14+$0x0], $0xffff;
	v1 =	vadd.f32 v3, v1;
	v3 =	vmul.f32 v55, v7  }
0x108: {  	v8 =	vmul.f32 v59, v10;
	v6 =	vadd.f32 v6, v60  }
0x109: {  	v1 =	vadd.f32 v3, v1;
	v3 =	vld [tilespmem:$0x1FE80]  }
0x10a: {  	v4 =	vmul.f32 v53, v4;
	v6 =	vadd.f32 v8, v6;
	_ =	sdelay $0x1  }
0x10b: {  	v0 =	vmul.f32 v57, v0;
	v4 =	vadd.f32 v4, v6;
	_ =	sdelay $0x1  }
0x10c: {  	v0 =	vadd.f32 v0, v4;
	v3 =	vor.u32 v3, v22;
	_ =	sdelay $0x1  }
0x10d: {  	v0 =	vadd.f32 v1, v0  }
0x10e: {  	s12 =	simm.s32 $0x4  }
0x10f: {  	s0 =	simm.s32 $0x0;
	v13 =	vor.u32 s12, v46;
	[tilespmem:s28+$0xE30] =	vst v0  }
0x110: {  	s1 =	simm.s32 $0x6;
	v0 =	vor.u32 s0, v42;
	v50 =	vld.idx.msk [tilespmem:v3+s11+$0x0], $0xffff  }
0x111: {  	s5 =	simm.s32 $0x7;
	v1 =	vor.u32 s1, v48  }
0x112: {  	s21 =	simm.s32 $0x5;
	v3 =	vor.u32 s5, v49  }
0x113: {  	s29 =	simm.s32 $0x2;
	v14 =	vor.u32 s21, v47  }
0x114: {  	s30 =	simm.s32 $0x3;
	v15 =	vor.u32 s29, v44;
	v52 =	vld.idx.msk [tilespmem:v13+s16+$0x0], $0xffff  }
0x115: {  	s31 =	simm.s32 $0x1;
	v8 =	vor.u32 s30, v45;
	v51 =	vld.idx.msk [tilespmem:v0+s16+$0x0], $0xffff;
	v0 =	vand.u32 $0x7, v50;
	v16 =	vadd.s32 s0, v50  }
0x116: {  	v56 =	vld.idx.msk [tilespmem:v1+s16+$0x0], $0xffff;
	v1 =	vor.u32 s31, v43;
	v55 =	vor.u32 v41, v0;
	v0 =	vand.u32 $0xFFFFFFF8, v16  }
0x117: {  	v54 =	vld.idx.msk [tilespmem:v3+s16+$0x0], $0xffff;
	v3 =	vadd.s32 s31, v50;
	v0 =	vadd.s32 v55, v0  }
0x118: {  	v53 =	vld.idx.msk [tilespmem:v14+s16+$0x0], $0xffff;
	v17 =	vadd.s32 s29, v50;
	v3 =	vadd.s32 v41, v3  }
0x119: {  	v58 =	vld.idx.msk [tilespmem:v15+s16+$0x0], $0xffff;
	v35 =	vadd.s32 s30, v50;
	v4 =	vadd.s32 v41, v17  }
0x11a: {  	v57 =	vld.idx.msk [tilespmem:v8+s16+$0x0], $0xffff;
	v40 =	vadd.s32 s12, v50;
	v30 =	vadd.s32 v41, v35  }
0x11b: {  	v60 =	vld.idx.msk [tilespmem:v1+s16+$0x0], $0xffff;
	v1 =	vadd.s32 s21, v50;
	v40 =	vadd.s32 v41, v40  }
0x11c: {  	v20 =	vadd.s32 v41, v1;
	v62 =	vld.idx.msk [tilespmem:v0+s14+$0x0], $0xffff;
	v0 =	vadd.s32 s1, v50  }
0x11d: {  	v1 =	vld.idx.msk [tilespmem:v3+s14+$0x0], $0xffff;
	v3 =	vadd.s32 s5, v50;
	v0 =	vadd.s32 v41, v0  }
0x11e: {  	v61 =	vimm.f32 $0.0e+00;
	v59 =	vimm.f32 $0.0e+00;
	s29 =	simm.s32 $0x0;
	s30 =	simm.s32 $0x8;
	v10 =	vld.idx.msk [tilespmem:v4+s14+$0x0], $0xffff;
	v63 =	vadd.s32 v41, v3  }
.LBB2_11:
0x11f: {  	v3 =	vor.u32 s30, v42;
	s0 =	sadd.s32 $0x6, s30;
	v4 =	vld.idx.msk [tilespmem:v30+s14+$0x0], $0xffff  }
0x120: {  	v5 =	vadd.s32 s30, v50;
	s1 =	sadd.s32 $0x4, s30;
	s5 =	sadd.s32 $0x5, s30;
	s31 =	sadd.s32 $0x7, s30;
	v6 =	vor.u32 s0, v48;
	v7 =	vld.idx.msk [tilespmem:v40+s14+$0x0], $0xffff  }
0x121: {  	s12 =	sadd.s32 $0x2, s30;
	s21 =	sadd.s32 $0x3, s30;
	v8 =	vor.u32 s1, v46;
	v9 =	vor.u32 s5, v47;
	v12 =	vor.u32 s31, v49;
	v13 =	vld.idx.msk [tilespmem:v20+s14+$0x0], $0xffff  }
0x122: {  	v14 =	vadd.s32 s12, v50;
	v15 =	vor.u32 s12, v44;
	v20 =	vor.u32 s21, v45;
	v0 =	vld.idx.msk [tilespmem:v0+s14+$0x0], $0xffff  }
0x123: {  	s12 =	sadd.s32 $0x1, s30;
	v30 =	vadd.s32 s21, v50;
	v40 =	vmul.f32 v51, v62;
	v1 =	vmul.f32 v60, v1;
	v60 =	vld.idx.msk [tilespmem:v63+s14+$0x0], $0xffff  }
0x124: {  	v5 =	vand.u32 $0xFFFFFFF8, v5;
	v10 =	vmul.f32 v58, v10;
	v51 =	vld.idx.msk [tilespmem:v3+s16+$0x0], $0xffff;
	v3 =	vor.u32 s12, v43  }
0x125: {  	v40 =	vadd.f32 v40, v59;
	v1 =	vadd.f32 v1, v61;
	v4 =	vmul.f32 v57, v4;
	v6 =	vld.idx.msk [tilespmem:v6+s16+$0x0], $0xffff  }
0x126: {  	s29 =	sadd.s32 $0x4, s29;
	v5 =	vadd.s32 v55, v5;
	v57 =	vadd.s32 s12, v50;
	v7 =	vmul.f32 v52, v7;
	v12 =	vld.idx.msk [tilespmem:v12+s16+$0x0], $0xffff  }
0x127: {  	p0 =	slt.u32 s29, $0x1C;
	v1 =	vadd.f32 v4, v1;
	v4 =	vmul.f32 v53, v13;
	v52 =	vld.idx.msk [tilespmem:v8+s16+$0x0], $0xffff;
	v8 =	vadd.f32 v10, v40  }
0x128: {  	v13 =	vadd.s32 v41, v14;
	v10 =	vadd.s32 v41, v57;
	v0 =	vmul.f32 v56, v0;
	v53 =	vld.idx.msk [tilespmem:v9+s16+$0x0], $0xffff  }
0x129: {  	v1 =	vadd.f32 v4, v1;
	v4 =	vmul.f32 v54, v60;
	v58 =	vld.idx.msk [tilespmem:v15+s16+$0x0], $0xffff;
	v7 =	vadd.f32 v7, v8  }
.Ltmp4:
0x12a: {  	v30 =	vadd.s32 v41, v30;
	v9 =	vadd.s32 s5, v50;
	v8 =	vadd.s32 s1, v50;
	v57 =	vld.idx.msk [tilespmem:v20+s16+$0x0], $0xffff;
	(pc) =	sbr.rel @p0 .LBB2_11-.Ltmp4, $4  }
0x12b: {  	v40 =	vadd.s32 v41, v8;
	v61 =	vadd.f32 v4, v1;
	v60 =	vld.idx.msk [tilespmem:v3+s16+$0x0], $0xffff;
	v59 =	vadd.f32 v0, v7  }
0x12c: {  	v20 =	vadd.s32 v41, v9;
	v56 =	vmovc v6;
	v0 =	vadd.s32 s0, v50;
	v54 =	vmov v12;
	v62 =	vld.idx.msk [tilespmem:v5+s14+$0x0], $0xffff  }
0x12d: {  	v3 =	vadd.s32 s31, v50;
	v0 =	vadd.s32 v41, v0;
	v1 =	vld.idx.msk [tilespmem:v10+s14+$0x0], $0xffff  }
0x12e: {  	s30 =	sadd.s32 $0x8, s30;
	v63 =	vadd.s32 v41, v3;
	v10 =	vld.idx.msk [tilespmem:v13+s14+$0x0], $0xffff  }
0x12f: {  	_ =	sdelay $0x3  }
0x130: {  	v3 =	vld.idx.msk [tilespmem:v30+s14+$0x0], $0xffff  }
0x131: {  	v4 =	vld.idx.msk [tilespmem:v40+s14+$0x0], $0xffff  }
0x132: {  	v5 =	vld.idx.msk [tilespmem:v20+s14+$0x0], $0xffff  }
0x133: {  	v0 =	vld.idx.msk [tilespmem:v0+s14+$0x0], $0xffff;
	v6 =	vmul.f32 v51, v62;
	v1 =	vmul.f32 v60, v1  }
0x134: {  	v7 =	vld.idx.msk [tilespmem:v63+s14+$0x0], $0xffff;
	v8 =	vmul.f32 v58, v10  }
0x135: {  	v6 =	vadd.f32 v6, v59;
	v1 =	vadd.f32 v1, v61;
	v3 =	vmul.f32 v57, v3  }
0x136: {  	v4 =	vmul.f32 v52, v4  }
0x137: {  	v6 =	vadd.f32 v8, v6;
	v1 =	vadd.f32 v3, v1;
	v3 =	vmul.f32 v53, v5  }
0x138: {  	v0 =	vmul.f32 v56, v0  }
0x139: {  	v4 =	vadd.f32 v4, v6;
	v1 =	vadd.f32 v3, v1;
	v3 =	vmul.f32 v54, v7;
	_ =	sdelay $0x1  }
0x13a: {  	s0 =	smin.u32 s26, $0x1D;
	v0 =	vadd.f32 v0, v4;
	v1 =	vadd.f32 v3, v1  }
0x13b: {  	s0 =	sadd.s32 $0x2, s0  }
0x13c: {  	s1 =	sshll.u32 s0, $0x4;
	s0 =	smul.u32 $0x140, s0;
	v0 =	vadd.f32 v1, v0;
	_ =	sdelay $0x1  }
0x13d: {  	s0 =	sshrl.u32 s0, $0x2;
	[tilespmem:s28+$0xE40] =	vst v0  }
0x13e: {  	[tilespmem:s14], [sflag:$0x1] =	stream.indirect.gather [hbm4b:s3+s13], $0x80, s1, s13, $0xb8;
	[tilespmem:$0x5000] =	vst v63  }
0x13f: {  	s0 =	sadd.s32 $0x400, s0  }
0x140: {  	[tilespmem:s16], [sflag:$0x2] =	stream.indirect.gather [hbm4b:s4+s15], $0x40, s0, s15, $0xb8;
	[tilespmem:$0x5000] =	vst v63  }
0x141: {  	_ =	swait.ge [sflag:s19], $0x800  }
0x142: {  	[sflag:s19] =	ssyncset.done $0x0;
	v0 =	vld [tilespmem:$0x1FE00]  }
0x143: {  	[sflag:s19] =	ssyncadd.s32 $0xFFFFF800  }
0x144: {  	_ =	swait.ge [sflag:s20], $0x1400  }
0x145: {  	v16 =	vld [tilespmem:$0x1FE90]  }
0x146: {  	v24 =	vld [tilespmem:$0x1FEF0]  }
0x147: {  	v25 =	vld [tilespmem:$0x1FF00];
	v0 =	vor.u32 s25, v0  }
0x148: {  	v22 =	vld [tilespmem:$0x1FED0]  }
0x149: {  	v23 =	vld [tilespmem:$0x1FEE0]  }
0x14a: {  	s26 =	simm.s32 $0x0;
	[sflag:s20] =	ssyncset.done $0x0;
	v18 =	vld [tilespmem:$0x1FEB0]  }
0x14b: {  	s5 =	simm.s32 $0x7;
	v19 =	vld [tilespmem:$0x1FEC0];
	[sflag:s20] =	ssyncadd.s32 $0xFFFFEC00;
	v1 =	vor.u32 s26, v16  }
0x14c: {  	s1 =	simm.s32 $0x6;
	v3 =	vor.u32 s5, v25;
	v51 =	vld.idx.msk [tilespmem:v0+s11+$0x0], $0xffff  }
0x14d: {  	s12 =	simm.s32 $0x4;
	v17 =	vld [tilespmem:$0x1FEA0];
	v0 =	vor.u32 s1, v24  }
0x14e: {  	s21 =	simm.s32 $0x5;
	v62 =	vor.u32 s12, v22  }
0x14f: {  	s29 =	simm.s32 $0x2;
	v63 =	vor.u32 s21, v23  }
0x150: {  	s30 =	simm.s32 $0x3;
	v12 =	vor.u32 s29, v18;
	v52 =	vld.idx.msk [tilespmem:v1+s18+$0x0], $0xffff  }
0x151: {  	s31 =	simm.s32 $0x1;
	v8 =	vor.u32 s30, v19;
	v55 =	vld.idx.msk [tilespmem:v3+s18+$0x0], $0xffff;
	v1 =	vand.u32 $0x7, v51;
	v13 =	vadd.s32 s26, v51  }
0x152: {  	v57 =	vld.idx.msk [tilespmem:v0+s18+$0x0], $0xffff;
	v56 =	vor.u32 v2, v1;
	v0 =	vand.u32 $0xFFFFFFF8, v13;
	v1 =	vor.u32 s31, v17  }
0x153: {  	v53 =	vld.idx.msk [tilespmem:v62+s18+$0x0], $0xffff;
	v3 =	vadd.s32 s31, v51;
	v0 =	vadd.s32 v56, v0  }
0x154: {  	v54 =	vld.idx.msk [tilespmem:v63+s18+$0x0], $0xffff;
	v14 =	vadd.s32 s29, v51;
	v3 =	vadd.s32 v2, v3  }
0x155: {  	v58 =	vld.idx.msk [tilespmem:v12+s18+$0x0], $0xffff;
	v40 =	vadd.s32 s30, v51;
	v4 =	vadd.s32 v2, v14  }
0x156: {  	v59 =	vld.idx.msk [tilespmem:v8+s18+$0x0], $0xffff;
	v50 =	vadd.s32 s12, v51;
	v30 =	vadd.s32 v2, v40  }
0x157: {  	v40 =	vadd.s32 v2, v50;
	v61 =	vld.idx.msk [tilespmem:v1+s18+$0x0], $0xffff;
	v1 =	vadd.s32 s21, v51  }
0x158: {  	v63 =	vld.idx.msk [tilespmem:v0+s17+$0x0], $0xffff;
	v20 =	vadd.s32 v2, v1;
	v0 =	vadd.s32 s1, v51  }
0x159: {  	v35 =	vmov s25;
	v1 =	vld.idx.msk [tilespmem:v3+s17+$0x0], $0xffff;
	v3 =	vadd.s32 s5, v51;
	v0 =	vadd.s32 v2, v0  }
0x15a: {  	v60 =	vimm.f32 $0.0e+00;
	[tilespmem:$0x1FDF0] =	vst v35;
	s25 =	simm.s32 $0x0;
	v62 =	vimm.f32 $0.0e+00;
	s26 =	simm.s32 $0x8;
	v10 =	vld.idx.msk [tilespmem:v4+s17+$0x0], $0xffff;
	v50 =	vadd.s32 v2, v3  }
.LBB2_13:
0x15b: {  	v3 =	vor.u32 s26, v16;
	s0 =	sadd.s32 $0x6, s26;
	v4 =	vld.idx.msk [tilespmem:v30+s17+$0x0], $0xffff  }
0x15c: {  	v5 =	vadd.s32 s26, v51;
	s1 =	sadd.s32 $0x4, s26;
	s5 =	sadd.s32 $0x5, s26;
	s28 =	sadd.s32 $0x7, s26;
	v6 =	vor.u32 s0, v24;
	v7 =	vld.idx.msk [tilespmem:v40+s17+$0x0], $0xffff  }
0x15d: {  	s12 =	sadd.s32 $0x2, s26;
	s21 =	sadd.s32 $0x3, s26;
	v8 =	vor.u32 s1, v22;
	v9 =	vor.u32 s5, v23;
	v12 =	vor.u32 s28, v25;
	v13 =	vld.idx.msk [tilespmem:v20+s17+$0x0], $0xffff  }
0x15e: {  	v14 =	vadd.s32 s12, v51;
	v15 =	vor.u32 s12, v18;
	v20 =	vor.u32 s21, v19;
	v0 =	vld.idx.msk [tilespmem:v0+s17+$0x0], $0xffff  }
0x15f: {  	s12 =	sadd.s32 $0x1, s26;
	v30 =	vadd.s32 s21, v51;
	v40 =	vmul.f32 v52, v63;
	v1 =	vmul.f32 v61, v1;
	v50 =	vld.idx.msk [tilespmem:v50+s17+$0x0], $0xffff  }
0x160: {  	v5 =	vand.u32 $0xFFFFFFF8, v5;
	v10 =	vmul.f32 v58, v10;
	v52 =	vld.idx.msk [tilespmem:v3+s18+$0x0], $0xffff;
	v3 =	vor.u32 s12, v17  }
0x161: {  	v40 =	vadd.f32 v40, v60;
	v1 =	vadd.f32 v1, v62;
	v4 =	vmul.f32 v59, v4;
	v6 =	vld.idx.msk [tilespmem:v6+s18+$0x0], $0xffff  }
0x162: {  	s25 =	sadd.s32 $0x4, s25;
	v5 =	vadd.s32 v56, v5;
	v58 =	vadd.s32 s12, v51;
	v7 =	vmul.f32 v53, v7;
	v12 =	vld.idx.msk [tilespmem:v12+s18+$0x0], $0xffff  }
0x163: {  	p0 =	slt.u32 s25, $0x1C;
	v1 =	vadd.f32 v4, v1;
	v4 =	vmul.f32 v54, v13;
	v53 =	vld.idx.msk [tilespmem:v8+s18+$0x0], $0xffff;
	v8 =	vadd.f32 v10, v40  }
0x164: {  	v13 =	vadd.s32 v2, v14;
	v10 =	vadd.s32 v2, v58;
	v0 =	vmul.f32 v57, v0;
	v54 =	vld.idx.msk [tilespmem:v9+s18+$0x0], $0xffff  }
0x165: {  	v1 =	vadd.f32 v4, v1;
	v4 =	vmul.f32 v55, v50;
	v58 =	vld.idx.msk [tilespmem:v15+s18+$0x0], $0xffff;
	v7 =	vadd.f32 v7, v8  }
.Ltmp5:
0x166: {  	v30 =	vadd.s32 v2, v30;
	v9 =	vadd.s32 s5, v51;
	v8 =	vadd.s32 s1, v51;
	v59 =	vld.idx.msk [tilespmem:v20+s18+$0x0], $0xffff;
	(pc) =	sbr.rel @p0 .LBB2_13-.Ltmp5, $4  }
0x167: {  	v40 =	vadd.s32 v2, v8;
	v62 =	vadd.f32 v4, v1;
	v61 =	vld.idx.msk [tilespmem:v3+s18+$0x0], $0xffff;
	v60 =	vadd.f32 v0, v7  }
0x168: {  	v20 =	vadd.s32 v2, v9;
	v57 =	vmovc v6;
	v0 =	vadd.s32 s0, v51;
	v55 =	vmov v12;
	v63 =	vld.idx.msk [tilespmem:v5+s17+$0x0], $0xffff  }
0x169: {  	v3 =	vadd.s32 s28, v51;
	v0 =	vadd.s32 v2, v0;
	v1 =	vld.idx.msk [tilespmem:v10+s17+$0x0], $0xffff  }
0x16a: {  	s26 =	sadd.s32 $0x8, s26;
	v50 =	vadd.s32 v2, v3;
	v10 =	vld.idx.msk [tilespmem:v13+s17+$0x0], $0xffff  }
0x16b: {  	_ =	sdelay $0x3  }
0x16c: {  	v3 =	vld.idx.msk [tilespmem:v30+s17+$0x0], $0xffff;
	_ =	sdelay $0x1  }
0x16d: {  	v5 =	vld.idx.msk [tilespmem:v20+s17+$0x0], $0xffff  }
0x16e: {  	v1 =	vmul.f32 v61, v1  }
0x16f: {  	v7 =	vld.idx.msk [tilespmem:v50+s17+$0x0], $0xffff  }
0x170: {  	v1 =	vadd.f32 v1, v62;
	v3 =	vmul.f32 v59, v3;
	_ =	sdelay $0x1  }
0x171: {  	v4 =	vld.idx.msk [tilespmem:v40+s17+$0x0], $0xffff;
	v1 =	vadd.f32 v3, v1;
	v3 =	vmul.f32 v54, v5  }
0x172: {  	v6 =	vmul.f32 v52, v63  }
0x173: {  	v0 =	vld.idx.msk [tilespmem:v0+s17+$0x0], $0xffff;
	v1 =	vadd.f32 v3, v1;
	v3 =	vmul.f32 v55, v7  }
0x174: {  	v8 =	vmul.f32 v58, v10;
	v6 =	vadd.f32 v6, v60;
	v62 =	vld [tilespmem:$0x1FDF0]  }
0x175: {  	v1 =	vadd.f32 v3, v1;
	v3 =	vld [tilespmem:$0x1FE10]  }
0x176: {  	v4 =	vmul.f32 v53, v4;
	v6 =	vadd.f32 v8, v6;
	_ =	sdelay $0x1  }
0x177: {  	v16 =	vld [tilespmem:$0x1FF10];
	v0 =	vmul.f32 v57, v0;
	v4 =	vadd.f32 v4, v6  }
0x178: {  	v22 =	vld [tilespmem:$0x1FF50]  }
0x179: {  	v24 =	vld [tilespmem:$0x1FF70];
	v0 =	vadd.f32 v0, v4;
	v3 =	vor.u32 v3, v62  }
0x17a: {  	v25 =	vld [tilespmem:$0x1FF80]  }
0x17b: {  	v23 =	vld [tilespmem:$0x1FF60];
	v0 =	vadd.f32 v1, v0  }
0x17c: {  	s12 =	simm.s32 $0x4;
	v18 =	vld [tilespmem:$0x1FF30]  }
0x17d: {  	s0 =	simm.s32 $0x0;
	v19 =	vld [tilespmem:$0x1FF40];
	v63 =	vor.u32 s12, v22;
	[tilespmem:s24+$0xE00] =	vst v0  }
0x17e: {  	s1 =	simm.s32 $0x6;
	v0 =	vor.u32 s0, v16;
	v51 =	vld.idx.msk [tilespmem:v3+s11+$0x0], $0xffff  }
0x17f: {  	s5 =	simm.s32 $0x7;
	v17 =	vld [tilespmem:$0x1FF20];
	v1 =	vor.u32 s1, v24  }
0x180: {  	s21 =	simm.s32 $0x5;
	v3 =	vor.u32 s5, v25  }
0x181: {  	s25 =	simm.s32 $0x2;
	v12 =	vor.u32 s21, v23  }
0x182: {  	s26 =	simm.s32 $0x3;
	v13 =	vor.u32 s25, v18;
	v53 =	vld.idx.msk [tilespmem:v63+s18+$0x0], $0xffff  }
0x183: {  	s31 =	simm.s32 $0x1;
	v8 =	vor.u32 s26, v19;
	v52 =	vld.idx.msk [tilespmem:v0+s18+$0x0], $0xffff;
	v0 =	vand.u32 $0x7, v51;
	v14 =	vadd.s32 s0, v51  }
0x184: {  	v57 =	vld.idx.msk [tilespmem:v1+s18+$0x0], $0xffff;
	v1 =	vor.u32 s31, v17;
	v56 =	vor.u32 v11, v0;
	v0 =	vand.u32 $0xFFFFFFF8, v14  }
0x185: {  	v55 =	vld.idx.msk [tilespmem:v3+s18+$0x0], $0xffff;
	v3 =	vadd.s32 s31, v51;
	v0 =	vadd.s32 v56, v0  }
0x186: {  	v54 =	vld.idx.msk [tilespmem:v12+s18+$0x0], $0xffff;
	v35 =	vadd.s32 s25, v51;
	v3 =	vadd.s32 v11, v3  }
0x187: {  	v59 =	vld.idx.msk [tilespmem:v13+s18+$0x0], $0xffff;
	v40 =	vadd.s32 s26, v51;
	v4 =	vadd.s32 v11, v35  }
0x188: {  	v58 =	vld.idx.msk [tilespmem:v8+s18+$0x0], $0xffff;
	v50 =	vadd.s32 s12, v51;
	v30 =	vadd.s32 v11, v40  }
0x189: {  	v61 =	vld.idx.msk [tilespmem:v1+s18+$0x0], $0xffff;
	v1 =	vadd.s32 s21, v51;
	v40 =	vadd.s32 v11, v50  }
0x18a: {  	v20 =	vadd.s32 v11, v1;
	v63 =	vld.idx.msk [tilespmem:v0+s17+$0x0], $0xffff;
	v0 =	vadd.s32 s1, v51  }
0x18b: {  	v1 =	vld.idx.msk [tilespmem:v3+s17+$0x0], $0xffff;
	v3 =	vadd.s32 s5, v51;
	v0 =	vadd.s32 v11, v0  }
0x18c: {  	v60 =	vimm.f32 $0.0e+00;
	v62 =	vimm.f32 $0.0e+00;
	s25 =	simm.s32 $0x0;
	s26 =	simm.s32 $0x8;
	v10 =	vld.idx.msk [tilespmem:v4+s17+$0x0], $0xffff;
	v50 =	vadd.s32 v11, v3  }
.LBB2_15:
0x18d: {  	v3 =	vor.u32 s26, v16;
	s0 =	sadd.s32 $0x6, s26;
	v4 =	vld.idx.msk [tilespmem:v30+s17+$0x0], $0xffff  }
0x18e: {  	v5 =	vadd.s32 s26, v51;
	s1 =	sadd.s32 $0x4, s26;
	s5 =	sadd.s32 $0x5, s26;
	s28 =	sadd.s32 $0x7, s26;
	v6 =	vor.u32 s0, v24;
	v7 =	vld.idx.msk [tilespmem:v40+s17+$0x0], $0xffff  }
0x18f: {  	s12 =	sadd.s32 $0x2, s26;
	s21 =	sadd.s32 $0x3, s26;
	v8 =	vor.u32 s1, v22;
	v9 =	vor.u32 s5, v23;
	v12 =	vor.u32 s28, v25;
	v13 =	vld.idx.msk [tilespmem:v20+s17+$0x0], $0xffff  }
0x190: {  	v14 =	vadd.s32 s12, v51;
	v15 =	vor.u32 s12, v18;
	v20 =	vor.u32 s21, v19;
	v0 =	vld.idx.msk [tilespmem:v0+s17+$0x0], $0xffff  }
0x191: {  	s12 =	sadd.s32 $0x1, s26;
	v30 =	vadd.s32 s21, v51;
	v40 =	vmul.f32 v52, v63;
	v1 =	vmul.f32 v61, v1;
	v50 =	vld.idx.msk [tilespmem:v50+s17+$0x0], $0xffff  }
0x192: {  	v5 =	vand.u32 $0xFFFFFFF8, v5;
	v10 =	vmul.f32 v59, v10;
	v52 =	vld.idx.msk [tilespmem:v3+s18+$0x0], $0xffff;
	v3 =	vor.u32 s12, v17  }
0x193: {  	v40 =	vadd.f32 v40, v60;
	v1 =	vadd.f32 v1, v62;
	v4 =	vmul.f32 v58, v4;
	v6 =	vld.idx.msk [tilespmem:v6+s18+$0x0], $0xffff  }
0x194: {  	s25 =	sadd.s32 $0x4, s25;
	v5 =	vadd.s32 v56, v5;
	v58 =	vadd.s32 s12, v51;
	v7 =	vmul.f32 v53, v7;
	v12 =	vld.idx.msk [tilespmem:v12+s18+$0x0], $0xffff  }
0x195: {  	p0 =	slt.u32 s25, $0x1C;
	v1 =	vadd.f32 v4, v1;
	v4 =	vmul.f32 v54, v13;
	v53 =	vld.idx.msk [tilespmem:v8+s18+$0x0], $0xffff;
	v8 =	vadd.f32 v10, v40  }
0x196: {  	v13 =	vadd.s32 v11, v14;
	v10 =	vadd.s32 v11, v58;
	v0 =	vmul.f32 v57, v0;
	v54 =	vld.idx.msk [tilespmem:v9+s18+$0x0], $0xffff  }
0x197: {  	v1 =	vadd.f32 v4, v1;
	v4 =	vmul.f32 v55, v50;
	v59 =	vld.idx.msk [tilespmem:v15+s18+$0x0], $0xffff;
	v7 =	vadd.f32 v7, v8  }
.Ltmp6:
0x198: {  	v30 =	vadd.s32 v11, v30;
	v9 =	vadd.s32 s5, v51;
	v8 =	vadd.s32 s1, v51;
	v58 =	vld.idx.msk [tilespmem:v20+s18+$0x0], $0xffff;
	(pc) =	sbr.rel @p0 .LBB2_15-.Ltmp6, $4  }
0x199: {  	v40 =	vadd.s32 v11, v8;
	v62 =	vadd.f32 v4, v1;
	v61 =	vld.idx.msk [tilespmem:v3+s18+$0x0], $0xffff;
	v60 =	vadd.f32 v0, v7  }
0x19a: {  	v20 =	vadd.s32 v11, v9;
	v57 =	vmovc v6;
	v0 =	vadd.s32 s0, v51;
	v55 =	vmov v12;
	v63 =	vld.idx.msk [tilespmem:v5+s17+$0x0], $0xffff  }
0x19b: {  	v3 =	vadd.s32 s28, v51;
	v0 =	vadd.s32 v11, v0;
	v1 =	vld.idx.msk [tilespmem:v10+s17+$0x0], $0xffff  }
0x19c: {  	s26 =	sadd.s32 $0x8, s26;
	v50 =	vadd.s32 v11, v3;
	v10 =	vld.idx.msk [tilespmem:v13+s17+$0x0], $0xffff  }
0x19d: {  	_ =	sdelay $0x3  }
0x19e: {  	v3 =	vld.idx.msk [tilespmem:v30+s17+$0x0], $0xffff;
	_ =	sdelay $0x1  }
0x19f: {  	v5 =	vld.idx.msk [tilespmem:v20+s17+$0x0], $0xffff  }
0x1a0: {  	v1 =	vmul.f32 v61, v1  }
0x1a1: {  	v7 =	vld.idx.msk [tilespmem:v50+s17+$0x0], $0xffff  }
0x1a2: {  	v1 =	vadd.f32 v1, v62;
	v3 =	vmul.f32 v58, v3;
	_ =	sdelay $0x1  }
0x1a3: {  	v4 =	vld.idx.msk [tilespmem:v40+s17+$0x0], $0xffff;
	v1 =	vadd.f32 v3, v1;
	v3 =	vmul.f32 v54, v5  }
0x1a4: {  	v6 =	vmul.f32 v52, v63  }
0x1a5: {  	v0 =	vld.idx.msk [tilespmem:v0+s17+$0x0], $0xffff;
	v1 =	vadd.f32 v3, v1;
	v3 =	vmul.f32 v55, v7  }
0x1a6: {  	v12 =	vld [tilespmem:$0x1FDF0];
	v8 =	vmul.f32 v59, v10;
	v6 =	vadd.f32 v6, v60  }
0x1a7: {  	v1 =	vadd.f32 v3, v1;
	v3 =	vld [tilespmem:$0x1FE20]  }
0x1a8: {  	v4 =	vmul.f32 v53, v4;
	v6 =	vadd.f32 v8, v6;
	_ =	sdelay $0x1  }
0x1a9: {  	v0 =	vmul.f32 v57, v0;
	v4 =	vadd.f32 v4, v6;
	_ =	sdelay $0x1  }
0x1aa: {  	v26 =	vld [tilespmem:$0x1FE30];
	v0 =	vadd.f32 v0, v4;
	v3 =	vor.u32 v3, v12;
	_ =	sdelay $0x1  }
0x1ab: {  	v0 =	vadd.f32 v1, v0  }
0x1ac: {  	s12 =	simm.s32 $0x4  }
0x1ad: {  	s0 =	simm.s32 $0x0;
	v13 =	vor.u32 s12, v29;
	[tilespmem:s24+$0xE10] =	vst v0  }
0x1ae: {  	s1 =	simm.s32 $0x6;
	s25 =	simm.s32 $0x2;
	v0 =	vor.u32 s0, v26;
	v51 =	vld.idx.msk [tilespmem:v3+s11+$0x0], $0xffff  }
0x1af: {  	s5 =	simm.s32 $0x7;
	v35 =	vmov v27;
	v15 =	vor.u32 s25, v27;
	v27 =	vld [tilespmem:$0x1FF90];
	v1 =	vor.u32 s1, v33  }
0x1b0: {  	s21 =	simm.s32 $0x5;
	v3 =	vor.u32 s5, v34  }
0x1b1: {  	v14 =	vor.u32 s21, v32  }
0x1b2: {  	s26 =	simm.s32 $0x3;
	v53 =	vld.idx.msk [tilespmem:v13+s18+$0x0], $0xffff  }
0x1b3: {  	s31 =	simm.s32 $0x1;
	v8 =	vor.u32 s26, v28;
	v52 =	vld.idx.msk [tilespmem:v0+s18+$0x0], $0xffff;
	v0 =	vand.u32 $0x7, v51;
	v16 =	vadd.s32 s0, v51  }
0x1b4: {  	v57 =	vld.idx.msk [tilespmem:v1+s18+$0x0], $0xffff;
	v1 =	vor.u32 s31, v27;
	v56 =	vor.u32 v21, v0;
	v0 =	vand.u32 $0xFFFFFFF8, v16  }
0x1b5: {  	v55 =	vld.idx.msk [tilespmem:v3+s18+$0x0], $0xffff;
	v3 =	vadd.s32 s31, v51;
	v0 =	vadd.s32 v56, v0  }
0x1b6: {  	v54 =	vld.idx.msk [tilespmem:v14+s18+$0x0], $0xffff;
	v17 =	vadd.s32 s25, v51;
	v3 =	vadd.s32 v21, v3  }
0x1b7: {  	v59 =	vld.idx.msk [tilespmem:v15+s18+$0x0], $0xffff;
	v40 =	vadd.s32 s26, v51;
	v4 =	vadd.s32 v21, v17  }
0x1b8: {  	v58 =	vld.idx.msk [tilespmem:v8+s18+$0x0], $0xffff;
	v50 =	vadd.s32 s12, v51;
	v30 =	vadd.s32 v21, v40  }
0x1b9: {  	v61 =	vld.idx.msk [tilespmem:v1+s18+$0x0], $0xffff;
	v1 =	vadd.s32 s21, v51;
	v40 =	vadd.s32 v21, v50  }
0x1ba: {  	v20 =	vadd.s32 v21, v1;
	v63 =	vld.idx.msk [tilespmem:v0+s17+$0x0], $0xffff;
	v0 =	vadd.s32 s1, v51  }
0x1bb: {  	v1 =	vld.idx.msk [tilespmem:v3+s17+$0x0], $0xffff;
	v3 =	vadd.s32 s5, v51;
	v0 =	vadd.s32 v21, v0  }
0x1bc: {  	v60 =	vimm.f32 $0.0e+00;
	v62 =	vimm.f32 $0.0e+00;
	s25 =	simm.s32 $0x0;
	s26 =	simm.s32 $0x8;
	v10 =	vld.idx.msk [tilespmem:v4+s17+$0x0], $0xffff;
	v50 =	vadd.s32 v21, v3  }
.LBB2_17:
0x1bd: {  	v3 =	vor.u32 s26, v26;
	s0 =	sadd.s32 $0x6, s26;
	v4 =	vld.idx.msk [tilespmem:v30+s17+$0x0], $0xffff  }
0x1be: {  	v5 =	vadd.s32 s26, v51;
	s1 =	sadd.s32 $0x4, s26;
	s5 =	sadd.s32 $0x5, s26;
	s28 =	sadd.s32 $0x7, s26;
	v6 =	vor.u32 s0, v33;
	v7 =	vld.idx.msk [tilespmem:v40+s17+$0x0], $0xffff  }
0x1bf: {  	s12 =	sadd.s32 $0x2, s26;
	s21 =	sadd.s32 $0x3, s26;
	v8 =	vor.u32 s1, v29;
	v9 =	vor.u32 s5, v32;
	v12 =	vor.u32 s28, v34;
	v13 =	vld.idx.msk [tilespmem:v20+s17+$0x0], $0xffff  }
0x1c0: {  	v14 =	vadd.s32 s12, v51;
	v15 =	vor.u32 s12, v35;
	v20 =	vor.u32 s21, v28;
	v0 =	vld.idx.msk [tilespmem:v0+s17+$0x0], $0xffff  }
0x1c1: {  	s12 =	sadd.s32 $0x1, s26;
	v30 =	vadd.s32 s21, v51;
	v40 =	vmul.f32 v52, v63;
	v1 =	vmul.f32 v61, v1;
	v50 =	vld.idx.msk [tilespmem:v50+s17+$0x0], $0xffff  }
0x1c2: {  	v5 =	vand.u32 $0xFFFFFFF8, v5;
	v10 =	vmul.f32 v59, v10;
	v52 =	vld.idx.msk [tilespmem:v3+s18+$0x0], $0xffff;
	v3 =	vor.u32 s12, v27  }
0x1c3: {  	v40 =	vadd.f32 v40, v60;
	v1 =	vadd.f32 v1, v62;
	v4 =	vmul.f32 v58, v4;
	v6 =	vld.idx.msk [tilespmem:v6+s18+$0x0], $0xffff  }
0x1c4: {  	s25 =	sadd.s32 $0x4, s25;
	v5 =	vadd.s32 v56, v5;
	v58 =	vadd.s32 s12, v51;
	v7 =	vmul.f32 v53, v7;
	v12 =	vld.idx.msk [tilespmem:v12+s18+$0x0], $0xffff  }
0x1c5: {  	p0 =	slt.u32 s25, $0x1C;
	v1 =	vadd.f32 v4, v1;
	v4 =	vmul.f32 v54, v13;
	v53 =	vld.idx.msk [tilespmem:v8+s18+$0x0], $0xffff;
	v8 =	vadd.f32 v10, v40  }
0x1c6: {  	v13 =	vadd.s32 v21, v14;
	v10 =	vadd.s32 v21, v58;
	v0 =	vmul.f32 v57, v0;
	v54 =	vld.idx.msk [tilespmem:v9+s18+$0x0], $0xffff  }
0x1c7: {  	v1 =	vadd.f32 v4, v1;
	v4 =	vmul.f32 v55, v50;
	v59 =	vld.idx.msk [tilespmem:v15+s18+$0x0], $0xffff;
	v7 =	vadd.f32 v7, v8  }
.Ltmp7:
0x1c8: {  	v30 =	vadd.s32 v21, v30;
	v9 =	vadd.s32 s5, v51;
	v8 =	vadd.s32 s1, v51;
	v58 =	vld.idx.msk [tilespmem:v20+s18+$0x0], $0xffff;
	(pc) =	sbr.rel @p0 .LBB2_17-.Ltmp7, $4  }
0x1c9: {  	v40 =	vadd.s32 v21, v8;
	v62 =	vadd.f32 v4, v1;
	v61 =	vld.idx.msk [tilespmem:v3+s18+$0x0], $0xffff;
	v60 =	vadd.f32 v0, v7  }
0x1ca: {  	v20 =	vadd.s32 v21, v9;
	v57 =	vmovc v6;
	v0 =	vadd.s32 s0, v51;
	v55 =	vmov v12;
	v63 =	vld.idx.msk [tilespmem:v5+s17+$0x0], $0xffff  }
0x1cb: {  	v3 =	vadd.s32 s28, v51;
	v0 =	vadd.s32 v21, v0;
	v1 =	vld.idx.msk [tilespmem:v10+s17+$0x0], $0xffff  }
0x1cc: {  	s26 =	sadd.s32 $0x8, s26;
	v50 =	vadd.s32 v21, v3;
	v10 =	vld.idx.msk [tilespmem:v13+s17+$0x0], $0xffff  }
0x1cd: {  	_ =	sdelay $0x3  }
0x1ce: {  	v3 =	vld.idx.msk [tilespmem:v30+s17+$0x0], $0xffff;
	_ =	sdelay $0x1  }
0x1cf: {  	v5 =	vld.idx.msk [tilespmem:v20+s17+$0x0], $0xffff  }
0x1d0: {  	v1 =	vmul.f32 v61, v1  }
0x1d1: {  	v7 =	vld.idx.msk [tilespmem:v50+s17+$0x0], $0xffff  }
0x1d2: {  	v1 =	vadd.f32 v1, v62;
	v3 =	vmul.f32 v58, v3;
	_ =	sdelay $0x1  }
0x1d3: {  	v4 =	vld.idx.msk [tilespmem:v40+s17+$0x0], $0xffff;
	v1 =	vadd.f32 v3, v1;
	v3 =	vmul.f32 v54, v5  }
0x1d4: {  	v6 =	vmul.f32 v52, v63  }
0x1d5: {  	v0 =	vld.idx.msk [tilespmem:v0+s17+$0x0], $0xffff;
	v1 =	vadd.f32 v3, v1;
	v3 =	vmul.f32 v55, v7  }
0x1d6: {  	v13 =	vld [tilespmem:$0x1FFF0];
	v8 =	vmul.f32 v59, v10;
	v6 =	vadd.f32 v6, v60  }
0x1d7: {  	v1 =	vadd.f32 v3, v1;
	v3 =	vld [tilespmem:$0x1FDF0]  }
0x1d8: {  	v4 =	vmul.f32 v53, v4;
	v6 =	vadd.f32 v8, v6;
	_ =	sdelay $0x1  }
0x1d9: {  	v0 =	vmul.f32 v57, v0;
	v4 =	vadd.f32 v4, v6;
	_ =	sdelay $0x1  }
0x1da: {  	v26 =	vld [tilespmem:$0x1FE40];
	v0 =	vadd.f32 v0, v4;
	v3 =	vor.u32 v13, v3;
	_ =	sdelay $0x1  }
0x1db: {  	v0 =	vadd.f32 v1, v0  }
0x1dc: {  	s12 =	simm.s32 $0x4;
	v29 =	vld [tilespmem:$0x1FE60]  }
0x1dd: {  	s0 =	simm.s32 $0x0;
	v32 =	vld [tilespmem:$0x1FE70];
	v14 =	vor.u32 s12, v36;
	[tilespmem:s24+$0xE20] =	vst v0  }
0x1de: {  	s1 =	simm.s32 $0x6;
	v0 =	vor.u32 s0, v26;
	v51 =	vld.idx.msk [tilespmem:v3+s11+$0x0], $0xffff  }
0x1df: {  	s5 =	simm.s32 $0x7;
	v28 =	vld [tilespmem:$0x1FE50];
	v1 =	vor.u32 s1, v38  }
0x1e0: {  	s21 =	simm.s32 $0x5;
	v3 =	vor.u32 s5, v39  }
0x1e1: {  	s25 =	simm.s32 $0x2;
	v15 =	vor.u32 s21, v37  }
0x1e2: {  	s26 =	simm.s32 $0x3;
	v16 =	vor.u32 s25, v29;
	v53 =	vld.idx.msk [tilespmem:v14+s18+$0x0], $0xffff  }
0x1e3: {  	s31 =	simm.s32 $0x1;
	v8 =	vor.u32 s26, v32;
	v52 =	vld.idx.msk [tilespmem:v0+s18+$0x0], $0xffff;
	v0 =	vand.u32 $0x7, v51;
	v17 =	vadd.s32 s0, v51  }
0x1e4: {  	v57 =	vld.idx.msk [tilespmem:v1+s18+$0x0], $0xffff;
	v1 =	vor.u32 s31, v28;
	v56 =	vor.u32 v31, v0;
	v0 =	vand.u32 $0xFFFFFFF8, v17  }
0x1e5: {  	v55 =	vld.idx.msk [tilespmem:v3+s18+$0x0], $0xffff;
	v3 =	vadd.s32 s31, v51;
	v0 =	vadd.s32 v56, v0  }
0x1e6: {  	v27 =	vmov v35;
	v54 =	vld.idx.msk [tilespmem:v15+s18+$0x0], $0xffff;
	v35 =	vadd.s32 s25, v51;
	v3 =	vadd.s32 v31, v3  }
0x1e7: {  	v59 =	vld.idx.msk [tilespmem:v16+s18+$0x0], $0xffff;
	v40 =	vadd.s32 s26, v51;
	v4 =	vadd.s32 v31, v35  }
0x1e8: {  	v58 =	vld.idx.msk [tilespmem:v8+s18+$0x0], $0xffff;
	v50 =	vadd.s32 s12, v51;
	v30 =	vadd.s32 v31, v40  }
0x1e9: {  	v61 =	vld.idx.msk [tilespmem:v1+s18+$0x0], $0xffff;
	v1 =	vadd.s32 s21, v51;
	v40 =	vadd.s32 v31, v50  }
0x1ea: {  	v20 =	vadd.s32 v31, v1;
	v63 =	vld.idx.msk [tilespmem:v0+s17+$0x0], $0xffff;
	v0 =	vadd.s32 s1, v51  }
0x1eb: {  	v1 =	vld.idx.msk [tilespmem:v3+s17+$0x0], $0xffff;
	v3 =	vadd.s32 s5, v51;
	v0 =	vadd.s32 v31, v0  }
0x1ec: {  	v60 =	vimm.f32 $0.0e+00;
	v62 =	vimm.f32 $0.0e+00;
	s25 =	simm.s32 $0x0;
	s26 =	simm.s32 $0x8;
	v10 =	vld.idx.msk [tilespmem:v4+s17+$0x0], $0xffff;
	v50 =	vadd.s32 v31, v3  }
.LBB2_19:
0x1ed: {  	v3 =	vor.u32 s26, v26;
	s0 =	sadd.s32 $0x6, s26;
	v4 =	vld.idx.msk [tilespmem:v30+s17+$0x0], $0xffff  }
0x1ee: {  	v5 =	vadd.s32 s26, v51;
	s1 =	sadd.s32 $0x4, s26;
	s5 =	sadd.s32 $0x5, s26;
	s28 =	sadd.s32 $0x7, s26;
	v6 =	vor.u32 s0, v38;
	v7 =	vld.idx.msk [tilespmem:v40+s17+$0x0], $0xffff  }
0x1ef: {  	s12 =	sadd.s32 $0x2, s26;
	s21 =	sadd.s32 $0x3, s26;
	v8 =	vor.u32 s1, v36;
	v9 =	vor.u32 s5, v37;
	v12 =	vor.u32 s28, v39;
	v13 =	vld.idx.msk [tilespmem:v20+s17+$0x0], $0xffff  }
0x1f0: {  	v14 =	vadd.s32 s12, v51;
	v15 =	vor.u32 s12, v29;
	v20 =	vor.u32 s21, v32;
	v0 =	vld.idx.msk [tilespmem:v0+s17+$0x0], $0xffff  }
0x1f1: {  	s12 =	sadd.s32 $0x1, s26;
	v30 =	vadd.s32 s21, v51;
	v40 =	vmul.f32 v52, v63;
	v1 =	vmul.f32 v61, v1;
	v50 =	vld.idx.msk [tilespmem:v50+s17+$0x0], $0xffff  }
0x1f2: {  	v5 =	vand.u32 $0xFFFFFFF8, v5;
	v10 =	vmul.f32 v59, v10;
	v52 =	vld.idx.msk [tilespmem:v3+s18+$0x0], $0xffff;
	v3 =	vor.u32 s12, v28  }
0x1f3: {  	v40 =	vadd.f32 v40, v60;
	v1 =	vadd.f32 v1, v62;
	v4 =	vmul.f32 v58, v4;
	v6 =	vld.idx.msk [tilespmem:v6+s18+$0x0], $0xffff  }
0x1f4: {  	s25 =	sadd.s32 $0x4, s25;
	v5 =	vadd.s32 v56, v5;
	v58 =	vadd.s32 s12, v51;
	v7 =	vmul.f32 v53, v7;
	v12 =	vld.idx.msk [tilespmem:v12+s18+$0x0], $0xffff  }
0x1f5: {  	p0 =	slt.u32 s25, $0x1C;
	v1 =	vadd.f32 v4, v1;
	v4 =	vmul.f32 v54, v13;
	v53 =	vld.idx.msk [tilespmem:v8+s18+$0x0], $0xffff;
	v8 =	vadd.f32 v10, v40  }
0x1f6: {  	v13 =	vadd.s32 v31, v14;
	v10 =	vadd.s32 v31, v58;
	v0 =	vmul.f32 v57, v0;
	v54 =	vld.idx.msk [tilespmem:v9+s18+$0x0], $0xffff  }
0x1f7: {  	v1 =	vadd.f32 v4, v1;
	v4 =	vmul.f32 v55, v50;
	v59 =	vld.idx.msk [tilespmem:v15+s18+$0x0], $0xffff;
	v7 =	vadd.f32 v7, v8  }
.Ltmp8:
0x1f8: {  	v30 =	vadd.s32 v31, v30;
	v9 =	vadd.s32 s5, v51;
	v8 =	vadd.s32 s1, v51;
	v58 =	vld.idx.msk [tilespmem:v20+s18+$0x0], $0xffff;
	(pc) =	sbr.rel @p0 .LBB2_19-.Ltmp8, $4  }
0x1f9: {  	v40 =	vadd.s32 v31, v8;
	v62 =	vadd.f32 v4, v1;
	v61 =	vld.idx.msk [tilespmem:v3+s18+$0x0], $0xffff;
	v60 =	vadd.f32 v0, v7  }
0x1fa: {  	v20 =	vadd.s32 v31, v9;
	v57 =	vmovc v6;
	v0 =	vadd.s32 s0, v51;
	v55 =	vmov v12;
	v63 =	vld.idx.msk [tilespmem:v5+s17+$0x0], $0xffff  }
0x1fb: {  	v3 =	vadd.s32 s28, v51;
	v0 =	vadd.s32 v31, v0;
	v1 =	vld.idx.msk [tilespmem:v10+s17+$0x0], $0xffff  }
0x1fc: {  	s26 =	sadd.s32 $0x8, s26;
	v50 =	vadd.s32 v31, v3;
	v10 =	vld.idx.msk [tilespmem:v13+s17+$0x0], $0xffff  }
0x1fd: {  	_ =	sdelay $0x3  }
0x1fe: {  	v3 =	vld.idx.msk [tilespmem:v30+s17+$0x0], $0xffff;
	_ =	sdelay $0x1  }
0x1ff: {  	v5 =	vld.idx.msk [tilespmem:v20+s17+$0x0], $0xffff  }
0x200: {  	v1 =	vmul.f32 v61, v1  }
0x201: {  	v7 =	vld.idx.msk [tilespmem:v50+s17+$0x0], $0xffff  }
0x202: {  	v1 =	vadd.f32 v1, v62;
	v3 =	vmul.f32 v58, v3;
	_ =	sdelay $0x1  }
0x203: {  	v4 =	vld.idx.msk [tilespmem:v40+s17+$0x0], $0xffff;
	v1 =	vadd.f32 v3, v1;
	v3 =	vmul.f32 v54, v5  }
0x204: {  	v6 =	vmul.f32 v52, v63  }
0x205: {  	v0 =	vld.idx.msk [tilespmem:v0+s17+$0x0], $0xffff;
	v1 =	vadd.f32 v3, v1;
	v3 =	vmul.f32 v55, v7  }
0x206: {  	v15 =	vld [tilespmem:$0x1FDF0];
	v8 =	vmul.f32 v59, v10;
	v6 =	vadd.f32 v6, v60  }
0x207: {  	v1 =	vadd.f32 v3, v1;
	v3 =	vld [tilespmem:$0x1FE80]  }
0x208: {  	v4 =	vmul.f32 v53, v4;
	v6 =	vadd.f32 v8, v6;
	_ =	sdelay $0x1  }
0x209: {  	v0 =	vmul.f32 v57, v0;
	v4 =	vadd.f32 v4, v6;
	_ =	sdelay $0x1  }
0x20a: {  	s12 =	simm.s32 $0x4;
	v0 =	vadd.f32 v0, v4;
	v3 =	vor.u32 v3, v15  }
0x20b: {  	s21 =	simm.s32 $0x5;
	v16 =	vor.u32 s12, v46  }
0x20c: {  	s25 =	simm.s32 $0x2;
	v26 =	vld [tilespmem:$0x1FF90];
	v17 =	vor.u32 s21, v47;
	v0 =	vadd.f32 v1, v0  }
0x20d: {  	s1 =	simm.s32 $0x6;
	v28 =	vld [tilespmem:$0x1FFA0];
	v32 =	vor.u32 s25, v44  }
0x20e: {  	s0 =	simm.s32 $0x0;
	v29 =	vld [tilespmem:$0x1FFB0];
	v1 =	vor.u32 s1, v48;
	[tilespmem:s24+$0xE30] =	vst v0  }
0x20f: {  	s26 =	simm.s32 $0x3;
	v0 =	vor.u32 s0, v42;
	v50 =	vld.idx.msk [tilespmem:v3+s11+$0x0], $0xffff  }
0x210: {  	s5 =	simm.s32 $0x7;
	v8 =	vor.u32 s26, v45;
	v52 =	vld.idx.msk [tilespmem:v16+s18+$0x0], $0xffff  }
0x211: {  	v53 =	vld.idx.msk [tilespmem:v17+s18+$0x0], $0xffff;
	v3 =	vor.u32 s5, v49  }
0x212: {  	s31 =	simm.s32 $0x1;
	v58 =	vld.idx.msk [tilespmem:v32+s18+$0x0], $0xffff  }
0x213: {  	v56 =	vld.idx.msk [tilespmem:v1+s18+$0x0], $0xffff;
	v1 =	vor.u32 s31, v43  }
0x214: {  	v51 =	vld.idx.msk [tilespmem:v0+s18+$0x0], $0xffff;
	v0 =	vand.u32 $0x7, v50;
	v33 =	vadd.s32 s0, v50  }
0x215: {  	v57 =	vld.idx.msk [tilespmem:v8+s18+$0x0], $0xffff;
	v55 =	vor.u32 v41, v0;
	v0 =	vand.u32 $0xFFFFFFF8, v33  }
0x216: {  	v54 =	vld.idx.msk [tilespmem:v3+s18+$0x0], $0xffff;
	v3 =	vadd.s32 s31, v50;
	v0 =	vadd.s32 v55, v0  }
0x217: {  	v32 =	vld [tilespmem:$0x1FFC0];
	v34 =	vadd.s32 s25, v50;
	v3 =	vadd.s32 v41, v3  }
0x218: {  	v60 =	vld.idx.msk [tilespmem:v1+s18+$0x0], $0xffff;
	v35 =	vadd.s32 s26, v50;
	v4 =	vadd.s32 v41, v34  }
0x219: {  	v40 =	vadd.s32 s12, v50;
	v30 =	vadd.s32 v41, v35;
	v33 =	vld [tilespmem:$0x1FFD0]  }
0x21a: {  	v1 =	vadd.s32 s21, v50;
	v40 =	vadd.s32 v41, v40;
	v34 =	vld [tilespmem:$0x1FFE0]  }
0x21b: {  	v20 =	vadd.s32 v41, v1;
	v62 =	vld.idx.msk [tilespmem:v0+s17+$0x0], $0xffff;
	v0 =	vadd.s32 s1, v50  }
0x21c: {  	v1 =	vld.idx.msk [tilespmem:v3+s17+$0x0], $0xffff;
	v3 =	vadd.s32 s5, v50;
	v0 =	vadd.s32 v41, v0  }
0x21d: {  	v61 =	vimm.f32 $0.0e+00;
	v59 =	vimm.f32 $0.0e+00;
	s25 =	simm.s32 $0x0;
	s26 =	simm.s32 $0x8;
	v10 =	vld.idx.msk [tilespmem:v4+s17+$0x0], $0xffff;
	v63 =	vadd.s32 v41, v3  }
.LBB2_21:
0x21e: {  	v3 =	vor.u32 s26, v42;
	s0 =	sadd.s32 $0x6, s26;
	v4 =	vld.idx.msk [tilespmem:v30+s17+$0x0], $0xffff  }
0x21f: {  	v5 =	vadd.s32 s26, v50;
	s1 =	sadd.s32 $0x4, s26;
	s5 =	sadd.s32 $0x5, s26;
	s28 =	sadd.s32 $0x7, s26;
	v6 =	vor.u32 s0, v48;
	v7 =	vld.idx.msk [tilespmem:v40+s17+$0x0], $0xffff  }
0x220: {  	s12 =	sadd.s32 $0x2, s26;
	s21 =	sadd.s32 $0x3, s26;
	v8 =	vor.u32 s1, v46;
	v9 =	vor.u32 s5, v47;
	v12 =	vor.u32 s28, v49;
	v13 =	vld.idx.msk [tilespmem:v20+s17+$0x0], $0xffff  }
0x221: {  	v14 =	vadd.s32 s12, v50;
	v15 =	vor.u32 s12, v44;
	v20 =	vor.u32 s21, v45;
	v0 =	vld.idx.msk [tilespmem:v0+s17+$0x0], $0xffff  }
0x222: {  	s12 =	sadd.s32 $0x1, s26;
	v30 =	vadd.s32 s21, v50;
	v40 =	vmul.f32 v51, v62;
	v1 =	vmul.f32 v60, v1;
	v60 =	vld.idx.msk [tilespmem:v63+s17+$0x0], $0xffff  }
0x223: {  	v5 =	vand.u32 $0xFFFFFFF8, v5;
	v10 =	vmul.f32 v58, v10;
	v51 =	vld.idx.msk [tilespmem:v3+s18+$0x0], $0xffff;
	v3 =	vor.u32 s12, v43  }
0x224: {  	v40 =	vadd.f32 v40, v59;
	v1 =	vadd.f32 v1, v61;
	v4 =	vmul.f32 v57, v4;
	v6 =	vld.idx.msk [tilespmem:v6+s18+$0x0], $0xffff  }
0x225: {  	s25 =	sadd.s32 $0x4, s25;
	v5 =	vadd.s32 v55, v5;
	v57 =	vadd.s32 s12, v50;
	v7 =	vmul.f32 v52, v7;
	v12 =	vld.idx.msk [tilespmem:v12+s18+$0x0], $0xffff  }
0x226: {  	p0 =	slt.u32 s25, $0x1C;
	v1 =	vadd.f32 v4, v1;
	v4 =	vmul.f32 v53, v13;
	v52 =	vld.idx.msk [tilespmem:v8+s18+$0x0], $0xffff;
	v8 =	vadd.f32 v10, v40  }
0x227: {  	v13 =	vadd.s32 v41, v14;
	v10 =	vadd.s32 v41, v57;
	v0 =	vmul.f32 v56, v0;
	v53 =	vld.idx.msk [tilespmem:v9+s18+$0x0], $0xffff  }
0x228: {  	v1 =	vadd.f32 v4, v1;
	v4 =	vmul.f32 v54, v60;
	v58 =	vld.idx.msk [tilespmem:v15+s18+$0x0], $0xffff;
	v7 =	vadd.f32 v7, v8  }
.Ltmp9:
0x229: {  	v30 =	vadd.s32 v41, v30;
	v9 =	vadd.s32 s5, v50;
	v8 =	vadd.s32 s1, v50;
	v57 =	vld.idx.msk [tilespmem:v20+s18+$0x0], $0xffff;
	(pc) =	sbr.rel @p0 .LBB2_21-.Ltmp9, $4  }
0x22a: {  	v40 =	vadd.s32 v41, v8;
	v61 =	vadd.f32 v4, v1;
	v60 =	vld.idx.msk [tilespmem:v3+s18+$0x0], $0xffff;
	v59 =	vadd.f32 v0, v7  }
0x22b: {  	v20 =	vadd.s32 v41, v9;
	v56 =	vmovc v6;
	v0 =	vadd.s32 s0, v50;
	v54 =	vmov v12;
	v62 =	vld.idx.msk [tilespmem:v5+s17+$0x0], $0xffff  }
0x22c: {  	v3 =	vadd.s32 s28, v50;
	v0 =	vadd.s32 v41, v0;
	v1 =	vld.idx.msk [tilespmem:v10+s17+$0x0], $0xffff  }
0x22d: {  	s26 =	sadd.s32 $0x8, s26;
	v63 =	vadd.s32 v41, v3;
	v10 =	vld.idx.msk [tilespmem:v13+s17+$0x0], $0xffff  }
0x22e: {  	_ =	sdelay $0x3  }
0x22f: {  	v3 =	vld.idx.msk [tilespmem:v30+s17+$0x0], $0xffff  }
0x230: {  	v4 =	vld.idx.msk [tilespmem:v40+s17+$0x0], $0xffff  }
0x231: {  	v5 =	vld.idx.msk [tilespmem:v20+s17+$0x0], $0xffff  }
0x232: {  	v0 =	vld.idx.msk [tilespmem:v0+s17+$0x0], $0xffff;
	v6 =	vmul.f32 v51, v62;
	v1 =	vmul.f32 v60, v1  }
0x233: {  	v7 =	vld.idx.msk [tilespmem:v63+s17+$0x0], $0xffff;
	v8 =	vmul.f32 v58, v10  }
0x234: {  	v6 =	vadd.f32 v6, v59;
	v1 =	vadd.f32 v1, v61;
	v3 =	vmul.f32 v57, v3  }
0x235: {  	v4 =	vmul.f32 v52, v4  }
0x236: {  	v6 =	vadd.f32 v8, v6;
	v1 =	vadd.f32 v3, v1;
	v3 =	vmul.f32 v53, v5  }
0x237: {  	v9 =	vld [tilespmem:$0x1FEF0];
	v0 =	vmul.f32 v56, v0  }
0x238: {  	s23 =	sadd.s32 $0x1, s23;
	v12 =	vld [tilespmem:$0x1FF00];
	v4 =	vadd.f32 v4, v6;
	v1 =	vadd.f32 v3, v1;
	v3 =	vmul.f32 v54, v7  }
0x239: {  	p0 =	sne.s32 s23, $0x10;
	v8 =	vld [tilespmem:$0x1FEE0]  }
.Ltmp10:
0x23a: {  	v5 =	vld [tilespmem:$0x1FEB0];
	v0 =	vadd.f32 v0, v4;
	v1 =	vadd.f32 v3, v1;
	(pc) =	sbr.rel @p0 .LBB2_2-.Ltmp10, $4  }
0x23b: {  	v6 =	vld [tilespmem:$0x1FEC0]  }
0x23c: {  	v7 =	vld [tilespmem:$0x1FED0];
	v0 =	vadd.f32 v1, v0  }
0x23d: {  	v4 =	vld [tilespmem:$0x1FEA0]  }
0x23e: {  	v3 =	vld [tilespmem:$0x1FE90];
	[tilespmem:s24+$0xE40] =	vst v0  }
0x23f: {  	_ =	swait.ge [sflag:s19], $0x800  }
0x240: {  	[sflag:s19] =	ssyncset.done $0x0  }
0x241: {  	[sflag:s19] =	ssyncadd.s32 $0xFFFFF800  }
0x242: {  	s22 =	sadd.s32 $0x1, s22;
	_ =	swait.ge [sflag:s20], $0x1400  }
0x243: {  	p0 =	sne.s32 s22, s9;
	[sflag:s20] =	ssyncset.done $0x0  }
.Ltmp11:
0x244: {  	s0 =	simm.s32 $0xE00;
	[sflag:s20] =	ssyncadd.s32 $0xFFFFEC00;
	(pc) =	sbr.rel @p0 .LBB2_1-.Ltmp11, $4  }
0x245: {  	[hbm4b:s8+s2] =	stream.linear.scatter [tilespmem:s0], [sflag:$0x3], $0xA00, $0x38;
	[tilespmem:$0x5000] =	vst v63  }
0x246: {  	_ =	swait.ge [sflag:s10], $0xA00  }
0x247: {  	[sflag:s10] =	ssyncset.done $0x0  }
0x248: {  	[sflag:s10] =	ssyncadd.s32 $0xFFFFF600  }
0x249: {  	_ =	sfence.sel $0x180000  }
0x24a: {  	[bflag:$0x0] =	sbarrier.arrive $0xFFFF  }
0x24b: {  	_ =	strace $0x90000047  }
0x24c: {  	s0 =	stileid.u32;
	[bflag:$0x2] =	sbarrier.arrive $0xFFFF  }
0x24d: {  	p0 =	sne.s32 s0, $0x0;
	s0 =	rddreg [dreg:$0x2]  }
0x24e: {  	s0 =	sadd.s32 @!p0 $0x100000, s0  }
0x24f: {  	[sflag:s0] =	ssyncadd.tile.s32 @!p0 $0x1;
	_ =	shalt  }
.Lfunc_end2:
_tile_overlayer_lowered:
.L_overlay_start_2:
0x250: {  	(tag) =	ssettag $0x2  }
0x251: {  	s0 =	rddreg [dreg:$0x0];
	s2 =	stileid.u32  }
0x252: {  	s1 =	rddreg [dreg:$0x1];
	p0 =	sne.s32 s2, $0x0  }
0x253: {  	s3 =	rddreg [dreg:$0x2];
	[bflag:$0x3] =	sbarrier.arrive $0xFFFF;
	s2 =	simm.s32 @!p0 $0x1C03  }
0x254: {  	[timem:s3], [sflag:s2] =	dma.local @!p0 [hbm:s0], s1  }
0x255: {  	s0 =	simm.s32 @!p0 $0x3  }
0x256: {  	_ =	swait.ge @!p0 [sflag:s0], s1  }
0x257: {  	s1 =	ssub.s32 @!p0 $0x0, s1;
	[sflag:s0] =	ssyncset.done @!p0 $0x0  }
0x258: {  	[sflag:s0] =	ssyncadd.s32 @!p0 s1  }
0x259: {  	[bflag:$0x3] =	sbarrier.arrive $0xFFFF  }
0x25a: {  	_ =	shalt  }

</sc_bundles>
